<compile_context>
chip_gen: v7x
topology: tpu7x:2x2x1
jax: 0.10.2.dev20260603
libtpu: 0.0.44.dev20260713+nightly
codegen_flags: <defaults>
</compile_context>

<pallas_src>
import jax
import jax.numpy as jnp
from jax import lax
from jax.experimental import pallas as pl
from jax.experimental.pallas import tpu as pltpu
from jax.experimental.pallas import tpu_sc as plsc

N = 10000
E = 320000
D = 128
DE = 16

NC = 2
NS = 16
NW = NC * NS
EPW = E // NW

GCB = 80
NGC = EPW // GCB

SCB = 80
NSC = EPW // SCB

NPAD = 10240
RPS = NPAD // NS

_PB = 400


def _prep_body(h_ref, w0t_ref, b0_ref, wd_ref, bd_ref, wsrc_ref,
               out_ref, td_ref, ts_ref):
    hb = h_ref[...]
    ob = jax.nn.softplus(
        jnp.dot(hb, w0t_ref[...], preferred_element_type=jnp.float32)
        + b0_ref[...])
    out_ref[...] = ob
    td_ref[...] = (jnp.dot(ob, wd_ref[...], preferred_element_type=jnp.float32)
                   + bd_ref[...])
    ts_ref[...] = jnp.dot(ob, wsrc_ref[...], preferred_element_type=jnp.float32)


_GNB = 2


def _gather_body(td_hbm, ts_hbm, dst3_hbm, src3_hbm, g_hbm,
                 idxd2, idxs2, rds, rss, gsems, wsems):
    c = lax.axis_index("c")
    s = lax.axis_index("s")
    wid = c * NS + s
    ebase = wid * EPW

    pltpu.sync_copy(dst3_hbm.at[wid], idxd2)
    pltpu.sync_copy(src3_hbm.at[wid], idxs2)

    def issue(k, b):
        dd = pltpu.async_copy(td_hbm.at[idxd2.at[k]], rds[b], gsems[b])
        ds = pltpu.async_copy(ts_hbm.at[idxs2.at[k]], rss[b], gsems[b])
        return dd, ds

    def add(b):
        rd, rs = rds[b], rss[b]

        def ab(e, carry):
            for gg in range(16):
                sl = pl.ds(gg * 16, 16)
                rd[e, sl] = rd[e, sl] + rs[e, sl]
            return carry
        lax.fori_loop(0, GCB, ab, 0)

    def drain_write(b):
        pltpu.make_async_copy(rds[b], g_hbm.at[pl.ds(0, GCB)], wsems[b]).wait()

    def body(i, carry):
        k0 = i * _GNB

        @pl.when(i > 0)
        def _():
            for b in range(_GNB):
                drain_write(b)

        descs = [issue(k0 + b, b) for b in range(_GNB)]
        for b in range(_GNB):
            descs[b][0].wait()
            descs[b][1].wait()
            add(b)
            pltpu.async_copy(
                rds[b], g_hbm.at[pl.ds(ebase + (k0 + b) * GCB, GCB)], wsems[b])
        return carry

    lax.fori_loop(0, NGC // _GNB, body, 0)
    for b in range(NGC % _GNB):
        k = (NGC // _GNB) * _GNB + b
        drain_write(b)
        da, db = issue(k, b)
        da.wait()
        db.wait()
        add(b)
        pltpu.async_copy(
            rds[b], g_hbm.at[pl.ds(ebase + k * GCB, GCB)], wsems[b])
    for b in range(_GNB):
        if b >= NGC % _GNB:
            drain_write(b)
    for b in range(NGC % _GNB):
        drain_write(b)


_MB = 2000


def _math_body(g_ref, ea_ref, w2_ref, w16_ref, sb_ref, m_ref):
    eav = jax.nn.softplus(
        jnp.sum(ea_ref[...] * w16_ref[...], axis=1, keepdims=True)
        + sb_ref[0, 0])
    z = g_ref[...] + eav * w2_ref[...]
    m_ref[...] = jax.nn.sigmoid(z[:, :D]) * jax.nn.softplus(z[:, D:])


def _scatter_body(m_hbm, dsc3_hbm, z_hbm, part_hbm,
                  idx2, mb0, mb1, sem0, sem1, agg_sh):
    c = lax.axis_index("c")
    s = lax.axis_index("s")
    wid = c * NS + s
    row0 = s * RPS
    ebase = wid * EPW

    pltpu.sync_copy(z_hbm.at[pl.ds(row0, RPS)], agg_sh.at[pl.ds(row0, RPS)])
    pltpu.sync_copy(dsc3_hbm.at[wid], idx2)
    plsc.subcore_barrier()

    def load(k, mb, sem):
        return pltpu.async_copy(m_hbm.at[pl.ds(ebase + k * SCB, SCB)], mb, sem)

    def body(i, carry):
        k0 = i * 2
        k1 = k0 + 1
        d0 = load(k0, mb0, sem0)
        d1 = load(k1, mb1, sem1)
        d0.wait()
        pltpu.sync_copy(mb0, agg_sh.at[idx2.at[k0]], add=True)
        d1.wait()
        pltpu.sync_copy(mb1, agg_sh.at[idx2.at[k1]], add=True)
        return carry

    lax.fori_loop(0, NSC // 2, body, 0)
    load(NSC - 1, mb0, sem0).wait()
    pltpu.sync_copy(mb0, agg_sh.at[idx2.at[NSC - 1]], add=True)

    plsc.subcore_barrier()
    pltpu.sync_copy(agg_sh.at[pl.ds(row0, RPS)],
                    part_hbm.at[c, pl.ds(row0, RPS)])


def _fin_body(p0_ref, p1_ref, out_ref_in, g_ref, b_ref, y_ref):
    agg = p0_ref[...] + p1_ref[...]
    mean = jnp.mean(agg, axis=0, keepdims=True)
    var = jnp.mean((agg - mean) ** 2, axis=0, keepdims=True)
    bn = (agg - mean) * lax.rsqrt(var + 1e-5) * g_ref[...] + b_ref[...]
    y_ref[...] = 2.0 * out_ref_in[...] + bn


def kernel(h, edge_index, edge_weight, edge_attr, data, lin0_W, lin0_b,
           short_W, short_b, Wf, bf, Ws, bs, bn_gamma, bn_beta):
    w0t = lin0_W.T
    wd = jnp.concatenate([Wf[:, :D].T, Ws[:, :D].T], axis=1)
    bd = jnp.concatenate([bf, bs])[None, :]
    wsrc = jnp.concatenate([Wf[:, D:2 * D].T, Ws[:, D:2 * D].T], axis=1)
    w2 = jnp.concatenate([Wf[:, 2 * D], Ws[:, 2 * D]])[None, :]
    src = edge_index[0]
    dst = edge_index[1]
    b0 = lin0_b[None, :]

    out, td, ts = pl.pallas_call(
        _prep_body,
        grid=(N // _PB,),
        in_specs=[
            pl.BlockSpec((_PB, D), lambda i: (i, 0)),
            pl.BlockSpec((D, D), lambda i: (0, 0)),
            pl.BlockSpec((1, D), lambda i: (0, 0)),
            pl.BlockSpec((D, 2 * D), lambda i: (0, 0)),
            pl.BlockSpec((1, 2 * D), lambda i: (0, 0)),
            pl.BlockSpec((D, 2 * D), lambda i: (0, 0)),
        ],
        out_specs=[
            pl.BlockSpec((_PB, D), lambda i: (i, 0)),
            pl.BlockSpec((_PB, 2 * D), lambda i: (i, 0)),
            pl.BlockSpec((_PB, 2 * D), lambda i: (i, 0)),
        ],
        out_shape=[
            jax.ShapeDtypeStruct((N, D), jnp.float32),
            jax.ShapeDtypeStruct((N, 2 * D), jnp.float32),
            jax.ShapeDtypeStruct((N, 2 * D), jnp.float32),
        ],
    )(h, w0t, b0, wd, bd, wsrc)

    dst3 = dst.reshape(NW, NGC, GCB)
    src3 = src.reshape(NW, NGC, GCB)
    g = pl.kernel(
        _gather_body,
        out_type=jax.ShapeDtypeStruct((E, 2 * D), jnp.float32),
        mesh=plsc.VectorSubcoreMesh(core_axis_name="c", subcore_axis_name="s"),
        scratch_types=[
            pltpu.VMEM((NGC, GCB), jnp.int32),
            pltpu.VMEM((NGC, GCB), jnp.int32),
            [pltpu.VMEM((GCB, 2 * D), jnp.float32)] * _GNB,
            [pltpu.VMEM((GCB, 2 * D), jnp.float32)] * _GNB,
            [pltpu.SemaphoreType.DMA] * _GNB,
            [pltpu.SemaphoreType.DMA] * _GNB,
        ],
    )(td, ts, dst3, src3)

    m = pl.pallas_call(
        _math_body,
        grid=(E // _MB,),
        in_specs=[
            pl.BlockSpec((_MB, 2 * D), lambda i: (i, 0)),
            pl.BlockSpec((_MB, DE), lambda i: (i, 0)),
            pl.BlockSpec((1, 2 * D), lambda i: (0, 0)),
            pl.BlockSpec((1, DE), lambda i: (0, 0)),
            pl.BlockSpec((1, 1), lambda i: (0, 0)),
        ],
        out_specs=pl.BlockSpec((_MB, D), lambda i: (i, 0)),
        out_shape=jax.ShapeDtypeStruct((E, D), jnp.float32),
    )(g, edge_attr, w2, short_W, short_b[None, :])

    zeros = jnp.zeros((NPAD, D), jnp.float32)
    dsc3 = dst.reshape(NW, NSC, SCB)
    parts = pl.kernel(
        _scatter_body,
        out_type=jax.ShapeDtypeStruct((NC, NPAD, D), jnp.float32),
        mesh=plsc.VectorSubcoreMesh(core_axis_name="c", subcore_axis_name="s"),
        scratch_types=[
            pltpu.VMEM((NSC, SCB), jnp.int32),
            pltpu.VMEM((SCB, D), jnp.float32),
            pltpu.VMEM((SCB, D), jnp.float32),
            pltpu.SemaphoreType.DMA,
            pltpu.SemaphoreType.DMA,
            pltpu.VMEM_SHARED((NPAD, D), jnp.float32),
        ],
    )(m, dsc3, zeros)

    y = pl.pallas_call(
        _fin_body,
        out_shape=jax.ShapeDtypeStruct((N, D), jnp.float32),
    )(parts[0, :N], parts[1, :N], out, bn_gamma[None, :], bn_beta[None, :])
    return y

# --- scband reference (transcript-rebuilt; emitter-appended) ---
"""Pipeline reference for scband-interactions-3856880632376 (READ-ONLY COPY).

The authoritative reference and input builder live on the scoring server;
editing this copy changes nothing except your own understanding.
"""

import jax, jax.numpy as jnp
import numpy as np

N = 10000
E = 320000
D = 128
DE = 16

def setup_inputs(seed: int = 0) -> dict:
    key = jax.random.key(seed)
    ks = jax.random.split(key, 10)
    h = jax.random.normal(ks[0], (N, D), dtype=jnp.float32)
    edge_index = jax.random.randint(ks[1], (2, E), 0, N, dtype=jnp.int32)
    edge_weight = jax.random.uniform(ks[2], (E,), dtype=jnp.float32)
    edge_attr = jax.random.normal(ks[3], (E, DE), dtype=jnp.float32)
    data = jnp.zeros((1,), dtype=jnp.float32)
    lin0_W = jax.random.normal(ks[4], (D, D), dtype=jnp.float32) * (1.0 / np.sqrt(D))
    lin0_b = jnp.zeros((D,), dtype=jnp.float32)
    short_W = jax.random.normal(ks[5], (1, DE), dtype=jnp.float32) * (1.0 / np.sqrt(DE))
    short_b = jnp.zeros((1,), dtype=jnp.float32)
    Wf = jax.random.normal(ks[6], (D, 2 * D + 1), dtype=jnp.float32) * (1.0 / np.sqrt(2 * D + 1))
    bf = jnp.zeros((D,), dtype=jnp.float32)
    Ws = jax.random.normal(ks[7], (D, 2 * D + 1), dtype=jnp.float32) * (1.0 / np.sqrt(2 * D + 1))
    bs = jnp.zeros((D,), dtype=jnp.float32)
    bn_gamma = jnp.ones((D,), dtype=jnp.float32)
    bn_beta = jnp.zeros((D,), dtype=jnp.float32)
    return {"h": h, "edge_index": edge_index, "edge_weight": edge_weight, "edge_attr": edge_attr, "data": data, "lin0_W": lin0_W, "lin0_b": lin0_b, "short_W": short_W, "short_b": short_b, "Wf": Wf, "bf": bf, "Ws": Ws, "bs": bs, "bn_gamma": bn_gamma, "bn_beta": bn_beta}

def reference(h, edge_index, edge_weight, edge_attr, data, lin0_W, lin0_b, short_W, short_b, Wf, bf, Ws, bs, bn_gamma, bn_beta):
    # out = softplus(lin0(h))
    out = jax.nn.softplus(h @ lin0_W.T + lin0_b)
    # edge_attr = softplus(short(edge_attr)) -> [E, 1]
    ea = jax.nn.softplus(edge_attr @ short_W.T + short_b)
    src = edge_index[0]
    dst = edge_index[1]
    # CGConv message: z = cat([x_i, x_j, edge_attr]); sigmoid(lin_f(z)) * softplus(lin_s(z))
    x_i = jnp.take(out, dst, axis=0)
    x_j = jnp.take(out, src, axis=0)
    z = jnp.concatenate([x_i, x_j, ea], axis=-1)
    m = jax.nn.sigmoid(z @ Wf.T + bf) * jax.nn.softplus(z @ Ws.T + bs)
    # aggr='add' at destination nodes
    agg = jax.ops.segment_sum(m, dst, num_segments=N)
    # BatchNorm1d (training-mode batch statistics, biased variance)
    mean = jnp.mean(agg, axis=0)
    var = jnp.mean((agg - mean) ** 2, axis=0)
    bn = (agg - mean) / jnp.sqrt(var + 1e-5) * bn_gamma + bn_beta
    # CGConv: bn + x ; _Interactions: out = out + conv(out,...)
    conv_out = bn + out
    return out + conv_out

if __name__ == "__main__":
    import jax
    _d = setup_inputs()
    print(jax.jit(kernel)(*tuple(_d.values())))

</pallas_src>

<mosaic_0001>
#map = affine_map<(d0, d1) -> (0, 0)>
#map1 = affine_map<(d0, d1) -> (0, 0, 0)>
module attributes {stable_mosaic.version = 14 : i64} {
  func.func @_gather_body(%arg0: i32, %arg1: i32, %arg2: memref<10000x256xf32, #tpu.memory_space<hbm>>, %arg3: memref<10000x256xf32, #tpu.memory_space<hbm>>, %arg4: memref<32x125x80xi32, #tpu.memory_space<hbm>>, %arg5: memref<32x125x80xi32, #tpu.memory_space<hbm>>, %arg6: memref<320000x256xf32, #tpu.memory_space<hbm>>, %arg7: memref<125x80xi32, #tpu.memory_space<vmem>>, %arg8: memref<125x80xi32, #tpu.memory_space<vmem>>, %arg9: memref<80x256xf32, #tpu.memory_space<vmem>>, %arg10: memref<80x256xf32, #tpu.memory_space<vmem>>, %arg11: memref<80x256xf32, #tpu.memory_space<vmem>>, %arg12: memref<80x256xf32, #tpu.memory_space<vmem>>, %arg13: memref<!tpu.dma_semaphore, #tpu.memory_space<semaphore_mem>>, %arg14: memref<!tpu.dma_semaphore, #tpu.memory_space<semaphore_mem>>, %arg15: memref<!tpu.dma_semaphore, #tpu.memory_space<semaphore_mem>>, %arg16: memref<!tpu.dma_semaphore, #tpu.memory_space<semaphore_mem>>) attributes {dimension_semantics = [#tpu.dimension_semantics<core_parallel>, #tpu.dimension_semantics<subcore_parallel>], iteration_bounds = array<i64: 2, 16>, scalar_prefetch = 0 : i64, scratch_operands = 10 : i64, tpu.core_type = #tpu.core_type<sc_vector_subcore>, window_params = [{transform_indices = #map}, {transform_indices = #map}, {transform_indices = #map1}, {transform_indices = #map1}, {transform_indices = #map}]} {
    %mul3A = arith.constant 16 : i32
    %mul3A_0 = arith.muli %arg0, %mul3A : i32
    %add3A = arith.addi %mul3A_0, %arg1 : i32
    %mul3A_1 = arith.constant 10000 : i32
    %mul3A_2 = arith.muli %add3A, %mul3A_1 : i32
    "tpu.region"() ({
      %run_scoped3A = tpu.sem_alloc : memref<!tpu.dma_semaphore, #tpu.memory_space<semaphore_mem>>
      %dma_start3A_64 = arith.constant 0 : i32
      %dma_start3A_65 = arith.constant 0 : i32
      %dma_start3A_66 = tpu.memref_slice %arg4[%add3A, %dma_start3A_64, %dma_start3A_65] : memref<32x125x80xi32, #tpu.memory_space<hbm>> -> memref<1x125x80xi32, #tpu.memory_space<hbm>>
      %dma_start3A_67 = tpu.memref_squeeze %dma_start3A_66 : memref<1x125x80xi32, #tpu.memory_space<hbm>> -> memref<125x80xi32, #tpu.memory_space<hbm>>
      %dma_start3A_68 = arith.constant 0 : i32
      %dma_start3A_69 = arith.constant 0 : i32
      %dma_start3A_70 = tpu.memref_slice %arg4[%add3A, %dma_start3A_68, %dma_start3A_69] : memref<32x125x80xi32, #tpu.memory_space<hbm>> -> memref<1x125x80xi32, #tpu.memory_space<hbm>>
      %dma_start3A_71 = tpu.memref_squeeze %dma_start3A_70 : memref<1x125x80xi32, #tpu.memory_space<hbm>> -> memref<125x80xi32, #tpu.memory_space<hbm>>
      tpu.enqueue_dma source(%dma_start3A_71 : memref<125x80xi32, #tpu.memory_space<hbm>>) target(%arg7 : memref<125x80xi32, #tpu.memory_space<vmem>>) target_semaphore(%run_scoped3A : memref<!tpu.dma_semaphore, #tpu.memory_space<semaphore_mem>>)
      %dma_wait3A_72 = arith.constant 0 : i32
      %dma_wait3A_73 = arith.constant 0 : i32
      %dma_wait3A_74 = tpu.memref_slice %arg4[%add3A, %dma_wait3A_72, %dma_wait3A_73] : memref<32x125x80xi32, #tpu.memory_space<hbm>> -> memref<1x125x80xi32, #tpu.memory_space<hbm>>
      %dma_wait3A_75 = tpu.memref_squeeze %dma_wait3A_74 : memref<1x125x80xi32, #tpu.memory_space<hbm>> -> memref<125x80xi32, #tpu.memory_space<hbm>>
      %dma_wait3A_76 = arith.constant 0 : i32
      %dma_wait3A_77 = arith.constant 0 : i32
      %dma_wait3A_78 = tpu.memref_slice %arg4[%add3A, %dma_wait3A_76, %dma_wait3A_77] : memref<32x125x80xi32, #tpu.memory_space<hbm>> -> memref<1x125x80xi32, #tpu.memory_space<hbm>>
      %dma_wait3A_79 = tpu.memref_squeeze %dma_wait3A_78 : memref<1x125x80xi32, #tpu.memory_space<hbm>> -> memref<125x80xi32, #tpu.memory_space<hbm>>
      tpu.wait_dma2 semaphore(%run_scoped3A : memref<!tpu.dma_semaphore, #tpu.memory_space<semaphore_mem>>) src(%dma_wait3A_79 : memref<125x80xi32, #tpu.memory_space<hbm>>) dst(%arg7 : memref<125x80xi32, #tpu.memory_space<vmem>>)
      tpu.yield
    }) : () -> ()
    "tpu.region"() ({
      %run_scoped3A = tpu.sem_alloc : memref<!tpu.dma_semaphore, #tpu.memory_space<semaphore_mem>>
      %dma_start3A_64 = arith.constant 0 : i32
      %dma_start3A_65 = arith.constant 0 : i32
      %dma_start3A_66 = tpu.memref_slice %arg5[%add3A, %dma_start3A_64, %dma_start3A_65] : memref<32x125x80xi32, #tpu.memory_space<hbm>> -> memref<1x125x80xi32, #tpu.memory_space<hbm>>
      %dma_start3A_67 = tpu.memref_squeeze %dma_start3A_66 : memref<1x125x80xi32, #tpu.memory_space<hbm>> -> memref<125x80xi32, #tpu.memory_space<hbm>>
      %dma_start3A_68 = arith.constant 0 : i32
      %dma_start3A_69 = arith.constant 0 : i32
      %dma_start3A_70 = tpu.memref_slice %arg5[%add3A, %dma_start3A_68, %dma_start3A_69] : memref<32x125x80xi32, #tpu.memory_space<hbm>> -> memref<1x125x80xi32, #tpu.memory_space<hbm>>
      %dma_start3A_71 = tpu.memref_squeeze %dma_start3A_70 : memref<1x125x80xi32, #tpu.memory_space<hbm>> -> memref<125x80xi32, #tpu.memory_space<hbm>>
      tpu.enqueue_dma source(%dma_start3A_71 : memref<125x80xi32, #tpu.memory_space<hbm>>) target(%arg8 : memref<125x80xi32, #tpu.memory_space<vmem>>) target_semaphore(%run_scoped3A : memref<!tpu.dma_semaphore, #tpu.memory_space<semaphore_mem>>)
      %dma_wait3A_72 = arith.constant 0 : i32
      %dma_wait3A_73 = arith.constant 0 : i32
      %dma_wait3A_74 = tpu.memref_slice %arg5[%add3A, %dma_wait3A_72, %dma_wait3A_73] : memref<32x125x80xi32, #tpu.memory_space<hbm>> -> memref<1x125x80xi32, #tpu.memory_space<hbm>>
      %dma_wait3A_75 = tpu.memref_squeeze %dma_wait3A_74 : memref<1x125x80xi32, #tpu.memory_space<hbm>> -> memref<125x80xi32, #tpu.memory_space<hbm>>
      %dma_wait3A_76 = arith.constant 0 : i32
      %dma_wait3A_77 = arith.constant 0 : i32
      %dma_wait3A_78 = tpu.memref_slice %arg5[%add3A, %dma_wait3A_76, %dma_wait3A_77] : memref<32x125x80xi32, #tpu.memory_space<hbm>> -> memref<1x125x80xi32, #tpu.memory_space<hbm>>
      %dma_wait3A_79 = tpu.memref_squeeze %dma_wait3A_78 : memref<1x125x80xi32, #tpu.memory_space<hbm>> -> memref<125x80xi32, #tpu.memory_space<hbm>>
      tpu.wait_dma2 semaphore(%run_scoped3A : memref<!tpu.dma_semaphore, #tpu.memory_space<semaphore_mem>>) src(%dma_wait3A_79 : memref<125x80xi32, #tpu.memory_space<hbm>>) dst(%arg8 : memref<125x80xi32, #tpu.memory_space<vmem>>)
      tpu.yield
    }) : () -> ()
    %scan3A = arith.constant 0 : i32
    %scan3A_3 = arith.constant 0 : i32
    %scan3A_4 = arith.constant 62 : i32
    %scan3A_5 = arith.addi %scan3A_3, %scan3A_4 : i32
    %scan3A_6 = arith.constant 1 : i32
    scf.for %scan3A_64 = %scan3A_3 to %scan3A_5 step %scan3A_6  : i32 {
      %mul3A_65 = arith.constant 2 : i32
      %mul3A_66 = arith.muli %scan3A_64, %mul3A_65 : i32
      %gt3A = arith.constant 0 : i32
      %gt3A_67 = arith.cmpi sgt, %scan3A_64, %gt3A : i32
      %convert_element_type3A = arith.extui %gt3A_67 : i1 to i32
      %cond3A = arith.constant 0 : i32
      %cond3A_68 = arith.cmpi ne, %convert_element_type3A, %cond3A : i32
      scf.if %cond3A_68 {
        %dma_wait3A_151 = arith.constant 0 : i32
        %dma_wait3A_152 = arith.constant 0 : i32
        %dma_wait3A_153 = tpu.memref_slice %arg6[%dma_wait3A_151, %dma_wait3A_152] : memref<320000x256xf32, #tpu.memory_space<hbm>> -> memref<80x256xf32, #tpu.memory_space<hbm>>
        %dma_wait3A_154 = arith.constant 0 : i32
        %dma_wait3A_155 = arith.constant 0 : i32
        %dma_wait3A_156 = tpu.memref_slice %arg6[%dma_wait3A_154, %dma_wait3A_155] : memref<320000x256xf32, #tpu.memory_space<hbm>> -> memref<80x256xf32, #tpu.memory_space<hbm>>
        tpu.wait_dma2 semaphore(%arg15 : memref<!tpu.dma_semaphore, #tpu.memory_space<semaphore_mem>>) src(%arg9 : memref<80x256xf32, #tpu.memory_space<vmem>>) dst(%dma_wait3A_156 : memref<80x256xf32, #tpu.memory_space<hbm>>)
        %dma_wait3A_157 = arith.constant 0 : i32
        %dma_wait3A_158 = arith.constant 0 : i32
        %dma_wait3A_159 = tpu.memref_slice %arg6[%dma_wait3A_157, %dma_wait3A_158] : memref<320000x256xf32, #tpu.memory_space<hbm>> -> memref<80x256xf32, #tpu.memory_space<hbm>>
        %dma_wait3A_160 = arith.constant 0 : i32
        %dma_wait3A_161 = arith.constant 0 : i32
        %dma_wait3A_162 = tpu.memref_slice %arg6[%dma_wait3A_160, %dma_wait3A_161] : memref<320000x256xf32, #tpu.memory_space<hbm>> -> memref<80x256xf32, #tpu.memory_space<hbm>>
        tpu.wait_dma2 semaphore(%arg16 : memref<!tpu.dma_semaphore, #tpu.memory_space<semaphore_mem>>) src(%arg10 : memref<80x256xf32, #tpu.memory_space<vmem>>) dst(%dma_wait3A_162 : memref<80x256xf32, #tpu.memory_space<hbm>>)
      } else {
      }
      %add3A_69 = arith.constant 0 : i32
      %add3A_70 = arith.addi %mul3A_66, %add3A_69 : i32
      %dma_start3A_71 = arith.constant 0 : i32
      %dma_start3A_72 = tpu.memref_slice %arg7[%add3A_70, %dma_start3A_71] : memref<125x80xi32, #tpu.memory_space<vmem>> -> memref<1x80xi32, #tpu.memory_space<vmem>>
      %dma_start3A_73 = tpu.memref_squeeze %dma_start3A_72 : memref<1x80xi32, #tpu.memory_space<vmem>> -> memref<80xi32, #tpu.memory_space<vmem>>
      %dma_start3A_74 = arith.constant 0 : i32
      %dma_start3A_75 = arith.constant 0 : i32
      %dma_start3A_76 = tpu.memref_slice %arg2[%dma_start3A_74, %dma_start3A_75] : memref<10000x256xf32, #tpu.memory_space<hbm>> -> memref<10000x256xf32, #tpu.memory_space<hbm>>
      tpu.enqueue_indirect_dma source(%dma_start3A_76 : memref<10000x256xf32, #tpu.memory_space<hbm>>) target(%arg9 : memref<80x256xf32, #tpu.memory_space<vmem>>) offsets(%dma_start3A_73 : memref<80xi32, #tpu.memory_space<vmem>>) semaphore(%arg13 : memref<!tpu.dma_semaphore, #tpu.memory_space<semaphore_mem>>)
      %dma_start3A_77 = arith.constant 0 : i32
      %dma_start3A_78 = tpu.memref_slice %arg8[%add3A_70, %dma_start3A_77] : memref<125x80xi32, #tpu.memory_space<vmem>> -> memref<1x80xi32, #tpu.memory_space<vmem>>
      %dma_start3A_79 = tpu.memref_squeeze %dma_start3A_78 : memref<1x80xi32, #tpu.memory_space<vmem>> -> memref<80xi32, #tpu.memory_space<vmem>>
      %dma_start3A_80 = arith.constant 0 : i32
      %dma_start3A_81 = arith.constant 0 : i32
      %dma_start3A_82 = tpu.memref_slice %arg3[%dma_start3A_80, %dma_start3A_81] : memref<10000x256xf32, #tpu.memory_space<hbm>> -> memref<10000x256xf32, #tpu.memory_space<hbm>>
      tpu.enqueue_indirect_dma source(%dma_start3A_82 : memref<10000x256xf32, #tpu.memory_space<hbm>>) target(%arg11 : memref<80x256xf32, #tpu.memory_space<vmem>>) offsets(%dma_start3A_79 : memref<80xi32, #tpu.memory_space<vmem>>) semaphore(%arg13 : memref<!tpu.dma_semaphore, #tpu.memory_space<semaphore_mem>>)
      %add3A_83 = arith.constant 1 : i32
      %add3A_84 = arith.addi %mul3A_66, %add3A_83 : i32
      %dma_start3A_85 = arith.constant 0 : i32
      %dma_start3A_86 = tpu.memref_slice %arg7[%add3A_84, %dma_start3A_85] : memref<125x80xi32, #tpu.memory_space<vmem>> -> memref<1x80xi32, #tpu.memory_space<vmem>>
      %dma_start3A_87 = tpu.memref_squeeze %dma_start3A_86 : memref<1x80xi32, #tpu.memory_space<vmem>> -> memref<80xi32, #tpu.memory_space<vmem>>
      %dma_start3A_88 = arith.constant 0 : i32
      %dma_start3A_89 = arith.constant 0 : i32
      %dma_start3A_90 = tpu.memref_slice %arg2[%dma_start3A_88, %dma_start3A_89] : memref<10000x256xf32, #tpu.memory_space<hbm>> -> memref<10000x256xf32, #tpu.memory_space<hbm>>
      tpu.enqueue_indirect_dma source(%dma_start3A_90 : memref<10000x256xf32, #tpu.memory_space<hbm>>) target(%arg10 : memref<80x256xf32, #tpu.memory_space<vmem>>) offsets(%dma_start3A_87 : memref<80xi32, #tpu.memory_space<vmem>>) semaphore(%arg14 : memref<!tpu.dma_semaphore, #tpu.memory_space<semaphore_mem>>)
      %dma_start3A_91 = arith.constant 0 : i32
      %dma_start3A_92 = tpu.memref_slice %arg8[%add3A_84, %dma_start3A_91] : memref<125x80xi32, #tpu.memory_space<vmem>> -> memref<1x80xi32, #tpu.memory_space<vmem>>
      %dma_start3A_93 = tpu.memref_squeeze %dma_start3A_92 : memref<1x80xi32, #tpu.memory_space<vmem>> -> memref<80xi32, #tpu.memory_space<vmem>>
      %dma_start3A_94 = arith.constant 0 : i32
      %dma_start3A_95 = arith.constant 0 : i32
      %dma_start3A_96 = tpu.memref_slice %arg3[%dma_start3A_94, %dma_start3A_95] : memref<10000x256xf32, #tpu.memory_space<hbm>> -> memref<10000x256xf32, #tpu.memory_space<hbm>>
      tpu.enqueue_indirect_dma source(%dma_start3A_96 : memref<10000x256xf32, #tpu.memory_space<hbm>>) target(%arg12 : memref<80x256xf32, #tpu.memory_space<vmem>>) offsets(%dma_start3A_93 : memref<80xi32, #tpu.memory_space<vmem>>) semaphore(%arg14 : memref<!tpu.dma_semaphore, #tpu.memory_space<semaphore_mem>>)
      %dma_wait3A_97 = arith.constant 0 : i32
      %dma_wait3A_98 = tpu.memref_slice %arg7[%add3A_70, %dma_wait3A_97] : memref<125x80xi32, #tpu.memory_space<vmem>> -> memref<1x80xi32, #tpu.memory_space<vmem>>
      %dma_wait3A_99 = tpu.memref_squeeze %dma_wait3A_98 : memref<1x80xi32, #tpu.memory_space<vmem>> -> memref<80xi32, #tpu.memory_space<vmem>>
      %dma_wait3A_100 = arith.constant 0 : i32
      %dma_wait3A_101 = arith.constant 0 : i32
      %dma_wait3A_102 = tpu.memref_slice %arg2[%dma_wait3A_100, %dma_wait3A_101] : memref<10000x256xf32, #tpu.memory_space<hbm>> -> memref<10000x256xf32, #tpu.memory_space<hbm>>
      tpu.wait_indirect_dma semaphore(%arg13 : memref<!tpu.dma_semaphore, #tpu.memory_space<semaphore_mem>>) src(%dma_wait3A_102 : memref<10000x256xf32, #tpu.memory_space<hbm>>) dst(%arg9 : memref<80x256xf32, #tpu.memory_space<vmem>>)
      %dma_wait3A_103 = arith.constant 0 : i32
      %dma_wait3A_104 = tpu.memref_slice %arg8[%add3A_70, %dma_wait3A_103] : memref<125x80xi32, #tpu.memory_space<vmem>> -> memref<1x80xi32, #tpu.memory_space<vmem>>
      %dma_wait3A_105 = tpu.memref_squeeze %dma_wait3A_104 : memref<1x80xi32, #tpu.memory_space<vmem>> -> memref<80xi32, #tpu.memory_space<vmem>>
      %dma_wait3A_106 = arith.constant 0 : i32
      %dma_wait3A_107 = arith.constant 0 : i32
      %dma_wait3A_108 = tpu.memref_slice %arg3[%dma_wait3A_106, %dma_wait3A_107] : memref<10000x256xf32, #tpu.memory_space<hbm>> -> memref<10000x256xf32, #tpu.memory_space<hbm>>
      tpu.wait_indirect_dma semaphore(%arg13 : memref<!tpu.dma_semaphore, #tpu.memory_space<semaphore_mem>>) src(%dma_wait3A_108 : memref<10000x256xf32, #tpu.memory_space<hbm>>) dst(%arg11 : memref<80x256xf32, #tpu.memory_space<vmem>>)
      %scan3A_109 = arith.constant 0 : i32
      %scan3A_110 = arith.constant 0 : i32
      %scan3A_111 = arith.constant 80 : i32
      %scan3A_112 = arith.addi %scan3A_110, %scan3A_111 : i32
      %scan3A_113 = arith.constant 1 : i32
      scf.for %scan3A_151 = %scan3A_110 to %scan3A_112 step %scan3A_113  : i32 {
        %get3A = arith.index_cast %scan3A_151 : i32 to index
        %get3A_152 = arith.constant 0 : index
        %get3A_153 = tpu.vector_load %arg9[%get3A, %get3A_152] {strides = array<i32>} : memref<80x256xf32, #tpu.memory_space<vmem>>, vector<1x16xf32>,
        %get3A_154 = vector.shape_cast %get3A_153 : vector<1x16xf32> to vector<16xf32>
        %get3A_155 = arith.index_cast %scan3A_151 : i32 to index
        %get3A_156 = arith.constant 0 : index
        %get3A_157 = tpu.vector_load %arg11[%get3A_155, %get3A_156] {strides = array<i32>} : memref<80x256xf32, #tpu.memory_space<vmem>>, vector<1x16xf32>,
        %get3A_158 = vector.shape_cast %get3A_157 : vector<1x16xf32> to vector<16xf32>
        %add3A_159 = arith.addf %get3A_154, %get3A_158 : vector<16xf32>
        %swap3A = arith.index_cast %scan3A_151 : i32 to index
        %swap3A_160 = arith.constant 0 : index
        %swap3A_161 = tpu.vector_load %arg9[%swap3A, %swap3A_160] {strides = array<i32>} : memref<80x256xf32, #tpu.memory_space<vmem>>, vector<1x16xf32>,
        %swap3A_162 = vector.shape_cast %swap3A_161 : vector<1x16xf32> to vector<16xf32>
        %swap3A_163 = vector.shape_cast %add3A_159 : vector<16xf32> to vector<1x16xf32>
        tpu.vector_store %arg9[%swap3A, %swap3A_160], %swap3A_163 {strides = array<i32>} : memref<80x256xf32, #tpu.memory_space<vmem>>, vector<1x16xf32>,
        %get3A_164 = arith.index_cast %scan3A_151 : i32 to index
        %get3A_165 = arith.constant 16 : index
        %get3A_166 = tpu.vector_load %arg9[%get3A_164, %get3A_165] {strides = array<i32>} : memref<80x256xf32, #tpu.memory_space<vmem>>, vector<1x16xf32>,
        %get3A_167 = vector.shape_cast %get3A_166 : vector<1x16xf32> to vector<16xf32>
        %get3A_168 = arith.index_cast %scan3A_151 : i32 to index
        %get3A_169 = arith.constant 16 : index
        %get3A_170 = tpu.vector_load %arg11[%get3A_168, %get3A_169] {strides = array<i32>} : memref<80x256xf32, #tpu.memory_space<vmem>>, vector<1x16xf32>,
        %get3A_171 = vector.shape_cast %get3A_170 : vector<1x16xf32> to vector<16xf32>
        %add3A_172 = arith.addf %get3A_167, %get3A_171 : vector<16xf32>
        %swap3A_173 = arith.index_cast %scan3A_151 : i32 to index
        %swap3A_174 = arith.constant 16 : index
        %swap3A_175 = tpu.vector_load %arg9[%swap3A_173, %swap3A_174] {strides = array<i32>} : memref<80x256xf32, #tpu.memory_space<vmem>>, vector<1x16xf32>,
        %swap3A_176 = vector.shape_cast %swap3A_175 : vector<1x16xf32> to vector<16xf32>
        %swap3A_177 = vector.shape_cast %add3A_172 : vector<16xf32> to vector<1x16xf32>
        tpu.vector_store %arg9[%swap3A_173, %swap3A_174], %swap3A_177 {strides = array<i32>} : memref<80x256xf32, #tpu.memory_space<vmem>>, vector<1x16xf32>,
        %get3A_178 = arith.index_cast %scan3A_151 : i32 to index
        %get3A_179 = arith.constant 32 : index
        %get3A_180 = tpu.vector_load %arg9[%get3A_178, %get3A_179] {strides = array<i32>} : memref<80x256xf32, #tpu.memory_space<vmem>>, vector<1x16xf32>,
        %get3A_181 = vector.shape_cast %get3A_180 : vector<1x16xf32> to vector<16xf32>
        %get3A_182 = arith.index_cast %scan3A_151 : i32 to index
        %get3A_183 = arith.constant 32 : index
        %get3A_184 = tpu.vector_load %arg11[%get3A_182, %get3A_183] {strides = array<i32>} : memref<80x256xf32, #tpu.memory_space<vmem>>, vector<1x16xf32>,
        %get3A_185 = vector.shape_cast %get3A_184 : vector<1x16xf32> to vector<16xf32>
        %add3A_186 = arith.addf %get3A_181, %get3A_185 : vector<16xf32>
        %swap3A_187 = arith.index_cast %scan3A_151 : i32 to index
        %swap3A_188 = arith.constant 32 : index
        %swap3A_189 = tpu.vector_load %arg9[%swap3A_187, %swap3A_188] {strides = array<i32>} : memref<80x256xf32, #tpu.memory_space<vmem>>, vector<1x16xf32>,
        %swap3A_190 = vector.shape_cast %swap3A_189 : vector<1x16xf32> to vector<16xf32>
        %swap3A_191 = vector.shape_cast %add3A_186 : vector<16xf32> to vector<1x16xf32>
        tpu.vector_store %arg9[%swap3A_187, %swap3A_188], %swap3A_191 {strides = array<i32>} : memref<80x256xf32, #tpu.memory_space<vmem>>, vector<1x16xf32>,
        %get3A_192 = arith.index_cast %scan3A_151 : i32 to index
        %get3A_193 = arith.constant 48 : index
        %get3A_194 = tpu.vector_load %arg9[%get3A_192, %get3A_193] {strides = array<i32>} : memref<80x256xf32, #tpu.memory_space<vmem>>, vector<1x16xf32>,
        %get3A_195 = vector.shape_cast %get3A_194 : vector<1x16xf32> to vector<16xf32>
        %get3A_196 = arith.index_cast %scan3A_151 : i32 to index
        %get3A_197 = arith.constant 48 : index
        %get3A_198 = tpu.vector_load %arg11[%get3A_196, %get3A_197] {strides = array<i32>} : memref<80x256xf32, #tpu.memory_space<vmem>>, vector<1x16xf32>,
        %get3A_199 = vector.shape_cast %get3A_198 : vector<1x16xf32> to vector<16xf32>
        %add3A_200 = arith.addf %get3A_195, %get3A_199 : vector<16xf32>
        %swap3A_201 = arith.index_cast %scan3A_151 : i32 to index
        %swap3A_202 = arith.constant 48 : index
        %swap3A_203 = tpu.vector_load %arg9[%swap3A_201, %swap3A_202] {strides = array<i32>} : memref<80x256xf32, #tpu.memory_space<vmem>>, vector<1x16xf32>,
        %swap3A_204 = vector.shape_cast %swap3A_203 : vector<1x16xf32> to vector<16xf32>
        %swap3A_205 = vector.shape_cast %add3A_200 : vector<16xf32> to vector<1x16xf32>
        tpu.vector_store %arg9[%swap3A_201, %swap3A_202], %swap3A_205 {strides = array<i32>} : memref<80x256xf32, #tpu.memory_space<vmem>>, vector<1x16xf32>,
        %get3A_206 = arith.index_cast %scan3A_151 : i32 to index
        %get3A_207 = arith.constant 64 : index
        %get3A_208 = tpu.vector_load %arg9[%get3A_206, %get3A_207] {strides = array<i32>} : memref<80x256xf32, #tpu.memory_space<vmem>>, vector<1x16xf32>,
        %get3A_209 = vector.shape_cast %get3A_208 : vector<1x16xf32> to vector<16xf32>
        %get3A_210 = arith.index_cast %scan3A_151 : i32 to index
        %get3A_211 = arith.constant 64 : index
        %get3A_212 = tpu.vector_load %arg11[%get3A_210, %get3A_211] {strides = array<i32>} : memref<80x256xf32, #tpu.memory_space<vmem>>, vector<1x16xf32>,
        %get3A_213 = vector.shape_cast %get3A_212 : vector<1x16xf32> to vector<16xf32>
        %add3A_214 = arith.addf %get3A_209, %get3A_213 : vector<16xf32>
        %swap3A_215 = arith.index_cast %scan3A_151 : i32 to index
        %swap3A_216 = arith.constant 64 : index
        %swap3A_217 = tpu.vector_load %arg9[%swap3A_215, %swap3A_216] {strides = array<i32>} : memref<80x256xf32, #tpu.memory_space<vmem>>, vector<1x16xf32>,
        %swap3A_218 = vector.shape_cast %swap3A_217 : vector<1x16xf32> to vector<16xf32>
        %swap3A_219 = vector.shape_cast %add3A_214 : vector<16xf32> to vector<1x16xf32>
        tpu.vector_store %arg9[%swap3A_215, %swap3A_216], %swap3A_219 {strides = array<i32>} : memref<80x256xf32, #tpu.memory_space<vmem>>, vector<1x16xf32>,
        %get3A_220 = arith.index_cast %scan3A_151 : i32 to index
        %get3A_221 = arith.constant 80 : index
        %get3A_222 = tpu.vector_load %arg9[%get3A_220, %get3A_221] {strides = array<i32>} : memref<80x256xf32, #tpu.memory_space<vmem>>, vector<1x16xf32>,
        %get3A_223 = vector.shape_cast %get3A_222 : vector<1x16xf32> to vector<16xf32>
        %get3A_224 = arith.index_cast %scan3A_151 : i32 to index
        %get3A_225 = arith.constant 80 : index
        %get3A_226 = tpu.vector_load %arg11[%get3A_224, %get3A_225] {strides = array<i32>} : memref<80x256xf32, #tpu.memory_space<vmem>>, vector<1x16xf32>,
        %get3A_227 = vector.shape_cast %get3A_226 : vector<1x16xf32> to vector<16xf32>
        %add3A_228 = arith.addf %get3A_223, %get3A_227 : vector<16xf32>
        %swap3A_229 = arith.index_cast %scan3A_151 : i32 to index
        %swap3A_230 = arith.constant 80 : index
        %swap3A_231 = tpu.vector_load %arg9[%swap3A_229, %swap3A_230] {strides = array<i32>} : memref<80x256xf32, #tpu.memory_space<vmem>>, vector<1x16xf32>,
        %swap3A_232 = vector.shape_cast %swap3A_231 : vector<1x16xf32> to vector<16xf32>
        %swap3A_233 = vector.shape_cast %add3A_228 : vector<16xf32> to vector<1x16xf32>
        tpu.vector_store %arg9[%swap3A_229, %swap3A_230], %swap3A_233 {strides = array<i32>} : memref<80x256xf32, #tpu.memory_space<vmem>>, vector<1x16xf32>,
        %get3A_234 = arith.index_cast %scan3A_151 : i32 to index
        %get3A_235 = arith.constant 96 : index
        %get3A_236 = tpu.vector_load %arg9[%get3A_234, %get3A_235] {strides = array<i32>} : memref<80x256xf32, #tpu.memory_space<vmem>>, vector<1x16xf32>,
        %get3A_237 = vector.shape_cast %get3A_236 : vector<1x16xf32> to vector<16xf32>
        %get3A_238 = arith.index_cast %scan3A_151 : i32 to index
        %get3A_239 = arith.constant 96 : index
        %get3A_240 = tpu.vector_load %arg11[%get3A_238, %get3A_239] {strides = array<i32>} : memref<80x256xf32, #tpu.memory_space<vmem>>, vector<1x16xf32>,
        %get3A_241 = vector.shape_cast %get3A_240 : vector<1x16xf32> to vector<16xf32>
        %add3A_242 = arith.addf %get3A_237, %get3A_241 : vector<16xf32>
        %swap3A_243 = arith.index_cast %scan3A_151 : i32 to index
        %swap3A_244 = arith.constant 96 : index
        %swap3A_245 = tpu.vector_load %arg9[%swap3A_243, %swap3A_244] {strides = array<i32>} : memref<80x256xf32, #tpu.memory_space<vmem>>, vector<1x16xf32>,
        %swap3A_246 = vector.shape_cast %swap3A_245 : vector<1x16xf32> to vector<16xf32>
        %swap3A_247 = vector.shape_cast %add3A_242 : vector<16xf32> to vector<1x16xf32>
        tpu.vector_store %arg9[%swap3A_243, %swap3A_244], %swap3A_247 {strides = array<i32>} : memref<80x256xf32, #tpu.memory_space<vmem>>, vector<1x16xf32>,
        %get3A_248 = arith.index_cast %scan3A_151 : i32 to index
        %get3A_249 = arith.constant 112 : index
        %get3A_250 = tpu.vector_load %arg9[%get3A_248, %get3A_249] {strides = array<i32>} : memref<80x256xf32, #tpu.memory_space<vmem>>, vector<1x16xf32>,
        %get3A_251 = vector.shape_cast %get3A_250 : vector<1x16xf32> to vector<16xf32>
        %get3A_252 = arith.index_cast %scan3A_151 : i32 to index
        %get3A_253 = arith.constant 112 : index
        %get3A_254 = tpu.vector_load %arg11[%get3A_252, %get3A_253] {strides = array<i32>} : memref<80x256xf32, #tpu.memory_space<vmem>>, vector<1x16xf32>,
        %get3A_255 = vector.shape_cast %get3A_254 : vector<1x16xf32> to vector<16xf32>
        %add3A_256 = arith.addf %get3A_251, %get3A_255 : vector<16xf32>
        %swap3A_257 = arith.index_cast %scan3A_151 : i32 to index
        %swap3A_258 = arith.constant 112 : index
        %swap3A_259 = tpu.vector_load %arg9[%swap3A_257, %swap3A_258] {strides = array<i32>} : memref<80x256xf32, #tpu.memory_space<vmem>>, vector<1x16xf32>,
        %swap3A_260 = vector.shape_cast %swap3A_259 : vector<1x16xf32> to vector<16xf32>
        %swap3A_261 = vector.shape_cast %add3A_256 : vector<16xf32> to vector<1x16xf32>
        tpu.vector_store %arg9[%swap3A_257, %swap3A_258], %swap3A_261 {strides = array<i32>} : memref<80x256xf32, #tpu.memory_space<vmem>>, vector<1x16xf32>,
        %get3A_262 = arith.index_cast %scan3A_151 : i32 to index
        %get3A_263 = arith.constant 128 : index
        %get3A_264 = tpu.vector_load %arg9[%get3A_262, %get3A_263] {strides = array<i32>} : memref<80x256xf32, #tpu.memory_space<vmem>>, vector<1x16xf32>,
        %get3A_265 = vector.shape_cast %get3A_264 : vector<1x16xf32> to vector<16xf32>
        %get3A_266 = arith.index_cast %scan3A_151 : i32 to index
        %get3A_267 = arith.constant 128 : index
        %get3A_268 = tpu.vector_load %arg11[%get3A_266, %get3A_267] {strides = array<i32>} : memref<80x256xf32, #tpu.memory_space<vmem>>, vector<1x16xf32>,
        %get3A_269 = vector.shape_cast %get3A_268 : vector<1x16xf32> to vector<16xf32>
        %add3A_270 = arith.addf %get3A_265, %get3A_269 : vector<16xf32>
        %swap3A_271 = arith.index_cast %scan3A_151 : i32 to index
        %swap3A_272 = arith.constant 128 : index
        %swap3A_273 = tpu.vector_load %arg9[%swap3A_271, %swap3A_272] {strides = array<i32>} : memref<80x256xf32, #tpu.memory_space<vmem>>, vector<1x16xf32>,
        %swap3A_274 = vector.shape_cast %swap3A_273 : vector<1x16xf32> to vector<16xf32>
        %swap3A_275 = vector.shape_cast %add3A_270 : vector<16xf32> to vector<1x16xf32>
        tpu.vector_store %arg9[%swap3A_271, %swap3A_272], %swap3A_275 {strides = array<i32>} : memref<80x256xf32, #tpu.memory_space<vmem>>, vector<1x16xf32>,
        %get3A_276 = arith.index_cast %scan3A_151 : i32 to index
        %get3A_277 = arith.constant 144 : index
        %get3A_278 = tpu.vector_load %arg9[%get3A_276, %get3A_277] {strides = array<i32>} : memref<80x256xf32, #tpu.memory_space<vmem>>, vector<1x16xf32>,
        %get3A_279 = vector.shape_cast %get3A_278 : vector<1x16xf32> to vector<16xf32>
        %get3A_280 = arith.index_cast %scan3A_151 : i32 to index
        %get3A_281 = arith.constant 144 : index
        %get3A_282 = tpu.vector_load %arg11[%get3A_280, %get3A_281] {strides = array<i32>} : memref<80x256xf32, #tpu.memory_space<vmem>>, vector<1x16xf32>,
        %get3A_283 = vector.shape_cast %get3A_282 : vector<1x16xf32> to vector<16xf32>
        %add3A_284 = arith.addf %get3A_279, %get3A_283 : vector<16xf32>
        %swap3A_285 = arith.index_cast %scan3A_151 : i32 to index
        %swap3A_286 = arith.constant 144 : index
        %swap3A_287 = tpu.vector_load %arg9[%swap3A_285, %swap3A_286] {strides = array<i32>} : memref<80x256xf32, #tpu.memory_space<vmem>>, vector<1x16xf32>,
        %swap3A_288 = vector.shape_cast %swap3A_287 : vector<1x16xf32> to vector<16xf32>
        %swap3A_289 = vector.shape_cast %add3A_284 : vector<16xf32> to vector<1x16xf32>
        tpu.vector_store %arg9[%swap3A_285, %swap3A_286], %swap3A_289 {strides = array<i32>} : memref<80x256xf32, #tpu.memory_space<vmem>>, vector<1x16xf32>,
        %get3A_290 = arith.index_cast %scan3A_151 : i32 to index
        %get3A_291 = arith.constant 160 : index
        %get3A_292 = tpu.vector_load %arg9[%get3A_290, %get3A_291] {strides = array<i32>} : memref<80x256xf32, #tpu.memory_space<vmem>>, vector<1x16xf32>,
        %get3A_293 = vector.shape_cast %get3A_292 : vector<1x16xf32> to vector<16xf32>
        %get3A_294 = arith.index_cast %scan3A_151 : i32 to index
        %get3A_295 = arith.constant 160 : index
        %get3A_296 = tpu.vector_load %arg11[%get3A_294, %get3A_295] {strides = array<i32>} : memref<80x256xf32, #tpu.memory_space<vmem>>, vector<1x16xf32>,
        %get3A_297 = vector.shape_cast %get3A_296 : vector<1x16xf32> to vector<16xf32>
        %add3A_298 = arith.addf %get3A_293, %get3A_297 : vector<16xf32>
        %swap3A_299 = arith.index_cast %scan3A_151 : i32 to index
        %swap3A_300 = arith.constant 160 : index
        %swap3A_301 = tpu.vector_load %arg9[%swap3A_299, %swap3A_300] {strides = array<i32>} : memref<80x256xf32, #tpu.memory_space<vmem>>, vector<1x16xf32>,
        %swap3A_302 = vector.shape_cast %swap3A_301 : vector<1x16xf32> to vector<16xf32>
        %swap3A_303 = vector.shape_cast %add3A_298 : vector<16xf32> to vector<1x16xf32>
        tpu.vector_store %arg9[%swap3A_299, %swap3A_300], %swap3A_303 {strides = array<i32>} : memref<80x256xf32, #tpu.memory_space<vmem>>, vector<1x16xf32>,
        %get3A_304 = arith.index_cast %scan3A_151 : i32 to index
        %get3A_305 = arith.constant 176 : index
        %get3A_306 = tpu.vector_load %arg9[%get3A_304, %get3A_305] {strides = array<i32>} : memref<80x256xf32, #tpu.memory_space<vmem>>, vector<1x16xf32>,
        %get3A_307 = vector.shape_cast %get3A_306 : vector<1x16xf32> to vector<16xf32>
        %get3A_308 = arith.index_cast %scan3A_151 : i32 to index
        %get3A_309 = arith.constant 176 : index
        %get3A_310 = tpu.vector_load %arg11[%get3A_308, %get3A_309] {strides = array<i32>} : memref<80x256xf32, #tpu.memory_space<vmem>>, vector<1x16xf32>,
        %get3A_311 = vector.shape_cast %get3A_310 : vector<1x16xf32> to vector<16xf32>
        %add3A_312 = arith.addf %get3A_307, %get3A_311 : vector<16xf32>
        %swap3A_313 = arith.index_cast %scan3A_151 : i32 to index
        %swap3A_314 = arith.constant 176 : index
        %swap3A_315 = tpu.vector_load %arg9[%swap3A_313, %swap3A_314] {strides = array<i32>} : memref<80x256xf32, #tpu.memory_space<vmem>>, vector<1x16xf32>,
        %swap3A_316 = vector.shape_cast %swap3A_315 : vector<1x16xf32> to vector<16xf32>
        %swap3A_317 = vector.shape_cast %add3A_312 : vector<16xf32> to vector<1x16xf32>
        tpu.vector_store %arg9[%swap3A_313, %swap3A_314], %swap3A_317 {strides = array<i32>} : memref<80x256xf32, #tpu.memory_space<vmem>>, vector<1x16xf32>,
        %get3A_318 = arith.index_cast %scan3A_151 : i32 to index
        %get3A_319 = arith.constant 192 : index
        %get3A_320 = tpu.vector_load %arg9[%get3A_318, %get3A_319] {strides = array<i32>} : memref<80x256xf32, #tpu.memory_space<vmem>>, vector<1x16xf32>,
        %get3A_321 = vector.shape_cast %get3A_320 : vector<1x16xf32> to vector<16xf32>
        %get3A_322 = arith.index_cast %scan3A_151 : i32 to index
        %get3A_323 = arith.constant 192 : index
        %get3A_324 = tpu.vector_load %arg11[%get3A_322, %get3A_323] {strides = array<i32>} : memref<80x256xf32, #tpu.memory_space<vmem>>, vector<1x16xf32>,
        %get3A_325 = vector.shape_cast %get3A_324 : vector<1x16xf32> to vector<16xf32>
        %add3A_326 = arith.addf %get3A_321, %get3A_325 : vector<16xf32>
        %swap3A_327 = arith.index_cast %scan3A_151 : i32 to index
        %swap3A_328 = arith.constant 192 : index
        %swap3A_329 = tpu.vector_load %arg9[%swap3A_327, %swap3A_328] {strides = array<i32>} : memref<80x256xf32, #tpu.memory_space<vmem>>, vector<1x16xf32>,
        %swap3A_330 = vector.shape_cast %swap3A_329 : vector<1x16xf32> to vector<16xf32>
        %swap3A_331 = vector.shape_cast %add3A_326 : vector<16xf32> to vector<1x16xf32>
        tpu.vector_store %arg9[%swap3A_327, %swap3A_328], %swap3A_331 {strides = array<i32>} : memref<80x256xf32, #tpu.memory_space<vmem>>, vector<1x16xf32>,
        %get3A_332 = arith.index_cast %scan3A_151 : i32 to index
        %get3A_333 = arith.constant 208 : index
        %get3A_334 = tpu.vector_load %arg9[%get3A_332, %get3A_333] {strides = array<i32>} : memref<80x256xf32, #tpu.memory_space<vmem>>, vector<1x16xf32>,
        %get3A_335 = vector.shape_cast %get3A_334 : vector<1x16xf32> to vector<16xf32>
        %get3A_336 = arith.index_cast %scan3A_151 : i32 to index
        %get3A_337 = arith.constant 208 : index
        %get3A_338 = tpu.vector_load %arg11[%get3A_336, %get3A_337] {strides = array<i32>} : memref<80x256xf32, #tpu.memory_space<vmem>>, vector<1x16xf32>,
        %get3A_339 = vector.shape_cast %get3A_338 : vector<1x16xf32> to vector<16xf32>
        %add3A_340 = arith.addf %get3A_335, %get3A_339 : vector<16xf32>
        %swap3A_341 = arith.index_cast %scan3A_151 : i32 to index
        %swap3A_342 = arith.constant 208 : index
        %swap3A_343 = tpu.vector_load %arg9[%swap3A_341, %swap3A_342] {strides = array<i32>} : memref<80x256xf32, #tpu.memory_space<vmem>>, vector<1x16xf32>,
        %swap3A_344 = vector.shape_cast %swap3A_343 : vector<1x16xf32> to vector<16xf32>
        %swap3A_345 = vector.shape_cast %add3A_340 : vector<16xf32> to vector<1x16xf32>
        tpu.vector_store %arg9[%swap3A_341, %swap3A_342], %swap3A_345 {strides = array<i32>} : memref<80x256xf32, #tpu.memory_space<vmem>>, vector<1x16xf32>,
        %get3A_346 = arith.index_cast %scan3A_151 : i32 to index
        %get3A_347 = arith.constant 224 : index
        %get3A_348 = tpu.vector_load %arg9[%get3A_346, %get3A_347] {strides = array<i32>} : memref<80x256xf32, #tpu.memory_space<vmem>>, vector<1x16xf32>,
        %get3A_349 = vector.shape_cast %get3A_348 : vector<1x16xf32> to vector<16xf32>
        %get3A_350 = arith.index_cast %scan3A_151 : i32 to index
        %get3A_351 = arith.constant 224 : index
        %get3A_352 = tpu.vector_load %arg11[%get3A_350, %get3A_351] {strides = array<i32>} : memref<80x256xf32, #tpu.memory_space<vmem>>, vector<1x16xf32>,
        %get3A_353 = vector.shape_cast %get3A_352 : vector<1x16xf32> to vector<16xf32>
        %add3A_354 = arith.addf %get3A_349, %get3A_353 : vector<16xf32>
        %swap3A_355 = arith.index_cast %scan3A_151 : i32 to index
        %swap3A_356 = arith.constant 224 : index
        %swap3A_357 = tpu.vector_load %arg9[%swap3A_355, %swap3A_356] {strides = array<i32>} : memref<80x256xf32, #tpu.memory_space<vmem>>, vector<1x16xf32>,
        %swap3A_358 = vector.shape_cast %swap3A_357 : vector<1x16xf32> to vector<16xf32>
        %swap3A_359 = vector.shape_cast %add3A_354 : vector<16xf32> to vector<1x16xf32>
        tpu.vector_store %arg9[%swap3A_355, %swap3A_356], %swap3A_359 {strides = array<i32>} : memref<80x256xf32, #tpu.memory_space<vmem>>, vector<1x16xf32>,
        %get3A_360 = arith.index_cast %scan3A_151 : i32 to index
        %get3A_361 = arith.constant 240 : index
        %get3A_362 = tpu.vector_load %arg9[%get3A_360, %get3A_361] {strides = array<i32>} : memref<80x256xf32, #tpu.memory_space<vmem>>, vector<1x16xf32>,
        %get3A_363 = vector.shape_cast %get3A_362 : vector<1x16xf32> to vector<16xf32>
        %get3A_364 = arith.index_cast %scan3A_151 : i32 to index
        %get3A_365 = arith.constant 240 : index
        %get3A_366 = tpu.vector_load %arg11[%get3A_364, %get3A_365] {strides = array<i32>} : memref<80x256xf32, #tpu.memory_space<vmem>>, vector<1x16xf32>,
        %get3A_367 = vector.shape_cast %get3A_366 : vector<1x16xf32> to vector<16xf32>
        %add3A_368 = arith.addf %get3A_363, %get3A_367 : vector<16xf32>
        %swap3A_369 = arith.index_cast %scan3A_151 : i32 to index
        %swap3A_370 = arith.constant 240 : index
        %swap3A_371 = tpu.vector_load %arg9[%swap3A_369, %swap3A_370] {strides = array<i32>} : memref<80x256xf32, #tpu.memory_space<vmem>>, vector<1x16xf32>,
        %swap3A_372 = vector.shape_cast %swap3A_371 : vector<1x16xf32> to vector<16xf32>
        %swap3A_373 = vector.shape_cast %add3A_368 : vector<16xf32> to vector<1x16xf32>
        tpu.vector_store %arg9[%swap3A_369, %swap3A_370], %swap3A_373 {strides = array<i32>} : memref<80x256xf32, #tpu.memory_space<vmem>>, vector<1x16xf32>,
      }
      %scan3A_114 = arith.constant 80 : i32
      %add3A_115 = arith.constant 0 : i32
      %add3A_116 = arith.addi %mul3A_66, %add3A_115 : i32
      %mul3A_117 = arith.constant 80 : i32
      %mul3A_118 = arith.muli %add3A_116, %mul3A_117 : i32
      %add3A_119 = arith.addi %mul3A_2, %mul3A_118 : i32
      %dma_start3A_120 = arith.constant 0 : i32
      %dma_start3A_121 = tpu.memref_slice %arg6[%add3A_119, %dma_start3A_120] : memref<320000x256xf32, #tpu.memory_space<hbm>> -> memref<80x256xf32, #tpu.memory_space<hbm>>
      %dma_start3A_122 = arith.constant 0 : i32
      %dma_start3A_123 = tpu.memref_slice %arg6[%add3A_119, %dma_start3A_122] : memref<320000x256xf32, #tpu.memory_space<hbm>> -> memref<80x256xf32, #tpu.memory_space<hbm>>
      tpu.enqueue_dma source(%arg9 : memref<80x256xf32, #tpu.memory_space<vmem>>) target(%dma_start3A_123 : memref<80x256xf32, #tpu.memory_space<hbm>>) target_semaphore(%arg15 : memref<!tpu.dma_semaphore, #tpu.memory_space<semaphore_mem>>)
      %dma_wait3A_124 = arith.constant 0 : i32
      %dma_wait3A_125 = tpu.memref_slice %arg7[%add3A_84, %dma_wait3A_124] : memref<125x80xi32, #tpu.memory_space<vmem>> -> memref<1x80xi32, #tpu.memory_space<vmem>>
      %dma_wait3A_126 = tpu.memref_squeeze %dma_wait3A_125 : memref<1x80xi32, #tpu.memory_space<vmem>> -> memref<80xi32, #tpu.memory_space<vmem>>
      %dma_wait3A_127 = arith.constant 0 : i32
      %dma_wait3A_128 = arith.constant 0 : i32
      %dma_wait3A_129 = tpu.memref_slice %arg2[%dma_wait3A_127, %dma_wait3A_128] : memref<10000x256xf32, #tpu.memory_space<hbm>> -> memref<10000x256xf32, #tpu.memory_space<hbm>>
      tpu.wait_indirect_dma semaphore(%arg14 : memref<!tpu.dma_semaphore, #tpu.memory_space<semaphore_mem>>) src(%dma_wait3A_129 : memref<10000x256xf32, #tpu.memory_space<hbm>>) dst(%arg10 : memref<80x256xf32, #tpu.memory_space<vmem>>)
      %dma_wait3A_130 = arith.constant 0 : i32
      %dma_wait3A_131 = tpu.memref_slice %arg8[%add3A_84, %dma_wait3A_130] : memref<125x80xi32, #tpu.memory_space<vmem>> -> memref<1x80xi32, #tpu.memory_space<vmem>>
      %dma_wait3A_132 = tpu.memref_squeeze %dma_wait3A_131 : memref<1x80xi32, #tpu.memory_space<vmem>> -> memref<80xi32, #tpu.memory_space<vmem>>
      %dma_wait3A_133 = arith.constant 0 : i32
      %dma_wait3A_134 = arith.constant 0 : i32
      %dma_wait3A_135 = tpu.memref_slice %arg3[%dma_wait3A_133, %dma_wait3A_134] : memref<10000x256xf32, #tpu.memory_space<hbm>> -> memref<10000x256xf32, #tpu.memory_space<hbm>>
      tpu.wait_indirect_dma semaphore(%arg14 : memref<!tpu.dma_semaphore, #tpu.memory_space<semaphore_mem>>) src(%dma_wait3A_135 : memref<10000x256xf32, #tpu.memory_space<hbm>>) dst(%arg12 : memref<80x256xf32, #tpu.memory_space<vmem>>)
      %scan3A_136 = arith.constant 0 : i32
      %scan3A_137 = arith.constant 0 : i32
      %scan3A_138 = arith.constant 80 : i32
      %scan3A_139 = arith.addi %scan3A_137, %scan3A_138 : i32
      %scan3A_140 = arith.constant 1 : i32
      scf.for %scan3A_151 = %scan3A_137 to %scan3A_139 step %scan3A_140  : i32 {
        %get3A = arith.index_cast %scan3A_151 : i32 to index
        %get3A_152 = arith.constant 0 : index
        %get3A_153 = tpu.vector_load %arg10[%get3A, %get3A_152] {strides = array<i32>} : memref<80x256xf32, #tpu.memory_space<vmem>>, vector<1x16xf32>,
        %get3A_154 = vector.shape_cast %get3A_153 : vector<1x16xf32> to vector<16xf32>
        %get3A_155 = arith.index_cast %scan3A_151 : i32 to index
        %get3A_156 = arith.constant 0 : index
        %get3A_157 = tpu.vector_load %arg12[%get3A_155, %get3A_156] {strides = array<i32>} : memref<80x256xf32, #tpu.memory_space<vmem>>, vector<1x16xf32>,
        %get3A_158 = vector.shape_cast %get3A_157 : vector<1x16xf32> to vector<16xf32>
        %add3A_159 = arith.addf %get3A_154, %get3A_158 : vector<16xf32>
        %swap3A = arith.index_cast %scan3A_151 : i32 to index
        %swap3A_160 = arith.constant 0 : index
        %swap3A_161 = tpu.vector_load %arg10[%swap3A, %swap3A_160] {strides = array<i32>} : memref<80x256xf32, #tpu.memory_space<vmem>>, vector<1x16xf32>,
        %swap3A_162 = vector.shape_cast %swap3A_161 : vector<1x16xf32> to vector<16xf32>
        %swap3A_163 = vector.shape_cast %add3A_159 : vector<16xf32> to vector<1x16xf32>
        tpu.vector_store %arg10[%swap3A, %swap3A_160], %swap3A_163 {strides = array<i32>} : memref<80x256xf32, #tpu.memory_space<vmem>>, vector<1x16xf32>,
        %get3A_164 = arith.index_cast %scan3A_151 : i32 to index
        %get3A_165 = arith.constant 16 : index
        %get3A_166 = tpu.vector_load %arg10[%get3A_164, %get3A_165] {strides = array<i32>} : memref<80x256xf32, #tpu.memory_space<vmem>>, vector<1x16xf32>,
        %get3A_167 = vector.shape_cast %get3A_166 : vector<1x16xf32> to vector<16xf32>
        %get3A_168 = arith.index_cast %scan3A_151 : i32 to index
        %get3A_169 = arith.constant 16 : index
        %get3A_170 = tpu.vector_load %arg12[%get3A_168, %get3A_169] {strides = array<i32>} : memref<80x256xf32, #tpu.memory_space<vmem>>, vector<1x16xf32>,
        %get3A_171 = vector.shape_cast %get3A_170 : vector<1x16xf32> to vector<16xf32>
        %add3A_172 = arith.addf %get3A_167, %get3A_171 : vector<16xf32>
        %swap3A_173 = arith.index_cast %scan3A_151 : i32 to index
        %swap3A_174 = arith.constant 16 : index
        %swap3A_175 = tpu.vector_load %arg10[%swap3A_173, %swap3A_174] {strides = array<i32>} : memref<80x256xf32, #tpu.memory_space<vmem>>, vector<1x16xf32>,
        %swap3A_176 = vector.shape_cast %swap3A_175 : vector<1x16xf32> to vector<16xf32>
        %swap3A_177 = vector.shape_cast %add3A_172 : vector<16xf32> to vector<1x16xf32>
        tpu.vector_store %arg10[%swap3A_173, %swap3A_174], %swap3A_177 {strides = array<i32>} : memref<80x256xf32, #tpu.memory_space<vmem>>, vector<1x16xf32>,
        %get3A_178 = arith.index_cast %scan3A_151 : i32 to index
        %get3A_179 = arith.constant 32 : index
        %get3A_180 = tpu.vector_load %arg10[%get3A_178, %get3A_179] {strides = array<i32>} : memref<80x256xf32, #tpu.memory_space<vmem>>, vector<1x16xf32>,
        %get3A_181 = vector.shape_cast %get3A_180 : vector<1x16xf32> to vector<16xf32>
        %get3A_182 = arith.index_cast %scan3A_151 : i32 to index
        %get3A_183 = arith.constant 32 : index
        %get3A_184 = tpu.vector_load %arg12[%get3A_182, %get3A_183] {strides = array<i32>} : memref<80x256xf32, #tpu.memory_space<vmem>>, vector<1x16xf32>,
        %get3A_185 = vector.shape_cast %get3A_184 : vector<1x16xf32> to vector<16xf32>
        %add3A_186 = arith.addf %get3A_181, %get3A_185 : vector<16xf32>
        %swap3A_187 = arith.index_cast %scan3A_151 : i32 to index
        %swap3A_188 = arith.constant 32 : index
        %swap3A_189 = tpu.vector_load %arg10[%swap3A_187, %swap3A_188] {strides = array<i32>} : memref<80x256xf32, #tpu.memory_space<vmem>>, vector<1x16xf32>,
        %swap3A_190 = vector.shape_cast %swap3A_189 : vector<1x16xf32> to vector<16xf32>
        %swap3A_191 = vector.shape_cast %add3A_186 : vector<16xf32> to vector<1x16xf32>
        tpu.vector_store %arg10[%swap3A_187, %swap3A_188], %swap3A_191 {strides = array<i32>} : memref<80x256xf32, #tpu.memory_space<vmem>>, vector<1x16xf32>,
        %get3A_192 = arith.index_cast %scan3A_151 : i32 to index
        %get3A_193 = arith.constant 48 : index
        %get3A_194 = tpu.vector_load %arg10[%get3A_192, %get3A_193] {strides = array<i32>} : memref<80x256xf32, #tpu.memory_space<vmem>>, vector<1x16xf32>,
        %get3A_195 = vector.shape_cast %get3A_194 : vector<1x16xf32> to vector<16xf32>
        %get3A_196 = arith.index_cast %scan3A_151 : i32 to index
        %get3A_197 = arith.constant 48 : index
        %get3A_198 = tpu.vector_load %arg12[%get3A_196, %get3A_197] {strides = array<i32>} : memref<80x256xf32, #tpu.memory_space<vmem>>, vector<1x16xf32>,
        %get3A_199 = vector.shape_cast %get3A_198 : vector<1x16xf32> to vector<16xf32>
        %add3A_200 = arith.addf %get3A_195, %get3A_199 : vector<16xf32>
        %swap3A_201 = arith.index_cast %scan3A_151 : i32 to index
        %swap3A_202 = arith.constant 48 : index
        %swap3A_203 = tpu.vector_load %arg10[%swap3A_201, %swap3A_202] {strides = array<i32>} : memref<80x256xf32, #tpu.memory_space<vmem>>, vector<1x16xf32>,
        %swap3A_204 = vector.shape_cast %swap3A_203 : vector<1x16xf32> to vector<16xf32>
        %swap3A_205 = vector.shape_cast %add3A_200 : vector<16xf32> to vector<1x16xf32>
        tpu.vector_store %arg10[%swap3A_201, %swap3A_202], %swap3A_205 {strides = array<i32>} : memref<80x256xf32, #tpu.memory_space<vmem>>, vector<1x16xf32>,
        %get3A_206 = arith.index_cast %scan3A_151 : i32 to index
        %get3A_207 = arith.constant 64 : index
        %get3A_208 = tpu.vector_load %arg10[%get3A_206, %get3A_207] {strides = array<i32>} : memref<80x256xf32, #tpu.memory_space<vmem>>, vector<1x16xf32>,
        %get3A_209 = vector.shape_cast %get3A_208 : vector<1x16xf32> to vector<16xf32>
        %get3A_210 = arith.index_cast %scan3A_151 : i32 to index
        %get3A_211 = arith.constant 64 : index
        %get3A_212 = tpu.vector_load %arg12[%get3A_210, %get3A_211] {strides = array<i32>} : memref<80x256xf32, #tpu.memory_space<vmem>>, vector<1x16xf32>,
        %get3A_213 = vector.shape_cast %get3A_212 : vector<1x16xf32> to vector<16xf32>
        %add3A_214 = arith.addf %get3A_209, %get3A_213 : vector<16xf32>
        %swap3A_215 = arith.index_cast %scan3A_151 : i32 to index
        %swap3A_216 = arith.constant 64 : index
        %swap3A_217 = tpu.vector_load %arg10[%swap3A_215, %swap3A_216] {strides = array<i32>} : memref<80x256xf32, #tpu.memory_space<vmem>>, vector<1x16xf32>,
        %swap3A_218 = vector.shape_cast %swap3A_217 : vector<1x16xf32> to vector<16xf32>
        %swap3A_219 = vector.shape_cast %add3A_214 : vector<16xf32> to vector<1x16xf32>
        tpu.vector_store %arg10[%swap3A_215, %swap3A_216], %swap3A_219 {strides = array<i32>} : memref<80x256xf32, #tpu.memory_space<vmem>>, vector<1x16xf32>,
        %get3A_220 = arith.index_cast %scan3A_151 : i32 to index
        %get3A_221 = arith.constant 80 : index
        %get3A_222 = tpu.vector_load %arg10[%get3A_220, %get3A_221] {strides = array<i32>} : memref<80x256xf32, #tpu.memory_space<vmem>>, vector<1x16xf32>,
        %get3A_223 = vector.shape_cast %get3A_222 : vector<1x16xf32> to vector<16xf32>
        %get3A_224 = arith.index_cast %scan3A_151 : i32 to index
        %get3A_225 = arith.constant 80 : index
        %get3A_226 = tpu.vector_load %arg12[%get3A_224, %get3A_225] {strides = array<i32>} : memref<80x256xf32, #tpu.memory_space<vmem>>, vector<1x16xf32>,
        %get3A_227 = vector.shape_cast %get3A_226 : vector<1x16xf32> to vector<16xf32>
        %add3A_228 = arith.addf %get3A_223, %get3A_227 : vector<16xf32>
        %swap3A_229 = arith.index_cast %scan3A_151 : i32 to index
        %swap3A_230 = arith.constant 80 : index
        %swap3A_231 = tpu.vector_load %arg10[%swap3A_229, %swap3A_230] {strides = array<i32>} : memref<80x256xf32, #tpu.memory_space<vmem>>, vector<1x16xf32>,
        %swap3A_232 = vector.shape_cast %swap3A_231 : vector<1x16xf32> to vector<16xf32>
        %swap3A_233 = vector.shape_cast %add3A_228 : vector<16xf32> to vector<1x16xf32>
        tpu.vector_store %arg10[%swap3A_229, %swap3A_230], %swap3A_233 {strides = array<i32>} : memref<80x256xf32, #tpu.memory_space<vmem>>, vector<1x16xf32>,
        %get3A_234 = arith.index_cast %scan3A_151 : i32 to index
        %get3A_235 = arith.constant 96 : index
        %get3A_236 = tpu.vector_load %arg10[%get3A_234, %get3A_235] {strides = array<i32>} : memref<80x256xf32, #tpu.memory_space<vmem>>, vector<1x16xf32>,
        %get3A_237 = vector.shape_cast %get3A_236 : vector<1x16xf32> to vector<16xf32>
        %get3A_238 = arith.index_cast %scan3A_151 : i32 to index
        %get3A_239 = arith.constant 96 : index
        %get3A_240 = tpu.vector_load %arg12[%get3A_238, %get3A_239] {strides = array<i32>} : memref<80x256xf32, #tpu.memory_space<vmem>>, vector<1x16xf32>,
        %get3A_241 = vector.shape_cast %get3A_240 : vector<1x16xf32> to vector<16xf32>
        %add3A_242 = arith.addf %get3A_237, %get3A_241 : vector<16xf32>
        %swap3A_243 = arith.index_cast %scan3A_151 : i32 to index
        %swap3A_244 = arith.constant 96 : index
        %swap3A_245 = tpu.vector_load %arg10[%swap3A_243, %swap3A_244] {strides = array<i32>} : memref<80x256xf32, #tpu.memory_space<vmem>>, vector<1x16xf32>,
        %swap3A_246 = vector.shape_cast %swap3A_245 : vector<1x16xf32> to vector<16xf32>
        %swap3A_247 = vector.shape_cast %add3A_242 : vector<16xf32> to vector<1x16xf32>
        tpu.vector_store %arg10[%swap3A_243, %swap3A_244], %swap3A_247 {strides = array<i32>} : memref<80x256xf32, #tpu.memory_space<vmem>>, vector<1x16xf32>,
        %get3A_248 = arith.index_cast %scan3A_151 : i32 to index
        %get3A_249 = arith.constant 112 : index
        %get3A_250 = tpu.vector_load %arg10[%get3A_248, %get3A_249] {strides = array<i32>} : memref<80x256xf32, #tpu.memory_space<vmem>>, vector<1x16xf32>,
        %get3A_251 = vector.shape_cast %get3A_250 : vector<1x16xf32> to vector<16xf32>
        %get3A_252 = arith.index_cast %scan3A_151 : i32 to index
        %get3A_253 = arith.constant 112 : index
        %get3A_254 = tpu.vector_load %arg12[%get3A_252, %get3A_253] {strides = array<i32>} : memref<80x256xf32, #tpu.memory_space<vmem>>, vector<1x16xf32>,
        %get3A_255 = vector.shape_cast %get3A_254 : vector<1x16xf32> to vector<16xf32>
        %add3A_256 = arith.addf %get3A_251, %get3A_255 : vector<16xf32>
        %swap3A_257 = arith.index_cast %scan3A_151 : i32 to index
        %swap3A_258 = arith.constant 112 : index
        %swap3A_259 = tpu.vector_load %arg10[%swap3A_257, %swap3A_258] {strides = array<i32>} : memref<80x256xf32, #tpu.memory_space<vmem>>, vector<1x16xf32>,
        %swap3A_260 = vector.shape_cast %swap3A_259 : vector<1x16xf32> to vector<16xf32>
        %swap3A_261 = vector.shape_cast %add3A_256 : vector<16xf32> to vector<1x16xf32>
        tpu.vector_store %arg10[%swap3A_257, %swap3A_258], %swap3A_261 {strides = array<i32>} : memref<80x256xf32, #tpu.memory_space<vmem>>, vector<1x16xf32>,
        %get3A_262 = arith.index_cast %scan3A_151 : i32 to index
        %get3A_263 = arith.constant 128 : index
        %get3A_264 = tpu.vector_load %arg10[%get3A_262, %get3A_263] {strides = array<i32>} : memref<80x256xf32, #tpu.memory_space<vmem>>, vector<1x16xf32>,
        %get3A_265 = vector.shape_cast %get3A_264 : vector<1x16xf32> to vector<16xf32>
        %get3A_266 = arith.index_cast %scan3A_151 : i32 to index
        %get3A_267 = arith.constant 128 : index
        %get3A_268 = tpu.vector_load %arg12[%get3A_266, %get3A_267] {strides = array<i32>} : memref<80x256xf32, #tpu.memory_space<vmem>>, vector<1x16xf32>,
        %get3A_269 = vector.shape_cast %get3A_268 : vector<1x16xf32> to vector<16xf32>
        %add3A_270 = arith.addf %get3A_265, %get3A_269 : vector<16xf32>
        %swap3A_271 = arith.index_cast %scan3A_151 : i32 to index
        %swap3A_272 = arith.constant 128 : index
        %swap3A_273 = tpu.vector_load %arg10[%swap3A_271, %swap3A_272] {strides = array<i32>} : memref<80x256xf32, #tpu.memory_space<vmem>>, vector<1x16xf32>,
        %swap3A_274 = vector.shape_cast %swap3A_273 : vector<1x16xf32> to vector<16xf32>
        %swap3A_275 = vector.shape_cast %add3A_270 : vector<16xf32> to vector<1x16xf32>
        tpu.vector_store %arg10[%swap3A_271, %swap3A_272], %swap3A_275 {strides = array<i32>} : memref<80x256xf32, #tpu.memory_space<vmem>>, vector<1x16xf32>,
        %get3A_276 = arith.index_cast %scan3A_151 : i32 to index
        %get3A_277 = arith.constant 144 : index
        %get3A_278 = tpu.vector_load %arg10[%get3A_276, %get3A_277] {strides = array<i32>} : memref<80x256xf32, #tpu.memory_space<vmem>>, vector<1x16xf32>,
        %get3A_279 = vector.shape_cast %get3A_278 : vector<1x16xf32> to vector<16xf32>
        %get3A_280 = arith.index_cast %scan3A_151 : i32 to index
        %get3A_281 = arith.constant 144 : index
        %get3A_282 = tpu.vector_load %arg12[%get3A_280, %get3A_281] {strides = array<i32>} : memref<80x256xf32, #tpu.memory_space<vmem>>, vector<1x16xf32>,
        %get3A_283 = vector.shape_cast %get3A_282 : vector<1x16xf32> to vector<16xf32>
        %add3A_284 = arith.addf %get3A_279, %get3A_283 : vector<16xf32>
        %swap3A_285 = arith.index_cast %scan3A_151 : i32 to index
        %swap3A_286 = arith.constant 144 : index
        %swap3A_287 = tpu.vector_load %arg10[%swap3A_285, %swap3A_286] {strides = array<i32>} : memref<80x256xf32, #tpu.memory_space<vmem>>, vector<1x16xf32>,
        %swap3A_288 = vector.shape_cast %swap3A_287 : vector<1x16xf32> to vector<16xf32>
        %swap3A_289 = vector.shape_cast %add3A_284 : vector<16xf32> to vector<1x16xf32>
        tpu.vector_store %arg10[%swap3A_285, %swap3A_286], %swap3A_289 {strides = array<i32>} : memref<80x256xf32, #tpu.memory_space<vmem>>, vector<1x16xf32>,
        %get3A_290 = arith.index_cast %scan3A_151 : i32 to index
        %get3A_291 = arith.constant 160 : index
        %get3A_292 = tpu.vector_load %arg10[%get3A_290, %get3A_291] {strides = array<i32>} : memref<80x256xf32, #tpu.memory_space<vmem>>, vector<1x16xf32>,
        %get3A_293 = vector.shape_cast %get3A_292 : vector<1x16xf32> to vector<16xf32>
        %get3A_294 = arith.index_cast %scan3A_151 : i32 to index
        %get3A_295 = arith.constant 160 : index
        %get3A_296 = tpu.vector_load %arg12[%get3A_294, %get3A_295] {strides = array<i32>} : memref<80x256xf32, #tpu.memory_space<vmem>>, vector<1x16xf32>,
        %get3A_297 = vector.shape_cast %get3A_296 : vector<1x16xf32> to vector<16xf32>
        %add3A_298 = arith.addf %get3A_293, %get3A_297 : vector<16xf32>
        %swap3A_299 = arith.index_cast %scan3A_151 : i32 to index
        %swap3A_300 = arith.constant 160 : index
        %swap3A_301 = tpu.vector_load %arg10[%swap3A_299, %swap3A_300] {strides = array<i32>} : memref<80x256xf32, #tpu.memory_space<vmem>>, vector<1x16xf32>,
        %swap3A_302 = vector.shape_cast %swap3A_301 : vector<1x16xf32> to vector<16xf32>
        %swap3A_303 = vector.shape_cast %add3A_298 : vector<16xf32> to vector<1x16xf32>
        tpu.vector_store %arg10[%swap3A_299, %swap3A_300], %swap3A_303 {strides = array<i32>} : memref<80x256xf32, #tpu.memory_space<vmem>>, vector<1x16xf32>,
        %get3A_304 = arith.index_cast %scan3A_151 : i32 to index
        %get3A_305 = arith.constant 176 : index
        %get3A_306 = tpu.vector_load %arg10[%get3A_304, %get3A_305] {strides = array<i32>} : memref<80x256xf32, #tpu.memory_space<vmem>>, vector<1x16xf32>,
        %get3A_307 = vector.shape_cast %get3A_306 : vector<1x16xf32> to vector<16xf32>
        %get3A_308 = arith.index_cast %scan3A_151 : i32 to index
        %get3A_309 = arith.constant 176 : index
        %get3A_310 = tpu.vector_load %arg12[%get3A_308, %get3A_309] {strides = array<i32>} : memref<80x256xf32, #tpu.memory_space<vmem>>, vector<1x16xf32>,
        %get3A_311 = vector.shape_cast %get3A_310 : vector<1x16xf32> to vector<16xf32>
        %add3A_312 = arith.addf %get3A_307, %get3A_311 : vector<16xf32>
        %swap3A_313 = arith.index_cast %scan3A_151 : i32 to index
        %swap3A_314 = arith.constant 176 : index
        %swap3A_315 = tpu.vector_load %arg10[%swap3A_313, %swap3A_314] {strides = array<i32>} : memref<80x256xf32, #tpu.memory_space<vmem>>, vector<1x16xf32>,
        %swap3A_316 = vector.shape_cast %swap3A_315 : vector<1x16xf32> to vector<16xf32>
        %swap3A_317 = vector.shape_cast %add3A_312 : vector<16xf32> to vector<1x16xf32>
        tpu.vector_store %arg10[%swap3A_313, %swap3A_314], %swap3A_317 {strides = array<i32>} : memref<80x256xf32, #tpu.memory_space<vmem>>, vector<1x16xf32>,
        %get3A_318 = arith.index_cast %scan3A_151 : i32 to index
        %get3A_319 = arith.constant 192 : index
        %get3A_320 = tpu.vector_load %arg10[%get3A_318, %get3A_319] {strides = array<i32>} : memref<80x256xf32, #tpu.memory_space<vmem>>, vector<1x16xf32>,
        %get3A_321 = vector.shape_cast %get3A_320 : vector<1x16xf32> to vector<16xf32>
        %get3A_322 = arith.index_cast %scan3A_151 : i32 to index
        %get3A_323 = arith.constant 192 : index
        %get3A_324 = tpu.vector_load %arg12[%get3A_322, %get3A_323] {strides = array<i32>} : memref<80x256xf32, #tpu.memory_space<vmem>>, vector<1x16xf32>,
        %get3A_325 = vector.shape_cast %get3A_324 : vector<1x16xf32> to vector<16xf32>
        %add3A_326 = arith.addf %get3A_321, %get3A_325 : vector<16xf32>
        %swap3A_327 = arith.index_cast %scan3A_151 : i32 to index
        %swap3A_328 = arith.constant 192 : index
        %swap3A_329 = tpu.vector_load %arg10[%swap3A_327, %swap3A_328] {strides = array<i32>} : memref<80x256xf32, #tpu.memory_space<vmem>>, vector<1x16xf32>,
        %swap3A_330 = vector.shape_cast %swap3A_329 : vector<1x16xf32> to vector<16xf32>
        %swap3A_331 = vector.shape_cast %add3A_326 : vector<16xf32> to vector<1x16xf32>
        tpu.vector_store %arg10[%swap3A_327, %swap3A_328], %swap3A_331 {strides = array<i32>} : memref<80x256xf32, #tpu.memory_space<vmem>>, vector<1x16xf32>,
        %get3A_332 = arith.index_cast %scan3A_151 : i32 to index
        %get3A_333 = arith.constant 208 : index
        %get3A_334 = tpu.vector_load %arg10[%get3A_332, %get3A_333] {strides = array<i32>} : memref<80x256xf32, #tpu.memory_space<vmem>>, vector<1x16xf32>,
        %get3A_335 = vector.shape_cast %get3A_334 : vector<1x16xf32> to vector<16xf32>
        %get3A_336 = arith.index_cast %scan3A_151 : i32 to index
        %get3A_337 = arith.constant 208 : index
        %get3A_338 = tpu.vector_load %arg12[%get3A_336, %get3A_337] {strides = array<i32>} : memref<80x256xf32, #tpu.memory_space<vmem>>, vector<1x16xf32>,
        %get3A_339 = vector.shape_cast %get3A_338 : vector<1x16xf32> to vector<16xf32>
        %add3A_340 = arith.addf %get3A_335, %get3A_339 : vector<16xf32>
        %swap3A_341 = arith.index_cast %scan3A_151 : i32 to index
        %swap3A_342 = arith.constant 208 : index
        %swap3A_343 = tpu.vector_load %arg10[%swap3A_341, %swap3A_342] {strides = array<i32>} : memref<80x256xf32, #tpu.memory_space<vmem>>, vector<1x16xf32>,
        %swap3A_344 = vector.shape_cast %swap3A_343 : vector<1x16xf32> to vector<16xf32>
        %swap3A_345 = vector.shape_cast %add3A_340 : vector<16xf32> to vector<1x16xf32>
        tpu.vector_store %arg10[%swap3A_341, %swap3A_342], %swap3A_345 {strides = array<i32>} : memref<80x256xf32, #tpu.memory_space<vmem>>, vector<1x16xf32>,
        %get3A_346 = arith.index_cast %scan3A_151 : i32 to index
        %get3A_347 = arith.constant 224 : index
        %get3A_348 = tpu.vector_load %arg10[%get3A_346, %get3A_347] {strides = array<i32>} : memref<80x256xf32, #tpu.memory_space<vmem>>, vector<1x16xf32>,
        %get3A_349 = vector.shape_cast %get3A_348 : vector<1x16xf32> to vector<16xf32>
        %get3A_350 = arith.index_cast %scan3A_151 : i32 to index
        %get3A_351 = arith.constant 224 : index
        %get3A_352 = tpu.vector_load %arg12[%get3A_350, %get3A_351] {strides = array<i32>} : memref<80x256xf32, #tpu.memory_space<vmem>>, vector<1x16xf32>,
        %get3A_353 = vector.shape_cast %get3A_352 : vector<1x16xf32> to vector<16xf32>
        %add3A_354 = arith.addf %get3A_349, %get3A_353 : vector<16xf32>
        %swap3A_355 = arith.index_cast %scan3A_151 : i32 to index
        %swap3A_356 = arith.constant 224 : index
        %swap3A_357 = tpu.vector_load %arg10[%swap3A_355, %swap3A_356] {strides = array<i32>} : memref<80x256xf32, #tpu.memory_space<vmem>>, vector<1x16xf32>,
        %swap3A_358 = vector.shape_cast %swap3A_357 : vector<1x16xf32> to vector<16xf32>
        %swap3A_359 = vector.shape_cast %add3A_354 : vector<16xf32> to vector<1x16xf32>
        tpu.vector_store %arg10[%swap3A_355, %swap3A_356], %swap3A_359 {strides = array<i32>} : memref<80x256xf32, #tpu.memory_space<vmem>>, vector<1x16xf32>,
        %get3A_360 = arith.index_cast %scan3A_151 : i32 to index
        %get3A_361 = arith.constant 240 : index
        %get3A_362 = tpu.vector_load %arg10[%get3A_360, %get3A_361] {strides = array<i32>} : memref<80x256xf32, #tpu.memory_space<vmem>>, vector<1x16xf32>,
        %get3A_363 = vector.shape_cast %get3A_362 : vector<1x16xf32> to vector<16xf32>
        %get3A_364 = arith.index_cast %scan3A_151 : i32 to index
        %get3A_365 = arith.constant 240 : index
        %get3A_366 = tpu.vector_load %arg12[%get3A_364, %get3A_365] {strides = array<i32>} : memref<80x256xf32, #tpu.memory_space<vmem>>, vector<1x16xf32>,
        %get3A_367 = vector.shape_cast %get3A_366 : vector<1x16xf32> to vector<16xf32>
        %add3A_368 = arith.addf %get3A_363, %get3A_367 : vector<16xf32>
        %swap3A_369 = arith.index_cast %scan3A_151 : i32 to index
        %swap3A_370 = arith.constant 240 : index
        %swap3A_371 = tpu.vector_load %arg10[%swap3A_369, %swap3A_370] {strides = array<i32>} : memref<80x256xf32, #tpu.memory_space<vmem>>, vector<1x16xf32>,
        %swap3A_372 = vector.shape_cast %swap3A_371 : vector<1x16xf32> to vector<16xf32>
        %swap3A_373 = vector.shape_cast %add3A_368 : vector<16xf32> to vector<1x16xf32>
        tpu.vector_store %arg10[%swap3A_369, %swap3A_370], %swap3A_373 {strides = array<i32>} : memref<80x256xf32, #tpu.memory_space<vmem>>, vector<1x16xf32>,
      }
      %scan3A_141 = arith.constant 80 : i32
      %add3A_142 = arith.constant 1 : i32
      %add3A_143 = arith.addi %mul3A_66, %add3A_142 : i32
      %mul3A_144 = arith.constant 80 : i32
      %mul3A_145 = arith.muli %add3A_143, %mul3A_144 : i32
      %add3A_146 = arith.addi %mul3A_2, %mul3A_145 : i32
      %dma_start3A_147 = arith.constant 0 : i32
      %dma_start3A_148 = tpu.memref_slice %arg6[%add3A_146, %dma_start3A_147] : memref<320000x256xf32, #tpu.memory_space<hbm>> -> memref<80x256xf32, #tpu.memory_space<hbm>>
      %dma_start3A_149 = arith.constant 0 : i32
      %dma_start3A_150 = tpu.memref_slice %arg6[%add3A_146, %dma_start3A_149] : memref<320000x256xf32, #tpu.memory_space<hbm>> -> memref<80x256xf32, #tpu.memory_space<hbm>>
      tpu.enqueue_dma source(%arg10 : memref<80x256xf32, #tpu.memory_space<vmem>>) target(%dma_start3A_150 : memref<80x256xf32, #tpu.memory_space<hbm>>) target_semaphore(%arg16 : memref<!tpu.dma_semaphore, #tpu.memory_space<semaphore_mem>>)
    }
    %scan3A_7 = arith.constant 62 : i32
    %dma_wait3A = arith.constant 0 : i32
    %dma_wait3A_8 = arith.constant 0 : i32
    %dma_wait3A_9 = tpu.memref_slice %arg6[%dma_wait3A, %dma_wait3A_8] : memref<320000x256xf32, #tpu.memory_space<hbm>> -> memref<80x256xf32, #tpu.memory_space<hbm>>
    %dma_wait3A_10 = arith.constant 0 : i32
    %dma_wait3A_11 = arith.constant 0 : i32
    %dma_wait3A_12 = tpu.memref_slice %arg6[%dma_wait3A_10, %dma_wait3A_11] : memref<320000x256xf32, #tpu.memory_space<hbm>> -> memref<80x256xf32, #tpu.memory_space<hbm>>
    tpu.wait_dma2 semaphore(%arg15 : memref<!tpu.dma_semaphore, #tpu.memory_space<semaphore_mem>>) src(%arg9 : memref<80x256xf32, #tpu.memory_space<vmem>>) dst(%dma_wait3A_12 : memref<80x256xf32, #tpu.memory_space<hbm>>)
    %dma_start3A = arith.constant 124 : i32
    %dma_start3A_13 = arith.constant 0 : i32
    %dma_start3A_14 = tpu.memref_slice %arg7[%dma_start3A, %dma_start3A_13] : memref<125x80xi32, #tpu.memory_space<vmem>> -> memref<1x80xi32, #tpu.memory_space<vmem>>
    %dma_start3A_15 = tpu.memref_squeeze %dma_start3A_14 : memref<1x80xi32, #tpu.memory_space<vmem>> -> memref<80xi32, #tpu.memory_space<vmem>>
    %dma_start3A_16 = arith.constant 0 : i32
    %dma_start3A_17 = arith.constant 0 : i32
    %dma_start3A_18 = tpu.memref_slice %arg2[%dma_start3A_16, %dma_start3A_17] : memref<10000x256xf32, #tpu.memory_space<hbm>> -> memref<10000x256xf32, #tpu.memory_space<hbm>>
    tpu.enqueue_indirect_dma source(%dma_start3A_18 : memref<10000x256xf32, #tpu.memory_space<hbm>>) target(%arg9 : memref<80x256xf32, #tpu.memory_space<vmem>>) offsets(%dma_start3A_15 : memref<80xi32, #tpu.memory_space<vmem>>) semaphore(%arg13 : memref<!tpu.dma_semaphore, #tpu.memory_space<semaphore_mem>>)
    %dma_start3A_19 = arith.constant 124 : i32
    %dma_start3A_20 = arith.constant 0 : i32
    %dma_start3A_21 = tpu.memref_slice %arg8[%dma_start3A_19, %dma_start3A_20] : memref<125x80xi32, #tpu.memory_space<vmem>> -> memref<1x80xi32, #tpu.memory_space<vmem>>
    %dma_start3A_22 = tpu.memref_squeeze %dma_start3A_21 : memref<1x80xi32, #tpu.memory_space<vmem>> -> memref<80xi32, #tpu.memory_space<vmem>>
    %dma_start3A_23 = arith.constant 0 : i32
    %dma_start3A_24 = arith.constant 0 : i32
    %dma_start3A_25 = tpu.memref_slice %arg3[%dma_start3A_23, %dma_start3A_24] : memref<10000x256xf32, #tpu.memory_space<hbm>> -> memref<10000x256xf32, #tpu.memory_space<hbm>>
    tpu.enqueue_indirect_dma source(%dma_start3A_25 : memref<10000x256xf32, #tpu.memory_space<hbm>>) target(%arg11 : memref<80x256xf32, #tpu.memory_space<vmem>>) offsets(%dma_start3A_22 : memref<80xi32, #tpu.memory_space<vmem>>) semaphore(%arg13 : memref<!tpu.dma_semaphore, #tpu.memory_space<semaphore_mem>>)
    %dma_wait3A_26 = arith.constant 124 : i32
    %dma_wait3A_27 = arith.constant 0 : i32
    %dma_wait3A_28 = tpu.memref_slice %arg7[%dma_wait3A_26, %dma_wait3A_27] : memref<125x80xi32, #tpu.memory_space<vmem>> -> memref<1x80xi32, #tpu.memory_space<vmem>>
    %dma_wait3A_29 = tpu.memref_squeeze %dma_wait3A_28 : memref<1x80xi32, #tpu.memory_space<vmem>> -> memref<80xi32, #tpu.memory_space<vmem>>
    %dma_wait3A_30 = arith.constant 0 : i32
    %dma_wait3A_31 = arith.constant 0 : i32
    %dma_wait3A_32 = tpu.memref_slice %arg2[%dma_wait3A_30, %dma_wait3A_31] : memref<10000x256xf32, #tpu.memory_space<hbm>> -> memref<10000x256xf32, #tpu.memory_space<hbm>>
    tpu.wait_indirect_dma semaphore(%arg13 : memref<!tpu.dma_semaphore, #tpu.memory_space<semaphore_mem>>) src(%dma_wait3A_32 : memref<10000x256xf32, #tpu.memory_space<hbm>>) dst(%arg9 : memref<80x256xf32, #tpu.memory_space<vmem>>)
    %dma_wait3A_33 = arith.constant 124 : i32
    %dma_wait3A_34 = arith.constant 0 : i32
    %dma_wait3A_35 = tpu.memref_slice %arg8[%dma_wait3A_33, %dma_wait3A_34] : memref<125x80xi32, #tpu.memory_space<vmem>> -> memref<1x80xi32, #tpu.memory_space<vmem>>
    %dma_wait3A_36 = tpu.memref_squeeze %dma_wait3A_35 : memref<1x80xi32, #tpu.memory_space<vmem>> -> memref<80xi32, #tpu.memory_space<vmem>>
    %dma_wait3A_37 = arith.constant 0 : i32
    %dma_wait3A_38 = arith.constant 0 : i32
    %dma_wait3A_39 = tpu.memref_slice %arg3[%dma_wait3A_37, %dma_wait3A_38] : memref<10000x256xf32, #tpu.memory_space<hbm>> -> memref<10000x256xf32, #tpu.memory_space<hbm>>
    tpu.wait_indirect_dma semaphore(%arg13 : memref<!tpu.dma_semaphore, #tpu.memory_space<semaphore_mem>>) src(%dma_wait3A_39 : memref<10000x256xf32, #tpu.memory_space<hbm>>) dst(%arg11 : memref<80x256xf32, #tpu.memory_space<vmem>>)
    %scan3A_40 = arith.constant 0 : i32
    %scan3A_41 = arith.constant 0 : i32
    %scan3A_42 = arith.constant 80 : i32
    %scan3A_43 = arith.addi %scan3A_41, %scan3A_42 : i32
    %scan3A_44 = arith.constant 1 : i32
    scf.for %scan3A_64 = %scan3A_41 to %scan3A_43 step %scan3A_44  : i32 {
      %get3A = arith.index_cast %scan3A_64 : i32 to index
      %get3A_65 = arith.constant 0 : index
      %get3A_66 = tpu.vector_load %arg9[%get3A, %get3A_65] {strides = array<i32>} : memref<80x256xf32, #tpu.memory_space<vmem>>, vector<1x16xf32>,
      %get3A_67 = vector.shape_cast %get3A_66 : vector<1x16xf32> to vector<16xf32>
      %get3A_68 = arith.index_cast %scan3A_64 : i32 to index
      %get3A_69 = arith.constant 0 : index
      %get3A_70 = tpu.vector_load %arg11[%get3A_68, %get3A_69] {strides = array<i32>} : memref<80x256xf32, #tpu.memory_space<vmem>>, vector<1x16xf32>,
      %get3A_71 = vector.shape_cast %get3A_70 : vector<1x16xf32> to vector<16xf32>
      %add3A_72 = arith.addf %get3A_67, %get3A_71 : vector<16xf32>
      %swap3A = arith.index_cast %scan3A_64 : i32 to index
      %swap3A_73 = arith.constant 0 : index
      %swap3A_74 = tpu.vector_load %arg9[%swap3A, %swap3A_73] {strides = array<i32>} : memref<80x256xf32, #tpu.memory_space<vmem>>, vector<1x16xf32>,
      %swap3A_75 = vector.shape_cast %swap3A_74 : vector<1x16xf32> to vector<16xf32>
      %swap3A_76 = vector.shape_cast %add3A_72 : vector<16xf32> to vector<1x16xf32>
      tpu.vector_store %arg9[%swap3A, %swap3A_73], %swap3A_76 {strides = array<i32>} : memref<80x256xf32, #tpu.memory_space<vmem>>, vector<1x16xf32>,
      %get3A_77 = arith.index_cast %scan3A_64 : i32 to index
      %get3A_78 = arith.constant 16 : index
      %get3A_79 = tpu.vector_load %arg9[%get3A_77, %get3A_78] {strides = array<i32>} : memref<80x256xf32, #tpu.memory_space<vmem>>, vector<1x16xf32>,
      %get3A_80 = vector.shape_cast %get3A_79 : vector<1x16xf32> to vector<16xf32>
      %get3A_81 = arith.index_cast %scan3A_64 : i32 to index
      %get3A_82 = arith.constant 16 : index
      %get3A_83 = tpu.vector_load %arg11[%get3A_81, %get3A_82] {strides = array<i32>} : memref<80x256xf32, #tpu.memory_space<vmem>>, vector<1x16xf32>,
      %get3A_84 = vector.shape_cast %get3A_83 : vector<1x16xf32> to vector<16xf32>
      %add3A_85 = arith.addf %get3A_80, %get3A_84 : vector<16xf32>
      %swap3A_86 = arith.index_cast %scan3A_64 : i32 to index
      %swap3A_87 = arith.constant 16 : index
      %swap3A_88 = tpu.vector_load %arg9[%swap3A_86, %swap3A_87] {strides = array<i32>} : memref<80x256xf32, #tpu.memory_space<vmem>>, vector<1x16xf32>,
      %swap3A_89 = vector.shape_cast %swap3A_88 : vector<1x16xf32> to vector<16xf32>
      %swap3A_90 = vector.shape_cast %add3A_85 : vector<16xf32> to vector<1x16xf32>
      tpu.vector_store %arg9[%swap3A_86, %swap3A_87], %swap3A_90 {strides = array<i32>} : memref<80x256xf32, #tpu.memory_space<vmem>>, vector<1x16xf32>,
      %get3A_91 = arith.index_cast %scan3A_64 : i32 to index
      %get3A_92 = arith.constant 32 : index
      %get3A_93 = tpu.vector_load %arg9[%get3A_91, %get3A_92] {strides = array<i32>} : memref<80x256xf32, #tpu.memory_space<vmem>>, vector<1x16xf32>,
      %get3A_94 = vector.shape_cast %get3A_93 : vector<1x16xf32> to vector<16xf32>
      %get3A_95 = arith.index_cast %scan3A_64 : i32 to index
      %get3A_96 = arith.constant 32 : index
      %get3A_97 = tpu.vector_load %arg11[%get3A_95, %get3A_96] {strides = array<i32>} : memref<80x256xf32, #tpu.memory_space<vmem>>, vector<1x16xf32>,
      %get3A_98 = vector.shape_cast %get3A_97 : vector<1x16xf32> to vector<16xf32>
      %add3A_99 = arith.addf %get3A_94, %get3A_98 : vector<16xf32>
      %swap3A_100 = arith.index_cast %scan3A_64 : i32 to index
      %swap3A_101 = arith.constant 32 : index
      %swap3A_102 = tpu.vector_load %arg9[%swap3A_100, %swap3A_101] {strides = array<i32>} : memref<80x256xf32, #tpu.memory_space<vmem>>, vector<1x16xf32>,
      %swap3A_103 = vector.shape_cast %swap3A_102 : vector<1x16xf32> to vector<16xf32>
      %swap3A_104 = vector.shape_cast %add3A_99 : vector<16xf32> to vector<1x16xf32>
      tpu.vector_store %arg9[%swap3A_100, %swap3A_101], %swap3A_104 {strides = array<i32>} : memref<80x256xf32, #tpu.memory_space<vmem>>, vector<1x16xf32>,
      %get3A_105 = arith.index_cast %scan3A_64 : i32 to index
      %get3A_106 = arith.constant 48 : index
      %get3A_107 = tpu.vector_load %arg9[%get3A_105, %get3A_106] {strides = array<i32>} : memref<80x256xf32, #tpu.memory_space<vmem>>, vector<1x16xf32>,
      %get3A_108 = vector.shape_cast %get3A_107 : vector<1x16xf32> to vector<16xf32>
      %get3A_109 = arith.index_cast %scan3A_64 : i32 to index
      %get3A_110 = arith.constant 48 : index
      %get3A_111 = tpu.vector_load %arg11[%get3A_109, %get3A_110] {strides = array<i32>} : memref<80x256xf32, #tpu.memory_space<vmem>>, vector<1x16xf32>,
      %get3A_112 = vector.shape_cast %get3A_111 : vector<1x16xf32> to vector<16xf32>
      %add3A_113 = arith.addf %get3A_108, %get3A_112 : vector<16xf32>
      %swap3A_114 = arith.index_cast %scan3A_64 : i32 to index
      %swap3A_115 = arith.constant 48 : index
      %swap3A_116 = tpu.vector_load %arg9[%swap3A_114, %swap3A_115] {strides = array<i32>} : memref<80x256xf32, #tpu.memory_space<vmem>>, vector<1x16xf32>,
      %swap3A_117 = vector.shape_cast %swap3A_116 : vector<1x16xf32> to vector<16xf32>
      %swap3A_118 = vector.shape_cast %add3A_113 : vector<16xf32> to vector<1x16xf32>
      tpu.vector_store %arg9[%swap3A_114, %swap3A_115], %swap3A_118 {strides = array<i32>} : memref<80x256xf32, #tpu.memory_space<vmem>>, vector<1x16xf32>,
      %get3A_119 = arith.index_cast %scan3A_64 : i32 to index
      %get3A_120 = arith.constant 64 : index
      %get3A_121 = tpu.vector_load %arg9[%get3A_119, %get3A_120] {strides = array<i32>} : memref<80x256xf32, #tpu.memory_space<vmem>>, vector<1x16xf32>,
      %get3A_122 = vector.shape_cast %get3A_121 : vector<1x16xf32> to vector<16xf32>
      %get3A_123 = arith.index_cast %scan3A_64 : i32 to index
      %get3A_124 = arith.constant 64 : index
      %get3A_125 = tpu.vector_load %arg11[%get3A_123, %get3A_124] {strides = array<i32>} : memref<80x256xf32, #tpu.memory_space<vmem>>, vector<1x16xf32>,
      %get3A_126 = vector.shape_cast %get3A_125 : vector<1x16xf32> to vector<16xf32>
      %add3A_127 = arith.addf %get3A_122, %get3A_126 : vector<16xf32>
      %swap3A_128 = arith.index_cast %scan3A_64 : i32 to index
      %swap3A_129 = arith.constant 64 : index
      %swap3A_130 = tpu.vector_load %arg9[%swap3A_128, %swap3A_129] {strides = array<i32>} : memref<80x256xf32, #tpu.memory_space<vmem>>, vector<1x16xf32>,
      %swap3A_131 = vector.shape_cast %swap3A_130 : vector<1x16xf32> to vector<16xf32>
      %swap3A_132 = vector.shape_cast %add3A_127 : vector<16xf32> to vector<1x16xf32>
      tpu.vector_store %arg9[%swap3A_128, %swap3A_129], %swap3A_132 {strides = array<i32>} : memref<80x256xf32, #tpu.memory_space<vmem>>, vector<1x16xf32>,
      %get3A_133 = arith.index_cast %scan3A_64 : i32 to index
      %get3A_134 = arith.constant 80 : index
      %get3A_135 = tpu.vector_load %arg9[%get3A_133, %get3A_134] {strides = array<i32>} : memref<80x256xf32, #tpu.memory_space<vmem>>, vector<1x16xf32>,
      %get3A_136 = vector.shape_cast %get3A_135 : vector<1x16xf32> to vector<16xf32>
      %get3A_137 = arith.index_cast %scan3A_64 : i32 to index
      %get3A_138 = arith.constant 80 : index
      %get3A_139 = tpu.vector_load %arg11[%get3A_137, %get3A_138] {strides = array<i32>} : memref<80x256xf32, #tpu.memory_space<vmem>>, vector<1x16xf32>,
      %get3A_140 = vector.shape_cast %get3A_139 : vector<1x16xf32> to vector<16xf32>
      %add3A_141 = arith.addf %get3A_136, %get3A_140 : vector<16xf32>
      %swap3A_142 = arith.index_cast %scan3A_64 : i32 to index
      %swap3A_143 = arith.constant 80 : index
      %swap3A_144 = tpu.vector_load %arg9[%swap3A_142, %swap3A_143] {strides = array<i32>} : memref<80x256xf32, #tpu.memory_space<vmem>>, vector<1x16xf32>,
      %swap3A_145 = vector.shape_cast %swap3A_144 : vector<1x16xf32> to vector<16xf32>
      %swap3A_146 = vector.shape_cast %add3A_141 : vector<16xf32> to vector<1x16xf32>
      tpu.vector_store %arg9[%swap3A_142, %swap3A_143], %swap3A_146 {strides = array<i32>} : memref<80x256xf32, #tpu.memory_space<vmem>>, vector<1x16xf32>,
      %get3A_147 = arith.index_cast %scan3A_64 : i32 to index
      %get3A_148 = arith.constant 96 : index
      %get3A_149 = tpu.vector_load %arg9[%get3A_147, %get3A_148] {strides = array<i32>} : memref<80x256xf32, #tpu.memory_space<vmem>>, vector<1x16xf32>,
      %get3A_150 = vector.shape_cast %get3A_149 : vector<1x16xf32> to vector<16xf32>
      %get3A_151 = arith.index_cast %scan3A_64 : i32 to index
      %get3A_152 = arith.constant 96 : index
      %get3A_153 = tpu.vector_load %arg11[%get3A_151, %get3A_152] {strides = array<i32>} : memref<80x256xf32, #tpu.memory_space<vmem>>, vector<1x16xf32>,
      %get3A_154 = vector.shape_cast %get3A_153 : vector<1x16xf32> to vector<16xf32>
      %add3A_155 = arith.addf %get3A_150, %get3A_154 : vector<16xf32>
      %swap3A_156 = arith.index_cast %scan3A_64 : i32 to index
      %swap3A_157 = arith.constant 96 : index
      %swap3A_158 = tpu.vector_load %arg9[%swap3A_156, %swap3A_157] {strides = array<i32>} : memref<80x256xf32, #tpu.memory_space<vmem>>, vector<1x16xf32>,
      %swap3A_159 = vector.shape_cast %swap3A_158 : vector<1x16xf32> to vector<16xf32>
      %swap3A_160 = vector.shape_cast %add3A_155 : vector<16xf32> to vector<1x16xf32>
      tpu.vector_store %arg9[%swap3A_156, %swap3A_157], %swap3A_160 {strides = array<i32>} : memref<80x256xf32, #tpu.memory_space<vmem>>, vector<1x16xf32>,
      %get3A_161 = arith.index_cast %scan3A_64 : i32 to index
      %get3A_162 = arith.constant 112 : index
      %get3A_163 = tpu.vector_load %arg9[%get3A_161, %get3A_162] {strides = array<i32>} : memref<80x256xf32, #tpu.memory_space<vmem>>, vector<1x16xf32>,
      %get3A_164 = vector.shape_cast %get3A_163 : vector<1x16xf32> to vector<16xf32>
      %get3A_165 = arith.index_cast %scan3A_64 : i32 to index
      %get3A_166 = arith.constant 112 : index
      %get3A_167 = tpu.vector_load %arg11[%get3A_165, %get3A_166] {strides = array<i32>} : memref<80x256xf32, #tpu.memory_space<vmem>>, vector<1x16xf32>,
      %get3A_168 = vector.shape_cast %get3A_167 : vector<1x16xf32> to vector<16xf32>
      %add3A_169 = arith.addf %get3A_164, %get3A_168 : vector<16xf32>
      %swap3A_170 = arith.index_cast %scan3A_64 : i32 to index
      %swap3A_171 = arith.constant 112 : index
      %swap3A_172 = tpu.vector_load %arg9[%swap3A_170, %swap3A_171] {strides = array<i32>} : memref<80x256xf32, #tpu.memory_space<vmem>>, vector<1x16xf32>,
      %swap3A_173 = vector.shape_cast %swap3A_172 : vector<1x16xf32> to vector<16xf32>
      %swap3A_174 = vector.shape_cast %add3A_169 : vector<16xf32> to vector<1x16xf32>
      tpu.vector_store %arg9[%swap3A_170, %swap3A_171], %swap3A_174 {strides = array<i32>} : memref<80x256xf32, #tpu.memory_space<vmem>>, vector<1x16xf32>,
      %get3A_175 = arith.index_cast %scan3A_64 : i32 to index
      %get3A_176 = arith.constant 128 : index
      %get3A_177 = tpu.vector_load %arg9[%get3A_175, %get3A_176] {strides = array<i32>} : memref<80x256xf32, #tpu.memory_space<vmem>>, vector<1x16xf32>,
      %get3A_178 = vector.shape_cast %get3A_177 : vector<1x16xf32> to vector<16xf32>
      %get3A_179 = arith.index_cast %scan3A_64 : i32 to index
      %get3A_180 = arith.constant 128 : index
      %get3A_181 = tpu.vector_load %arg11[%get3A_179, %get3A_180] {strides = array<i32>} : memref<80x256xf32, #tpu.memory_space<vmem>>, vector<1x16xf32>,
      %get3A_182 = vector.shape_cast %get3A_181 : vector<1x16xf32> to vector<16xf32>
      %add3A_183 = arith.addf %get3A_178, %get3A_182 : vector<16xf32>
      %swap3A_184 = arith.index_cast %scan3A_64 : i32 to index
      %swap3A_185 = arith.constant 128 : index
      %swap3A_186 = tpu.vector_load %arg9[%swap3A_184, %swap3A_185] {strides = array<i32>} : memref<80x256xf32, #tpu.memory_space<vmem>>, vector<1x16xf32>,
      %swap3A_187 = vector.shape_cast %swap3A_186 : vector<1x16xf32> to vector<16xf32>
      %swap3A_188 = vector.shape_cast %add3A_183 : vector<16xf32> to vector<1x16xf32>
      tpu.vector_store %arg9[%swap3A_184, %swap3A_185], %swap3A_188 {strides = array<i32>} : memref<80x256xf32, #tpu.memory_space<vmem>>, vector<1x16xf32>,
      %get3A_189 = arith.index_cast %scan3A_64 : i32 to index
      %get3A_190 = arith.constant 144 : index
      %get3A_191 = tpu.vector_load %arg9[%get3A_189, %get3A_190] {strides = array<i32>} : memref<80x256xf32, #tpu.memory_space<vmem>>, vector<1x16xf32>,
      %get3A_192 = vector.shape_cast %get3A_191 : vector<1x16xf32> to vector<16xf32>
      %get3A_193 = arith.index_cast %scan3A_64 : i32 to index
      %get3A_194 = arith.constant 144 : index
      %get3A_195 = tpu.vector_load %arg11[%get3A_193, %get3A_194] {strides = array<i32>} : memref<80x256xf32, #tpu.memory_space<vmem>>, vector<1x16xf32>,
      %get3A_196 = vector.shape_cast %get3A_195 : vector<1x16xf32> to vector<16xf32>
      %add3A_197 = arith.addf %get3A_192, %get3A_196 : vector<16xf32>
      %swap3A_198 = arith.index_cast %scan3A_64 : i32 to index
      %swap3A_199 = arith.constant 144 : index
      %swap3A_200 = tpu.vector_load %arg9[%swap3A_198, %swap3A_199] {strides = array<i32>} : memref<80x256xf32, #tpu.memory_space<vmem>>, vector<1x16xf32>,
      %swap3A_201 = vector.shape_cast %swap3A_200 : vector<1x16xf32> to vector<16xf32>
      %swap3A_202 = vector.shape_cast %add3A_197 : vector<16xf32> to vector<1x16xf32>
      tpu.vector_store %arg9[%swap3A_198, %swap3A_199], %swap3A_202 {strides = array<i32>} : memref<80x256xf32, #tpu.memory_space<vmem>>, vector<1x16xf32>,
      %get3A_203 = arith.index_cast %scan3A_64 : i32 to index
      %get3A_204 = arith.constant 160 : index
      %get3A_205 = tpu.vector_load %arg9[%get3A_203, %get3A_204] {strides = array<i32>} : memref<80x256xf32, #tpu.memory_space<vmem>>, vector<1x16xf32>,
      %get3A_206 = vector.shape_cast %get3A_205 : vector<1x16xf32> to vector<16xf32>
      %get3A_207 = arith.index_cast %scan3A_64 : i32 to index
      %get3A_208 = arith.constant 160 : index
      %get3A_209 = tpu.vector_load %arg11[%get3A_207, %get3A_208] {strides = array<i32>} : memref<80x256xf32, #tpu.memory_space<vmem>>, vector<1x16xf32>,
      %get3A_210 = vector.shape_cast %get3A_209 : vector<1x16xf32> to vector<16xf32>
      %add3A_211 = arith.addf %get3A_206, %get3A_210 : vector<16xf32>
      %swap3A_212 = arith.index_cast %scan3A_64 : i32 to index
      %swap3A_213 = arith.constant 160 : index
      %swap3A_214 = tpu.vector_load %arg9[%swap3A_212, %swap3A_213] {strides = array<i32>} : memref<80x256xf32, #tpu.memory_space<vmem>>, vector<1x16xf32>,
      %swap3A_215 = vector.shape_cast %swap3A_214 : vector<1x16xf32> to vector<16xf32>
      %swap3A_216 = vector.shape_cast %add3A_211 : vector<16xf32> to vector<1x16xf32>
      tpu.vector_store %arg9[%swap3A_212, %swap3A_213], %swap3A_216 {strides = array<i32>} : memref<80x256xf32, #tpu.memory_space<vmem>>, vector<1x16xf32>,
      %get3A_217 = arith.index_cast %scan3A_64 : i32 to index
      %get3A_218 = arith.constant 176 : index
      %get3A_219 = tpu.vector_load %arg9[%get3A_217, %get3A_218] {strides = array<i32>} : memref<80x256xf32, #tpu.memory_space<vmem>>, vector<1x16xf32>,
      %get3A_220 = vector.shape_cast %get3A_219 : vector<1x16xf32> to vector<16xf32>
      %get3A_221 = arith.index_cast %scan3A_64 : i32 to index
      %get3A_222 = arith.constant 176 : index
      %get3A_223 = tpu.vector_load %arg11[%get3A_221, %get3A_222] {strides = array<i32>} : memref<80x256xf32, #tpu.memory_space<vmem>>, vector<1x16xf32>,
      %get3A_224 = vector.shape_cast %get3A_223 : vector<1x16xf32> to vector<16xf32>
      %add3A_225 = arith.addf %get3A_220, %get3A_224 : vector<16xf32>
      %swap3A_226 = arith.index_cast %scan3A_64 : i32 to index
      %swap3A_227 = arith.constant 176 : index
      %swap3A_228 = tpu.vector_load %arg9[%swap3A_226, %swap3A_227] {strides = array<i32>} : memref<80x256xf32, #tpu.memory_space<vmem>>, vector<1x16xf32>,
      %swap3A_229 = vector.shape_cast %swap3A_228 : vector<1x16xf32> to vector<16xf32>
      %swap3A_230 = vector.shape_cast %add3A_225 : vector<16xf32> to vector<1x16xf32>
      tpu.vector_store %arg9[%swap3A_226, %swap3A_227], %swap3A_230 {strides = array<i32>} : memref<80x256xf32, #tpu.memory_space<vmem>>, vector<1x16xf32>,
      %get3A_231 = arith.index_cast %scan3A_64 : i32 to index
      %get3A_232 = arith.constant 192 : index
      %get3A_233 = tpu.vector_load %arg9[%get3A_231, %get3A_232] {strides = array<i32>} : memref<80x256xf32, #tpu.memory_space<vmem>>, vector<1x16xf32>,
      %get3A_234 = vector.shape_cast %get3A_233 : vector<1x16xf32> to vector<16xf32>
      %get3A_235 = arith.index_cast %scan3A_64 : i32 to index
      %get3A_236 = arith.constant 192 : index
      %get3A_237 = tpu.vector_load %arg11[%get3A_235, %get3A_236] {strides = array<i32>} : memref<80x256xf32, #tpu.memory_space<vmem>>, vector<1x16xf32>,
      %get3A_238 = vector.shape_cast %get3A_237 : vector<1x16xf32> to vector<16xf32>
      %add3A_239 = arith.addf %get3A_234, %get3A_238 : vector<16xf32>
      %swap3A_240 = arith.index_cast %scan3A_64 : i32 to index
      %swap3A_241 = arith.constant 192 : index
      %swap3A_242 = tpu.vector_load %arg9[%swap3A_240, %swap3A_241] {strides = array<i32>} : memref<80x256xf32, #tpu.memory_space<vmem>>, vector<1x16xf32>,
      %swap3A_243 = vector.shape_cast %swap3A_242 : vector<1x16xf32> to vector<16xf32>
      %swap3A_244 = vector.shape_cast %add3A_239 : vector<16xf32> to vector<1x16xf32>
      tpu.vector_store %arg9[%swap3A_240, %swap3A_241], %swap3A_244 {strides = array<i32>} : memref<80x256xf32, #tpu.memory_space<vmem>>, vector<1x16xf32>,
      %get3A_245 = arith.index_cast %scan3A_64 : i32 to index
      %get3A_246 = arith.constant 208 : index
      %get3A_247 = tpu.vector_load %arg9[%get3A_245, %get3A_246] {strides = array<i32>} : memref<80x256xf32, #tpu.memory_space<vmem>>, vector<1x16xf32>,
      %get3A_248 = vector.shape_cast %get3A_247 : vector<1x16xf32> to vector<16xf32>
      %get3A_249 = arith.index_cast %scan3A_64 : i32 to index
      %get3A_250 = arith.constant 208 : index
      %get3A_251 = tpu.vector_load %arg11[%get3A_249, %get3A_250] {strides = array<i32>} : memref<80x256xf32, #tpu.memory_space<vmem>>, vector<1x16xf32>,
      %get3A_252 = vector.shape_cast %get3A_251 : vector<1x16xf32> to vector<16xf32>
      %add3A_253 = arith.addf %get3A_248, %get3A_252 : vector<16xf32>
      %swap3A_254 = arith.index_cast %scan3A_64 : i32 to index
      %swap3A_255 = arith.constant 208 : index
      %swap3A_256 = tpu.vector_load %arg9[%swap3A_254, %swap3A_255] {strides = array<i32>} : memref<80x256xf32, #tpu.memory_space<vmem>>, vector<1x16xf32>,
      %swap3A_257 = vector.shape_cast %swap3A_256 : vector<1x16xf32> to vector<16xf32>
      %swap3A_258 = vector.shape_cast %add3A_253 : vector<16xf32> to vector<1x16xf32>
      tpu.vector_store %arg9[%swap3A_254, %swap3A_255], %swap3A_258 {strides = array<i32>} : memref<80x256xf32, #tpu.memory_space<vmem>>, vector<1x16xf32>,
      %get3A_259 = arith.index_cast %scan3A_64 : i32 to index
      %get3A_260 = arith.constant 224 : index
      %get3A_261 = tpu.vector_load %arg9[%get3A_259, %get3A_260] {strides = array<i32>} : memref<80x256xf32, #tpu.memory_space<vmem>>, vector<1x16xf32>,
      %get3A_262 = vector.shape_cast %get3A_261 : vector<1x16xf32> to vector<16xf32>
      %get3A_263 = arith.index_cast %scan3A_64 : i32 to index
      %get3A_264 = arith.constant 224 : index
      %get3A_265 = tpu.vector_load %arg11[%get3A_263, %get3A_264] {strides = array<i32>} : memref<80x256xf32, #tpu.memory_space<vmem>>, vector<1x16xf32>,
      %get3A_266 = vector.shape_cast %get3A_265 : vector<1x16xf32> to vector<16xf32>
      %add3A_267 = arith.addf %get3A_262, %get3A_266 : vector<16xf32>
      %swap3A_268 = arith.index_cast %scan3A_64 : i32 to index
      %swap3A_269 = arith.constant 224 : index
      %swap3A_270 = tpu.vector_load %arg9[%swap3A_268, %swap3A_269] {strides = array<i32>} : memref<80x256xf32, #tpu.memory_space<vmem>>, vector<1x16xf32>,
      %swap3A_271 = vector.shape_cast %swap3A_270 : vector<1x16xf32> to vector<16xf32>
      %swap3A_272 = vector.shape_cast %add3A_267 : vector<16xf32> to vector<1x16xf32>
      tpu.vector_store %arg9[%swap3A_268, %swap3A_269], %swap3A_272 {strides = array<i32>} : memref<80x256xf32, #tpu.memory_space<vmem>>, vector<1x16xf32>,
      %get3A_273 = arith.index_cast %scan3A_64 : i32 to index
      %get3A_274 = arith.constant 240 : index
      %get3A_275 = tpu.vector_load %arg9[%get3A_273, %get3A_274] {strides = array<i32>} : memref<80x256xf32, #tpu.memory_space<vmem>>, vector<1x16xf32>,
      %get3A_276 = vector.shape_cast %get3A_275 : vector<1x16xf32> to vector<16xf32>
      %get3A_277 = arith.index_cast %scan3A_64 : i32 to index
      %get3A_278 = arith.constant 240 : index
      %get3A_279 = tpu.vector_load %arg11[%get3A_277, %get3A_278] {strides = array<i32>} : memref<80x256xf32, #tpu.memory_space<vmem>>, vector<1x16xf32>,
      %get3A_280 = vector.shape_cast %get3A_279 : vector<1x16xf32> to vector<16xf32>
      %add3A_281 = arith.addf %get3A_276, %get3A_280 : vector<16xf32>
      %swap3A_282 = arith.index_cast %scan3A_64 : i32 to index
      %swap3A_283 = arith.constant 240 : index
      %swap3A_284 = tpu.vector_load %arg9[%swap3A_282, %swap3A_283] {strides = array<i32>} : memref<80x256xf32, #tpu.memory_space<vmem>>, vector<1x16xf32>,
      %swap3A_285 = vector.shape_cast %swap3A_284 : vector<1x16xf32> to vector<16xf32>
      %swap3A_286 = vector.shape_cast %add3A_281 : vector<16xf32> to vector<1x16xf32>
      tpu.vector_store %arg9[%swap3A_282, %swap3A_283], %swap3A_286 {strides = array<i32>} : memref<80x256xf32, #tpu.memory_space<vmem>>, vector<1x16xf32>,
    }
    %scan3A_45 = arith.constant 80 : i32
    %add3A_46 = arith.constant 9920 : i32
    %add3A_47 = arith.addi %mul3A_2, %add3A_46 : i32
    %dma_start3A_48 = arith.constant 0 : i32
    %dma_start3A_49 = tpu.memref_slice %arg6[%add3A_47, %dma_start3A_48] : memref<320000x256xf32, #tpu.memory_space<hbm>> -> memref<80x256xf32, #tpu.memory_space<hbm>>
    %dma_start3A_50 = arith.constant 0 : i32
    %dma_start3A_51 = tpu.memref_slice %arg6[%add3A_47, %dma_start3A_50] : memref<320000x256xf32, #tpu.memory_space<hbm>> -> memref<80x256xf32, #tpu.memory_space<hbm>>
    tpu.enqueue_dma source(%arg9 : memref<80x256xf32, #tpu.memory_space<vmem>>) target(%dma_start3A_51 : memref<80x256xf32, #tpu.memory_space<hbm>>) target_semaphore(%arg15 : memref<!tpu.dma_semaphore, #tpu.memory_space<semaphore_mem>>)
    %dma_wait3A_52 = arith.constant 0 : i32
    %dma_wait3A_53 = arith.constant 0 : i32
    %dma_wait3A_54 = tpu.memref_slice %arg6[%dma_wait3A_52, %dma_wait3A_53] : memref<320000x256xf32, #tpu.memory_space<hbm>> -> memref<80x256xf32, #tpu.memory_space<hbm>>
    %dma_wait3A_55 = arith.constant 0 : i32
    %dma_wait3A_56 = arith.constant 0 : i32
    %dma_wait3A_57 = tpu.memref_slice %arg6[%dma_wait3A_55, %dma_wait3A_56] : memref<320000x256xf32, #tpu.memory_space<hbm>> -> memref<80x256xf32, #tpu.memory_space<hbm>>
    tpu.wait_dma2 semaphore(%arg16 : memref<!tpu.dma_semaphore, #tpu.memory_space<semaphore_mem>>) src(%arg10 : memref<80x256xf32, #tpu.memory_space<vmem>>) dst(%dma_wait3A_57 : memref<80x256xf32, #tpu.memory_space<hbm>>)
    %dma_wait3A_58 = arith.constant 0 : i32
    %dma_wait3A_59 = arith.constant 0 : i32
    %dma_wait3A_60 = tpu.memref_slice %arg6[%dma_wait3A_58, %dma_wait3A_59] : memref<320000x256xf32, #tpu.memory_space<hbm>> -> memref<80x256xf32, #tpu.memory_space<hbm>>
    %dma_wait3A_61 = arith.constant 0 : i32
    %dma_wait3A_62 = arith.constant 0 : i32
    %dma_wait3A_63 = tpu.memref_slice %arg6[%dma_wait3A_61, %dma_wait3A_62] : memref<320000x256xf32, #tpu.memory_space<hbm>> -> memref<80x256xf32, #tpu.memory_space<hbm>>
    tpu.wait_dma2 semaphore(%arg15 : memref<!tpu.dma_semaphore, #tpu.memory_space<semaphore_mem>>) src(%arg9 : memref<80x256xf32, #tpu.memory_space<vmem>>) dst(%dma_wait3A_63 : memref<80x256xf32, #tpu.memory_space<hbm>>)
    return
  }
}

#map = affine_map<(d0, d1) -> (0, 0)>
#map1 = affine_map<(d0, d1) -> (0, 0, 0)>
module attributes {stable_mosaic.version = 14 : i64} {
  func.func @_scatter_body(%arg0: i32, %arg1: i32, %arg2: memref<320000x128xf32, #tpu.memory_space<hbm>>, %arg3: memref<32x125x80xi32, #tpu.memory_space<hbm>>, %arg4: memref<10240x128xf32, #tpu.memory_space<hbm>>, %arg5: memref<2x10240x128xf32, #tpu.memory_space<hbm>>, %arg6: memref<125x80xi32, #tpu.memory_space<vmem>>, %arg7: memref<80x128xf32, #tpu.memory_space<vmem>>, %arg8: memref<80x128xf32, #tpu.memory_space<vmem>>, %arg9: memref<!tpu.dma_semaphore, #tpu.memory_space<semaphore_mem>>, %arg10: memref<!tpu.dma_semaphore, #tpu.memory_space<semaphore_mem>>, %arg11: memref<10240x128xf32, #tpu.memory_space<vmem_shared>>) attributes {dimension_semantics = [#tpu.dimension_semantics<core_parallel>, #tpu.dimension_semantics<subcore_parallel>], iteration_bounds = array<i64: 2, 16>, scalar_prefetch = 0 : i64, scratch_operands = 6 : i64, tpu.core_type = #tpu.core_type<sc_vector_subcore>, window_params = [{transform_indices = #map}, {transform_indices = #map1}, {transform_indices = #map}, {transform_indices = #map1}]} {
    %mul3A = arith.constant 16 : i32
    %mul3A_0 = arith.muli %arg0, %mul3A : i32
    %add3A = arith.addi %mul3A_0, %arg1 : i32
    %mul3A_1 = arith.constant 640 : i32
    %mul3A_2 = arith.muli %arg1, %mul3A_1 : i32
    %mul3A_3 = arith.constant 10000 : i32
    %mul3A_4 = arith.muli %add3A, %mul3A_3 : i32
    "tpu.region"() ({
      %run_scoped3A_19 = tpu.sem_alloc : memref<!tpu.dma_semaphore, #tpu.memory_space<semaphore_mem>>
      %dma_start3A_20 = arith.constant 0 : i32
      %dma_start3A_21 = tpu.memref_slice %arg11[%mul3A_2, %dma_start3A_20] : memref<10240x128xf32, #tpu.memory_space<vmem_shared>> -> memref<640x128xf32, #tpu.memory_space<vmem_shared>>
      %dma_start3A_22 = arith.constant 0 : i32
      %dma_start3A_23 = tpu.memref_slice %arg4[%mul3A_2, %dma_start3A_22] : memref<10240x128xf32, #tpu.memory_space<hbm>> -> memref<640x128xf32, #tpu.memory_space<hbm>>
      tpu.enqueue_dma source(%dma_start3A_23 : memref<640x128xf32, #tpu.memory_space<hbm>>) target(%dma_start3A_21 : memref<640x128xf32, #tpu.memory_space<vmem_shared>>) target_semaphore(%run_scoped3A_19 : memref<!tpu.dma_semaphore, #tpu.memory_space<semaphore_mem>>)
      %dma_wait3A_24 = arith.constant 0 : i32
      %dma_wait3A_25 = tpu.memref_slice %arg11[%mul3A_2, %dma_wait3A_24] : memref<10240x128xf32, #tpu.memory_space<vmem_shared>> -> memref<640x128xf32, #tpu.memory_space<vmem_shared>>
      %dma_wait3A_26 = arith.constant 0 : i32
      %dma_wait3A_27 = tpu.memref_slice %arg4[%mul3A_2, %dma_wait3A_26] : memref<10240x128xf32, #tpu.memory_space<hbm>> -> memref<640x128xf32, #tpu.memory_space<hbm>>
      tpu.wait_dma2 semaphore(%run_scoped3A_19 : memref<!tpu.dma_semaphore, #tpu.memory_space<semaphore_mem>>) src(%dma_wait3A_27 : memref<640x128xf32, #tpu.memory_space<hbm>>) dst(%dma_wait3A_25 : memref<640x128xf32, #tpu.memory_space<vmem_shared>>)
      tpu.yield
    }) : () -> ()
    "tpu.region"() ({
      %run_scoped3A_19 = tpu.sem_alloc : memref<!tpu.dma_semaphore, #tpu.memory_space<semaphore_mem>>
      %dma_start3A_20 = arith.constant 0 : i32
      %dma_start3A_21 = arith.constant 0 : i32
      %dma_start3A_22 = tpu.memref_slice %arg3[%add3A, %dma_start3A_20, %dma_start3A_21] : memref<32x125x80xi32, #tpu.memory_space<hbm>> -> memref<1x125x80xi32, #tpu.memory_space<hbm>>
      %dma_start3A_23 = tpu.memref_squeeze %dma_start3A_22 : memref<1x125x80xi32, #tpu.memory_space<hbm>> -> memref<125x80xi32, #tpu.memory_space<hbm>>
      %dma_start3A_24 = arith.constant 0 : i32
      %dma_start3A_25 = arith.constant 0 : i32
      %dma_start3A_26 = tpu.memref_slice %arg3[%add3A, %dma_start3A_24, %dma_start3A_25] : memref<32x125x80xi32, #tpu.memory_space<hbm>> -> memref<1x125x80xi32, #tpu.memory_space<hbm>>
      %dma_start3A_27 = tpu.memref_squeeze %dma_start3A_26 : memref<1x125x80xi32, #tpu.memory_space<hbm>> -> memref<125x80xi32, #tpu.memory_space<hbm>>
      tpu.enqueue_dma source(%dma_start3A_27 : memref<125x80xi32, #tpu.memory_space<hbm>>) target(%arg6 : memref<125x80xi32, #tpu.memory_space<vmem>>) target_semaphore(%run_scoped3A_19 : memref<!tpu.dma_semaphore, #tpu.memory_space<semaphore_mem>>)
      %dma_wait3A_28 = arith.constant 0 : i32
      %dma_wait3A_29 = arith.constant 0 : i32
      %dma_wait3A_30 = tpu.memref_slice %arg3[%add3A, %dma_wait3A_28, %dma_wait3A_29] : memref<32x125x80xi32, #tpu.memory_space<hbm>> -> memref<1x125x80xi32, #tpu.memory_space<hbm>>
      %dma_wait3A_31 = tpu.memref_squeeze %dma_wait3A_30 : memref<1x125x80xi32, #tpu.memory_space<hbm>> -> memref<125x80xi32, #tpu.memory_space<hbm>>
      %dma_wait3A_32 = arith.constant 0 : i32
      %dma_wait3A_33 = arith.constant 0 : i32
      %dma_wait3A_34 = tpu.memref_slice %arg3[%add3A, %dma_wait3A_32, %dma_wait3A_33] : memref<32x125x80xi32, #tpu.memory_space<hbm>> -> memref<1x125x80xi32, #tpu.memory_space<hbm>>
      %dma_wait3A_35 = tpu.memref_squeeze %dma_wait3A_34 : memref<1x125x80xi32, #tpu.memory_space<hbm>> -> memref<125x80xi32, #tpu.memory_space<hbm>>
      tpu.wait_dma2 semaphore(%run_scoped3A_19 : memref<!tpu.dma_semaphore, #tpu.memory_space<semaphore_mem>>) src(%dma_wait3A_35 : memref<125x80xi32, #tpu.memory_space<hbm>>) dst(%arg6 : memref<125x80xi32, #tpu.memory_space<vmem>>)
      tpu.yield
    }) : () -> ()
    %barrier3A = arith.constant 0 : index
    tpu.barrier barrier_id(%barrier3A)
    %scan3A = arith.constant 0 : i32
    %scan3A_5 = arith.constant 0 : i32
    %scan3A_6 = arith.constant 62 : i32
    %scan3A_7 = arith.addi %scan3A_5, %scan3A_6 : i32
    %scan3A_8 = arith.constant 1 : i32
    scf.for %scan3A_19 = %scan3A_5 to %scan3A_7 step %scan3A_8  : i32 {
      %mul3A_20 = arith.constant 2 : i32
      %mul3A_21 = arith.muli %scan3A_19, %mul3A_20 : i32
      %add3A_22 = arith.constant 1 : i32
      %add3A_23 = arith.addi %mul3A_21, %add3A_22 : i32
      %mul3A_24 = arith.constant 80 : i32
      %mul3A_25 = arith.muli %mul3A_21, %mul3A_24 : i32
      %add3A_26 = arith.addi %mul3A_4, %mul3A_25 : i32
      %dma_start3A_27 = arith.constant 0 : i32
      %dma_start3A_28 = tpu.memref_slice %arg2[%add3A_26, %dma_start3A_27] : memref<320000x128xf32, #tpu.memory_space<hbm>> -> memref<80x128xf32, #tpu.memory_space<hbm>>
      %dma_start3A_29 = arith.constant 0 : i32
      %dma_start3A_30 = tpu.memref_slice %arg2[%add3A_26, %dma_start3A_29] : memref<320000x128xf32, #tpu.memory_space<hbm>> -> memref<80x128xf32, #tpu.memory_space<hbm>>
      tpu.enqueue_dma source(%dma_start3A_30 : memref<80x128xf32, #tpu.memory_space<hbm>>) target(%arg7 : memref<80x128xf32, #tpu.memory_space<vmem>>) target_semaphore(%arg9 : memref<!tpu.dma_semaphore, #tpu.memory_space<semaphore_mem>>)
      %mul3A_31 = arith.constant 80 : i32
      %mul3A_32 = arith.muli %add3A_23, %mul3A_31 : i32
      %add3A_33 = arith.addi %mul3A_4, %mul3A_32 : i32
      %dma_start3A_34 = arith.constant 0 : i32
      %dma_start3A_35 = tpu.memref_slice %arg2[%add3A_33, %dma_start3A_34] : memref<320000x128xf32, #tpu.memory_space<hbm>> -> memref<80x128xf32, #tpu.memory_space<hbm>>
      %dma_start3A_36 = arith.constant 0 : i32
      %dma_start3A_37 = tpu.memref_slice %arg2[%add3A_33, %dma_start3A_36] : memref<320000x128xf32, #tpu.memory_space<hbm>> -> memref<80x128xf32, #tpu.memory_space<hbm>>
      tpu.enqueue_dma source(%dma_start3A_37 : memref<80x128xf32, #tpu.memory_space<hbm>>) target(%arg8 : memref<80x128xf32, #tpu.memory_space<vmem>>) target_semaphore(%arg10 : memref<!tpu.dma_semaphore, #tpu.memory_space<semaphore_mem>>)
      %dma_wait3A_38 = arith.constant 0 : i32
      %dma_wait3A_39 = tpu.memref_slice %arg2[%add3A_26, %dma_wait3A_38] : memref<320000x128xf32, #tpu.memory_space<hbm>> -> memref<80x128xf32, #tpu.memory_space<hbm>>
      %dma_wait3A_40 = arith.constant 0 : i32
      %dma_wait3A_41 = tpu.memref_slice %arg2[%add3A_26, %dma_wait3A_40] : memref<320000x128xf32, #tpu.memory_space<hbm>> -> memref<80x128xf32, #tpu.memory_space<hbm>>
      tpu.wait_dma2 semaphore(%arg9 : memref<!tpu.dma_semaphore, #tpu.memory_space<semaphore_mem>>) src(%dma_wait3A_41 : memref<80x128xf32, #tpu.memory_space<hbm>>) dst(%arg7 : memref<80x128xf32, #tpu.memory_space<vmem>>)
      "tpu.region"() ({
        %run_scoped3A_46 = tpu.sem_alloc : memref<!tpu.dma_semaphore, #tpu.memory_space<semaphore_mem>>
        %dma_start3A_47 = arith.constant 0 : i32
        %dma_start3A_48 = tpu.memref_slice %arg6[%mul3A_21, %dma_start3A_47] : memref<125x80xi32, #tpu.memory_space<vmem>> -> memref<1x80xi32, #tpu.memory_space<vmem>>
        %dma_start3A_49 = tpu.memref_squeeze %dma_start3A_48 : memref<1x80xi32, #tpu.memory_space<vmem>> -> memref<80xi32, #tpu.memory_space<vmem>>
        %dma_start3A_50 = arith.constant 0 : i32
        %dma_start3A_51 = arith.constant 0 : i32
        %dma_start3A_52 = tpu.memref_slice %arg11[%dma_start3A_50, %dma_start3A_51] : memref<10240x128xf32, #tpu.memory_space<vmem_shared>> -> memref<10240x128xf32, #tpu.memory_space<vmem_shared>>
        tpu.enqueue_indirect_dma source(%arg7 : memref<80x128xf32, #tpu.memory_space<vmem>>) target(%dma_start3A_52 : memref<10240x128xf32, #tpu.memory_space<vmem_shared>>) offsets(%dma_start3A_49 : memref<80xi32, #tpu.memory_space<vmem>>) semaphore(%run_scoped3A_46 : memref<!tpu.dma_semaphore, #tpu.memory_space<semaphore_mem>>) {add = true}
        %dma_wait3A_53 = arith.constant 0 : i32
        %dma_wait3A_54 = tpu.memref_slice %arg6[%mul3A_21, %dma_wait3A_53] : memref<125x80xi32, #tpu.memory_space<vmem>> -> memref<1x80xi32, #tpu.memory_space<vmem>>
        %dma_wait3A_55 = tpu.memref_squeeze %dma_wait3A_54 : memref<1x80xi32, #tpu.memory_space<vmem>> -> memref<80xi32, #tpu.memory_space<vmem>>
        %dma_wait3A_56 = arith.constant 0 : i32
        %dma_wait3A_57 = arith.constant 0 : i32
        %dma_wait3A_58 = tpu.memref_slice %arg11[%dma_wait3A_56, %dma_wait3A_57] : memref<10240x128xf32, #tpu.memory_space<vmem_shared>> -> memref<10240x128xf32, #tpu.memory_space<vmem_shared>>
        tpu.wait_indirect_dma semaphore(%run_scoped3A_46 : memref<!tpu.dma_semaphore, #tpu.memory_space<semaphore_mem>>) src(%arg7 : memref<80x128xf32, #tpu.memory_space<vmem>>) dst(%dma_wait3A_58 : memref<10240x128xf32, #tpu.memory_space<vmem_shared>>)
        tpu.yield
      }) : () -> ()
      %dma_wait3A_42 = arith.constant 0 : i32
      %dma_wait3A_43 = tpu.memref_slice %arg2[%add3A_33, %dma_wait3A_42] : memref<320000x128xf32, #tpu.memory_space<hbm>> -> memref<80x128xf32, #tpu.memory_space<hbm>>
      %dma_wait3A_44 = arith.constant 0 : i32
      %dma_wait3A_45 = tpu.memref_slice %arg2[%add3A_33, %dma_wait3A_44] : memref<320000x128xf32, #tpu.memory_space<hbm>> -> memref<80x128xf32, #tpu.memory_space<hbm>>
      tpu.wait_dma2 semaphore(%arg10 : memref<!tpu.dma_semaphore, #tpu.memory_space<semaphore_mem>>) src(%dma_wait3A_45 : memref<80x128xf32, #tpu.memory_space<hbm>>) dst(%arg8 : memref<80x128xf32, #tpu.memory_space<vmem>>)
      "tpu.region"() ({
        %run_scoped3A_46 = tpu.sem_alloc : memref<!tpu.dma_semaphore, #tpu.memory_space<semaphore_mem>>
        %dma_start3A_47 = arith.constant 0 : i32
        %dma_start3A_48 = tpu.memref_slice %arg6[%add3A_23, %dma_start3A_47] : memref<125x80xi32, #tpu.memory_space<vmem>> -> memref<1x80xi32, #tpu.memory_space<vmem>>
        %dma_start3A_49 = tpu.memref_squeeze %dma_start3A_48 : memref<1x80xi32, #tpu.memory_space<vmem>> -> memref<80xi32, #tpu.memory_space<vmem>>
        %dma_start3A_50 = arith.constant 0 : i32
        %dma_start3A_51 = arith.constant 0 : i32
        %dma_start3A_52 = tpu.memref_slice %arg11[%dma_start3A_50, %dma_start3A_51] : memref<10240x128xf32, #tpu.memory_space<vmem_shared>> -> memref<10240x128xf32, #tpu.memory_space<vmem_shared>>
        tpu.enqueue_indirect_dma source(%arg8 : memref<80x128xf32, #tpu.memory_space<vmem>>) target(%dma_start3A_52 : memref<10240x128xf32, #tpu.memory_space<vmem_shared>>) offsets(%dma_start3A_49 : memref<80xi32, #tpu.memory_space<vmem>>) semaphore(%run_scoped3A_46 : memref<!tpu.dma_semaphore, #tpu.memory_space<semaphore_mem>>) {add = true}
        %dma_wait3A_53 = arith.constant 0 : i32
        %dma_wait3A_54 = tpu.memref_slice %arg6[%add3A_23, %dma_wait3A_53] : memref<125x80xi32, #tpu.memory_space<vmem>> -> memref<1x80xi32, #tpu.memory_space<vmem>>
        %dma_wait3A_55 = tpu.memref_squeeze %dma_wait3A_54 : memref<1x80xi32, #tpu.memory_space<vmem>> -> memref<80xi32, #tpu.memory_space<vmem>>
        %dma_wait3A_56 = arith.constant 0 : i32
        %dma_wait3A_57 = arith.constant 0 : i32
        %dma_wait3A_58 = tpu.memref_slice %arg11[%dma_wait3A_56, %dma_wait3A_57] : memref<10240x128xf32, #tpu.memory_space<vmem_shared>> -> memref<10240x128xf32, #tpu.memory_space<vmem_shared>>
        tpu.wait_indirect_dma semaphore(%run_scoped3A_46 : memref<!tpu.dma_semaphore, #tpu.memory_space<semaphore_mem>>) src(%arg8 : memref<80x128xf32, #tpu.memory_space<vmem>>) dst(%dma_wait3A_58 : memref<10240x128xf32, #tpu.memory_space<vmem_shared>>)
        tpu.yield
      }) : () -> ()
    }
    %scan3A_9 = arith.constant 62 : i32
    %add3A_10 = arith.constant 9920 : i32
    %add3A_11 = arith.addi %mul3A_4, %add3A_10 : i32
    %dma_start3A = arith.constant 0 : i32
    %dma_start3A_12 = tpu.memref_slice %arg2[%add3A_11, %dma_start3A] : memref<320000x128xf32, #tpu.memory_space<hbm>> -> memref<80x128xf32, #tpu.memory_space<hbm>>
    %dma_start3A_13 = arith.constant 0 : i32
    %dma_start3A_14 = tpu.memref_slice %arg2[%add3A_11, %dma_start3A_13] : memref<320000x128xf32, #tpu.memory_space<hbm>> -> memref<80x128xf32, #tpu.memory_space<hbm>>
    tpu.enqueue_dma source(%dma_start3A_14 : memref<80x128xf32, #tpu.memory_space<hbm>>) target(%arg7 : memref<80x128xf32, #tpu.memory_space<vmem>>) target_semaphore(%arg9 : memref<!tpu.dma_semaphore, #tpu.memory_space<semaphore_mem>>)
    %dma_wait3A = arith.constant 0 : i32
    %dma_wait3A_15 = tpu.memref_slice %arg2[%add3A_11, %dma_wait3A] : memref<320000x128xf32, #tpu.memory_space<hbm>> -> memref<80x128xf32, #tpu.memory_space<hbm>>
    %dma_wait3A_16 = arith.constant 0 : i32
    %dma_wait3A_17 = tpu.memref_slice %arg2[%add3A_11, %dma_wait3A_16] : memref<320000x128xf32, #tpu.memory_space<hbm>> -> memref<80x128xf32, #tpu.memory_space<hbm>>
    tpu.wait_dma2 semaphore(%arg9 : memref<!tpu.dma_semaphore, #tpu.memory_space<semaphore_mem>>) src(%dma_wait3A_17 : memref<80x128xf32, #tpu.memory_space<hbm>>) dst(%arg7 : memref<80x128xf32, #tpu.memory_space<vmem>>)
    %run_scoped3A = arith.constant 124 : i32
    "tpu.region"() ({
      %run_scoped3A_19 = tpu.sem_alloc : memref<!tpu.dma_semaphore, #tpu.memory_space<semaphore_mem>>
      %dma_start3A_20 = arith.constant 0 : i32
      %dma_start3A_21 = tpu.memref_slice %arg6[%run_scoped3A, %dma_start3A_20] : memref<125x80xi32, #tpu.memory_space<vmem>> -> memref<1x80xi32, #tpu.memory_space<vmem>>
      %dma_start3A_22 = tpu.memref_squeeze %dma_start3A_21 : memref<1x80xi32, #tpu.memory_space<vmem>> -> memref<80xi32, #tpu.memory_space<vmem>>
      %dma_start3A_23 = arith.constant 0 : i32
      %dma_start3A_24 = arith.constant 0 : i32
      %dma_start3A_25 = tpu.memref_slice %arg11[%dma_start3A_23, %dma_start3A_24] : memref<10240x128xf32, #tpu.memory_space<vmem_shared>> -> memref<10240x128xf32, #tpu.memory_space<vmem_shared>>
      tpu.enqueue_indirect_dma source(%arg7 : memref<80x128xf32, #tpu.memory_space<vmem>>) target(%dma_start3A_25 : memref<10240x128xf32, #tpu.memory_space<vmem_shared>>) offsets(%dma_start3A_22 : memref<80xi32, #tpu.memory_space<vmem>>) semaphore(%run_scoped3A_19 : memref<!tpu.dma_semaphore, #tpu.memory_space<semaphore_mem>>) {add = true}
      %dma_wait3A_26 = arith.constant 0 : i32
      %dma_wait3A_27 = tpu.memref_slice %arg6[%run_scoped3A, %dma_wait3A_26] : memref<125x80xi32, #tpu.memory_space<vmem>> -> memref<1x80xi32, #tpu.memory_space<vmem>>
      %dma_wait3A_28 = tpu.memref_squeeze %dma_wait3A_27 : memref<1x80xi32, #tpu.memory_space<vmem>> -> memref<80xi32, #tpu.memory_space<vmem>>
      %dma_wait3A_29 = arith.constant 0 : i32
      %dma_wait3A_30 = arith.constant 0 : i32
      %dma_wait3A_31 = tpu.memref_slice %arg11[%dma_wait3A_29, %dma_wait3A_30] : memref<10240x128xf32, #tpu.memory_space<vmem_shared>> -> memref<10240x128xf32, #tpu.memory_space<vmem_shared>>
      tpu.wait_indirect_dma semaphore(%run_scoped3A_19 : memref<!tpu.dma_semaphore, #tpu.memory_space<semaphore_mem>>) src(%arg7 : memref<80x128xf32, #tpu.memory_space<vmem>>) dst(%dma_wait3A_31 : memref<10240x128xf32, #tpu.memory_space<vmem_shared>>)
      tpu.yield
    }) : () -> ()
    %barrier3A_18 = arith.constant 0 : index
    tpu.barrier barrier_id(%barrier3A_18)
    "tpu.region"() ({
      %run_scoped3A_19 = tpu.sem_alloc : memref<!tpu.dma_semaphore, #tpu.memory_space<semaphore_mem>>
      %dma_start3A_20 = arith.constant 0 : i32
      %dma_start3A_21 = tpu.memref_slice %arg5[%arg0, %mul3A_2, %dma_start3A_20] : memref<2x10240x128xf32, #tpu.memory_space<hbm>> -> memref<1x640x128xf32, #tpu.memory_space<hbm>>
      %dma_start3A_22 = tpu.memref_squeeze %dma_start3A_21 : memref<1x640x128xf32, #tpu.memory_space<hbm>> -> memref<640x128xf32, #tpu.memory_space<hbm>>
      %dma_start3A_23 = arith.constant 0 : i32
      %dma_start3A_24 = tpu.memref_slice %arg11[%mul3A_2, %dma_start3A_23] : memref<10240x128xf32, #tpu.memory_space<vmem_shared>> -> memref<640x128xf32, #tpu.memory_space<vmem_shared>>
      tpu.enqueue_dma source(%dma_start3A_24 : memref<640x128xf32, #tpu.memory_space<vmem_shared>>) target(%dma_start3A_22 : memref<640x128xf32, #tpu.memory_space<hbm>>) target_semaphore(%run_scoped3A_19 : memref<!tpu.dma_semaphore, #tpu.memory_space<semaphore_mem>>)
      %dma_wait3A_25 = arith.constant 0 : i32
      %dma_wait3A_26 = tpu.memref_slice %arg5[%arg0, %mul3A_2, %dma_wait3A_25] : memref<2x10240x128xf32, #tpu.memory_space<hbm>> -> memref<1x640x128xf32, #tpu.memory_space<hbm>>
      %dma_wait3A_27 = tpu.memref_squeeze %dma_wait3A_26 : memref<1x640x128xf32, #tpu.memory_space<hbm>> -> memref<640x128xf32, #tpu.memory_space<hbm>>
      %dma_wait3A_28 = arith.constant 0 : i32
      %dma_wait3A_29 = tpu.memref_slice %arg11[%mul3A_2, %dma_wait3A_28] : memref<10240x128xf32, #tpu.memory_space<vmem_shared>> -> memref<640x128xf32, #tpu.memory_space<vmem_shared>>
      tpu.wait_dma2 semaphore(%run_scoped3A_19 : memref<!tpu.dma_semaphore, #tpu.memory_space<semaphore_mem>>) src(%dma_wait3A_29 : memref<640x128xf32, #tpu.memory_space<vmem_shared>>) dst(%dma_wait3A_27 : memref<640x128xf32, #tpu.memory_space<hbm>>)
      tpu.yield
    }) : () -> ()
    return
  }
}

module attributes {stable_mosaic.version = 14 : i64} {
  func.func @_prep_body(%arg0: i32, %arg1: memref<400x128xf32, #tpu.memory_space<vmem>>, %arg2: memref<128x128xf32, #tpu.memory_space<vmem>>, %arg3: memref<1x128xf32, #tpu.memory_space<vmem>>, %arg4: memref<128x256xf32, #tpu.memory_space<vmem>>, %arg5: memref<1x256xf32, #tpu.memory_space<vmem>>, %arg6: memref<128x256xf32, #tpu.memory_space<vmem>>, %arg7: memref<400x128xf32, #tpu.memory_space<vmem>>, %arg8: memref<400x256xf32, #tpu.memory_space<vmem>>, %arg9: memref<400x256xf32, #tpu.memory_space<vmem>>) attributes {dimension_semantics = [#tpu.dimension_semantics<arbitrary>], iteration_bounds = array<i64: 25>, scalar_prefetch = 0 : i64, scratch_operands = 0 : i64, tpu.core_type = #tpu.core_type<tc>, window_params = [{transform_indices = @transform_0, window_bounds = array<i64: 400, 128>}, {pipeline_mode = #tpu.pipeline_mode<synchronous>, transform_indices = @transform_1, window_bounds = array<i64: 128, 128>}, {pipeline_mode = #tpu.pipeline_mode<synchronous>, transform_indices = @transform_2, window_bounds = array<i64: 1, 128>}, {pipeline_mode = #tpu.pipeline_mode<synchronous>, transform_indices = @transform_3, window_bounds = array<i64: 128, 256>}, {pipeline_mode = #tpu.pipeline_mode<synchronous>, transform_indices = @transform_4, window_bounds = array<i64: 1, 256>}, {pipeline_mode = #tpu.pipeline_mode<synchronous>, transform_indices = @transform_5, window_bounds = array<i64: 128, 256>}, {transform_indices = @transform_6, window_bounds = array<i64: 400, 128>}, {transform_indices = @transform_7, window_bounds = array<i64: 400, 256>}, {transform_indices = @transform_8, window_bounds = array<i64: 400, 256>}]} {
    %get3A = arith.constant 0 : index
    %get3A_0 = arith.constant 0 : index
    %get3A_1 = vector.load %arg1[%get3A, %get3A_0] : memref<400x128xf32, #tpu.memory_space<vmem>>, vector<400x128xf32>
    %get3A_2 = arith.constant 0 : index
    %get3A_3 = arith.constant 0 : index
    %get3A_4 = vector.load %arg2[%get3A_2, %get3A_3] : memref<128x128xf32, #tpu.memory_space<vmem>>, vector<128x128xf32>
    %dot_general3A = arith.constant dense<0.000000e+00> : vector<400x128xf32>
    %dot_general3A_5 = tpu.matmul %get3A_1, %get3A_4, %dot_general3A {dimension_numbers = #tpu.dot_dimension_numbers<[1], [0], [0], [1], [0, 0, 1, 1], [], []>, transpose_lhs_hint = false} : vector<400x128xf32>, vector<128x128xf32>, vector<400x128xf32> -> vector<400x128xf32>
    %get3A_6 = arith.constant 0 : index
    %get3A_7 = arith.constant 0 : index
    %get3A_8 = vector.load %arg3[%get3A_6, %get3A_7] : memref<1x128xf32, #tpu.memory_space<vmem>>, vector<1x128xf32>
    %add3A = vector.broadcast %get3A_8 : vector<1x128xf32> to vector<400x128xf32>
    %add3A_9 = arith.addf %dot_general3A_5, %add3A : vector<400x128xf32>
    %custom_jvp_call3A = arith.constant 0.000000e+00 : f32
    %max3A = vector.broadcast %custom_jvp_call3A : f32 to vector<400x128xf32>
    %max3A_10 = arith.maximumf %add3A_9, %max3A : vector<400x128xf32>
    %sub3A = vector.broadcast %custom_jvp_call3A : f32 to vector<400x128xf32>
    %sub3A_11 = arith.subf %add3A_9, %sub3A : vector<400x128xf32>
    %ne3A = arith.cmpf one, %sub3A_11, %sub3A_11 : vector<400x128xf32>
    %add3A_12 = vector.broadcast %custom_jvp_call3A : f32 to vector<400x128xf32>
    %add3A_13 = arith.addf %add3A_9, %add3A_12 : vector<400x128xf32>
    %abs3A = math.absf %sub3A_11 : vector<400x128xf32>
    %neg3A = arith.constant 0.000000e+00 : f32
    %neg3A_14 = vector.broadcast %neg3A : f32 to vector<400x128xf32>
    %neg3A_15 = arith.subf %neg3A_14, %abs3A : vector<400x128xf32>
    %exp3A = math.exp %neg3A_15 : vector<400x128xf32>
    %log1p3A = math.log1p %exp3A : vector<400x128xf32>
    %add3A_16 = arith.addf %max3A_10, %log1p3A : vector<400x128xf32>
    %select_n3A = arith.select %ne3A, %add3A_13, %add3A_16 : vector<400x128xi1>, vector<400x128xf32>
    %swap3A = arith.constant 0 : index
    %swap3A_17 = arith.constant 0 : index
    %swap3A_18 = vector.load %arg7[%swap3A, %swap3A_17] : memref<400x128xf32, #tpu.memory_space<vmem>>, vector<400x128xf32>
    tpu.vector_store %arg7[%swap3A, %swap3A_17], %select_n3A {strides = array<i32>} : memref<400x128xf32, #tpu.memory_space<vmem>>, vector<400x128xf32>,
    %get3A_19 = arith.constant 0 : index
    %get3A_20 = arith.constant 0 : index
    %get3A_21 = vector.load %arg4[%get3A_19, %get3A_20] : memref<128x256xf32, #tpu.memory_space<vmem>>, vector<128x256xf32>
    %dot_general3A_22 = arith.constant dense<0.000000e+00> : vector<400x256xf32>
    %dot_general3A_23 = tpu.matmul %select_n3A, %get3A_21, %dot_general3A_22 {dimension_numbers = #tpu.dot_dimension_numbers<[1], [0], [0], [1], [0, 0, 1, 1], [], []>, transpose_lhs_hint = false} : vector<400x128xf32>, vector<128x256xf32>, vector<400x256xf32> -> vector<400x256xf32>
    %get3A_24 = arith.constant 0 : index
    %get3A_25 = arith.constant 0 : index
    %get3A_26 = vector.load %arg5[%get3A_24, %get3A_25] : memref<1x256xf32, #tpu.memory_space<vmem>>, vector<1x256xf32>
    %add3A_27 = vector.broadcast %get3A_26 : vector<1x256xf32> to vector<400x256xf32>
    %add3A_28 = arith.addf %dot_general3A_23, %add3A_27 : vector<400x256xf32>
    %swap3A_29 = arith.constant 0 : index
    %swap3A_30 = arith.constant 0 : index
    %swap3A_31 = vector.load %arg8[%swap3A_29, %swap3A_30] : memref<400x256xf32, #tpu.memory_space<vmem>>, vector<400x256xf32>
    tpu.vector_store %arg8[%swap3A_29, %swap3A_30], %add3A_28 {strides = array<i32>} : memref<400x256xf32, #tpu.memory_space<vmem>>, vector<400x256xf32>,
    %get3A_32 = arith.constant 0 : index
    %get3A_33 = arith.constant 0 : index
    %get3A_34 = vector.load %arg6[%get3A_32, %get3A_33] : memref<128x256xf32, #tpu.memory_space<vmem>>, vector<128x256xf32>
    %dot_general3A_35 = arith.constant dense<0.000000e+00> : vector<400x256xf32>
    %dot_general3A_36 = tpu.matmul %select_n3A, %get3A_34, %dot_general3A_35 {dimension_numbers = #tpu.dot_dimension_numbers<[1], [0], [0], [1], [0, 0, 1, 1], [], []>, transpose_lhs_hint = false} : vector<400x128xf32>, vector<128x256xf32>, vector<400x256xf32> -> vector<400x256xf32>
    %swap3A_37 = arith.constant 0 : index
    %swap3A_38 = arith.constant 0 : index
    %swap3A_39 = vector.load %arg9[%swap3A_37, %swap3A_38] : memref<400x256xf32, #tpu.memory_space<vmem>>, vector<400x256xf32>
    tpu.vector_store %arg9[%swap3A_37, %swap3A_38], %dot_general3A_36 {strides = array<i32>} : memref<400x256xf32, #tpu.memory_space<vmem>>, vector<400x256xf32>,
    return
  }
  func.func @transform_0(%arg0: i32) -> (i32, i32) {
    %c0_i32 = arith.constant 0 : i32
    %c0_i32_0 = arith.constant 0 : i32
    return %arg0, %c0_i32 : i32, i32
  }
  func.func @transform_1(%arg0: i32) -> (i32, i32) {
    %c0_i32 = arith.constant 0 : i32
    %c0_i32_0 = arith.constant 0 : i32
    %c0_i32_1 = arith.constant 0 : i32
    return %c0_i32, %c0_i32_0 : i32, i32
  }
  func.func @transform_2(%arg0: i32) -> (i32, i32) {
    %c0_i32 = arith.constant 0 : i32
    %c0_i32_0 = arith.constant 0 : i32
    %c0_i32_1 = arith.constant 0 : i32
    return %c0_i32, %c0_i32_0 : i32, i32
  }
  func.func @transform_3(%arg0: i32) -> (i32, i32) {
    %c0_i32 = arith.constant 0 : i32
    %c0_i32_0 = arith.constant 0 : i32
    %c0_i32_1 = arith.constant 0 : i32
    return %c0_i32, %c0_i32_0 : i32, i32
  }
  func.func @transform_4(%arg0: i32) -> (i32, i32) {
    %c0_i32 = arith.constant 0 : i32
    %c0_i32_0 = arith.constant 0 : i32
    %c0_i32_1 = arith.constant 0 : i32
    return %c0_i32, %c0_i32_0 : i32, i32
  }
  func.func @transform_5(%arg0: i32) -> (i32, i32) {
    %c0_i32 = arith.constant 0 : i32
    %c0_i32_0 = arith.constant 0 : i32
    %c0_i32_1 = arith.constant 0 : i32
    return %c0_i32, %c0_i32_0 : i32, i32
  }
  func.func @transform_6(%arg0: i32) -> (i32, i32) {
    %c0_i32 = arith.constant 0 : i32
    %c0_i32_0 = arith.constant 0 : i32
    return %arg0, %c0_i32 : i32, i32
  }
  func.func @transform_7(%arg0: i32) -> (i32, i32) {
    %c0_i32 = arith.constant 0 : i32
    %c0_i32_0 = arith.constant 0 : i32
    return %arg0, %c0_i32 : i32, i32
  }
  func.func @transform_8(%arg0: i32) -> (i32, i32) {
    %c0_i32 = arith.constant 0 : i32
    %c0_i32_0 = arith.constant 0 : i32
    return %arg0, %c0_i32 : i32, i32
  }
}

module attributes {stable_mosaic.version = 14 : i64} {
  func.func @_math_body(%arg0: i32, %arg1: memref<2000x256xf32, #tpu.memory_space<vmem>>, %arg2: memref<2000x16xf32, #tpu.memory_space<vmem>>, %arg3: memref<1x256xf32, #tpu.memory_space<vmem>>, %arg4: memref<1x16xf32, #tpu.memory_space<vmem>>, %arg5: memref<1x1xf32, #tpu.memory_space<vmem>>, %arg6: memref<2000x128xf32, #tpu.memory_space<vmem>>) attributes {dimension_semantics = [#tpu.dimension_semantics<arbitrary>], iteration_bounds = array<i64: 160>, scalar_prefetch = 0 : i64, scratch_operands = 0 : i64, tpu.core_type = #tpu.core_type<tc>, window_params = [{transform_indices = @transform_0, window_bounds = array<i64: 2000, 256>}, {transform_indices = @transform_1, window_bounds = array<i64: 2000, 16>}, {pipeline_mode = #tpu.pipeline_mode<synchronous>, transform_indices = @transform_2, window_bounds = array<i64: 1, 256>}, {pipeline_mode = #tpu.pipeline_mode<synchronous>, transform_indices = @transform_3, window_bounds = array<i64: 1, 16>}, {pipeline_mode = #tpu.pipeline_mode<synchronous>, transform_indices = @transform_4, window_bounds = array<i64: 1, 1>}, {transform_indices = @transform_5, window_bounds = array<i64: 2000, 128>}]} {
    %get3A = arith.constant 0 : index
    %get3A_0 = arith.constant 0 : index
    %get3A_1 = vector.load %arg2[%get3A, %get3A_0] : memref<2000x16xf32, #tpu.memory_space<vmem>>, vector<2000x16xf32>
    %get3A_2 = arith.constant 0 : index
    %get3A_3 = arith.constant 0 : index
    %get3A_4 = vector.load %arg4[%get3A_2, %get3A_3] : memref<1x16xf32, #tpu.memory_space<vmem>>, vector<1x16xf32>
    %mul3A = vector.broadcast %get3A_4 : vector<1x16xf32> to vector<2000x16xf32>
    %mul3A_5 = arith.mulf %get3A_1, %mul3A : vector<2000x16xf32>
    %reduce_sum3A = arith.constant dense<0.000000e+00> : vector<2000xf32>
    %reduce_sum3A_6 = vector.multi_reduction <add>, %mul3A_5, %reduce_sum3A [1] : vector<2000x16xf32> to vector<2000xf32>
    %broadcast_in_dim3A = vector.shape_cast %reduce_sum3A_6 : vector<2000xf32> to vector<2000x1xf32>
    %get3A_7 = arith.constant 0 : index
    %get3A_8 = arith.constant 0 : index
    %get3A_9 = vector.load %arg5[%get3A_7, %get3A_8] : memref<1x1xf32, #tpu.memory_space<vmem>>, vector<1x1xf32>
    %get3A_10 = vector.extract %get3A_9[0, 0] : f32 from vector<1x1xf32>
    %add3A = vector.broadcast %get3A_10 : f32 to vector<2000x1xf32>
    %add3A_11 = arith.addf %broadcast_in_dim3A, %add3A : vector<2000x1xf32>
    %custom_jvp_call3A = arith.constant 0.000000e+00 : f32
    %max3A = vector.broadcast %custom_jvp_call3A : f32 to vector<2000x1xf32>
    %max3A_12 = arith.maximumf %add3A_11, %max3A : vector<2000x1xf32>
    %sub3A = vector.broadcast %custom_jvp_call3A : f32 to vector<2000x1xf32>
    %sub3A_13 = arith.subf %add3A_11, %sub3A : vector<2000x1xf32>
    %ne3A = arith.cmpf one, %sub3A_13, %sub3A_13 : vector<2000x1xf32>
    %add3A_14 = vector.broadcast %custom_jvp_call3A : f32 to vector<2000x1xf32>
    %add3A_15 = arith.addf %add3A_11, %add3A_14 : vector<2000x1xf32>
    %abs3A = math.absf %sub3A_13 : vector<2000x1xf32>
    %neg3A = arith.constant 0.000000e+00 : f32
    %neg3A_16 = vector.broadcast %neg3A : f32 to vector<2000x1xf32>
    %neg3A_17 = arith.subf %neg3A_16, %abs3A : vector<2000x1xf32>
    %exp3A = math.exp %neg3A_17 : vector<2000x1xf32>
    %log1p3A = math.log1p %exp3A : vector<2000x1xf32>
    %add3A_18 = arith.addf %max3A_12, %log1p3A : vector<2000x1xf32>
    %select_n3A = arith.select %ne3A, %add3A_15, %add3A_18 : vector<2000x1xi1>, vector<2000x1xf32>
    %get3A_19 = arith.constant 0 : index
    %get3A_20 = arith.constant 0 : index
    %get3A_21 = vector.load %arg1[%get3A_19, %get3A_20] : memref<2000x256xf32, #tpu.memory_space<vmem>>, vector<2000x256xf32>
    %get3A_22 = arith.constant 0 : index
    %get3A_23 = arith.constant 0 : index
    %get3A_24 = vector.load %arg3[%get3A_22, %get3A_23] : memref<1x256xf32, #tpu.memory_space<vmem>>, vector<1x256xf32>
    %mul3A_25 = vector.broadcast %select_n3A : vector<2000x1xf32> to vector<2000x256xf32>
    %mul3A_26 = vector.broadcast %get3A_24 : vector<1x256xf32> to vector<2000x256xf32>
    %mul3A_27 = arith.mulf %mul3A_25, %mul3A_26 : vector<2000x256xf32>
    %add3A_28 = arith.addf %get3A_21, %mul3A_27 : vector<2000x256xf32>
    %slice3A = vector.extract_strided_slice %add3A_28 {offsets = [0, 0], sizes = [2000, 128], strides = [1, 1]} : vector<2000x256xf32> to vector<2000x128xf32>
    %logistic3A = arith.negf %slice3A : vector<2000x128xf32>
    %logistic3A_29 = math.exp %logistic3A : vector<2000x128xf32>
    %logistic3A_30 = arith.constant 1.000000e+00 : f32
    %logistic3A_31 = vector.broadcast %logistic3A_30 : f32 to vector<2000x128xf32>
    %logistic3A_32 = arith.addf %logistic3A_31, %logistic3A_29 : vector<2000x128xf32>
    %logistic3A_33 = arith.divf %logistic3A_31, %logistic3A_32 : vector<2000x128xf32>
    %slice3A_34 = vector.extract_strided_slice %add3A_28 {offsets = [0, 128], sizes = [2000, 128], strides = [1, 1]} : vector<2000x256xf32> to vector<2000x128xf32>
    %custom_jvp_call3A_35 = arith.constant 0.000000e+00 : f32
    %max3A_36 = vector.broadcast %custom_jvp_call3A_35 : f32 to vector<2000x128xf32>
    %max3A_37 = arith.maximumf %slice3A_34, %max3A_36 : vector<2000x128xf32>
    %sub3A_38 = vector.broadcast %custom_jvp_call3A_35 : f32 to vector<2000x128xf32>
    %sub3A_39 = arith.subf %slice3A_34, %sub3A_38 : vector<2000x128xf32>
    %ne3A_40 = arith.cmpf one, %sub3A_39, %sub3A_39 : vector<2000x128xf32>
    %add3A_41 = vector.broadcast %custom_jvp_call3A_35 : f32 to vector<2000x128xf32>
    %add3A_42 = arith.addf %slice3A_34, %add3A_41 : vector<2000x128xf32>
    %abs3A_43 = math.absf %sub3A_39 : vector<2000x128xf32>
    %neg3A_44 = arith.constant 0.000000e+00 : f32
    %neg3A_45 = vector.broadcast %neg3A_44 : f32 to vector<2000x128xf32>
    %neg3A_46 = arith.subf %neg3A_45, %abs3A_43 : vector<2000x128xf32>
    %exp3A_47 = math.exp %neg3A_46 : vector<2000x128xf32>
    %log1p3A_48 = math.log1p %exp3A_47 : vector<2000x128xf32>
    %add3A_49 = arith.addf %max3A_37, %log1p3A_48 : vector<2000x128xf32>
    %select_n3A_50 = arith.select %ne3A_40, %add3A_42, %add3A_49 : vector<2000x128xi1>, vector<2000x128xf32>
    %mul3A_51 = arith.mulf %logistic3A_33, %select_n3A_50 : vector<2000x128xf32>
    %swap3A = arith.constant 0 : index
    %swap3A_52 = arith.constant 0 : index
    %swap3A_53 = vector.load %arg6[%swap3A, %swap3A_52] : memref<2000x128xf32, #tpu.memory_space<vmem>>, vector<2000x128xf32>
    tpu.vector_store %arg6[%swap3A, %swap3A_52], %mul3A_51 {strides = array<i32>} : memref<2000x128xf32, #tpu.memory_space<vmem>>, vector<2000x128xf32>,
    return
  }
  func.func @transform_0(%arg0: i32) -> (i32, i32) {
    %c0_i32 = arith.constant 0 : i32
    %c0_i32_0 = arith.constant 0 : i32
    return %arg0, %c0_i32 : i32, i32
  }
  func.func @transform_1(%arg0: i32) -> (i32, i32) {
    %c0_i32 = arith.constant 0 : i32
    %c0_i32_0 = arith.constant 0 : i32
    return %arg0, %c0_i32 : i32, i32
  }
  func.func @transform_2(%arg0: i32) -> (i32, i32) {
    %c0_i32 = arith.constant 0 : i32
    %c0_i32_0 = arith.constant 0 : i32
    %c0_i32_1 = arith.constant 0 : i32
    return %c0_i32, %c0_i32_0 : i32, i32
  }
  func.func @transform_3(%arg0: i32) -> (i32, i32) {
    %c0_i32 = arith.constant 0 : i32
    %c0_i32_0 = arith.constant 0 : i32
    %c0_i32_1 = arith.constant 0 : i32
    return %c0_i32, %c0_i32_0 : i32, i32
  }
  func.func @transform_4(%arg0: i32) -> (i32, i32) {
    %c0_i32 = arith.constant 0 : i32
    %c0_i32_0 = arith.constant 0 : i32
    %c0_i32_1 = arith.constant 0 : i32
    return %c0_i32, %c0_i32_0 : i32, i32
  }
  func.func @transform_5(%arg0: i32) -> (i32, i32) {
    %c0_i32 = arith.constant 0 : i32
    %c0_i32_0 = arith.constant 0 : i32
    return %arg0, %c0_i32 : i32, i32
  }
}

module attributes {stable_mosaic.version = 14 : i64} {
  func.func @_fin_body(%arg0: memref<10000x128xf32, #tpu.memory_space<vmem>>, %arg1: memref<10000x128xf32, #tpu.memory_space<vmem>>, %arg2: memref<10000x128xf32, #tpu.memory_space<vmem>>, %arg3: memref<1x128xf32, #tpu.memory_space<vmem>>, %arg4: memref<1x128xf32, #tpu.memory_space<vmem>>, %arg5: memref<10000x128xf32, #tpu.memory_space<vmem>>) attributes {dimension_semantics = [], scalar_prefetch = 0 : i64, scratch_operands = 0 : i64, tpu.core_type = #tpu.core_type<tc>} {
    %get3A = arith.constant 0 : index
    %get3A_0 = arith.constant 0 : index
    %get3A_1 = vector.load %arg0[%get3A, %get3A_0] : memref<10000x128xf32, #tpu.memory_space<vmem>>, vector<10000x128xf32>
    %get3A_2 = arith.constant 0 : index
    %get3A_3 = arith.constant 0 : index
    %get3A_4 = vector.load %arg1[%get3A_2, %get3A_3] : memref<10000x128xf32, #tpu.memory_space<vmem>>, vector<10000x128xf32>
    %add3A = arith.addf %get3A_1, %get3A_4 : vector<10000x128xf32>
    %reduce_sum3A = arith.constant dense<0.000000e+00> : vector<128xf32>
    %reduce_sum3A_5 = vector.multi_reduction <add>, %add3A, %reduce_sum3A [0] : vector<10000x128xf32> to vector<128xf32>
    %broadcast_in_dim3A = vector.shape_cast %reduce_sum3A_5 : vector<128xf32> to vector<1x128xf32>
    %div3A = arith.constant 1.000000e+04 : f32
    %div3A_6 = vector.broadcast %div3A : f32 to vector<1x128xf32>
    %div3A_7 = arith.divf %broadcast_in_dim3A, %div3A_6 : vector<1x128xf32>
    %sub3A = vector.broadcast %div3A_7 : vector<1x128xf32> to vector<10000x128xf32>
    %sub3A_8 = arith.subf %add3A, %sub3A : vector<10000x128xf32>
    %integer_pow3A = arith.mulf %sub3A_8, %sub3A_8 : vector<10000x128xf32>
    %reduce_sum3A_9 = arith.constant dense<0.000000e+00> : vector<128xf32>
    %reduce_sum3A_10 = vector.multi_reduction <add>, %integer_pow3A, %reduce_sum3A_9 [0] : vector<10000x128xf32> to vector<128xf32>
    %broadcast_in_dim3A_11 = vector.shape_cast %reduce_sum3A_10 : vector<128xf32> to vector<1x128xf32>
    %div3A_12 = arith.constant 1.000000e+04 : f32
    %div3A_13 = vector.broadcast %div3A_12 : f32 to vector<1x128xf32>
    %div3A_14 = arith.divf %broadcast_in_dim3A_11, %div3A_13 : vector<1x128xf32>
    %sub3A_15 = vector.broadcast %div3A_7 : vector<1x128xf32> to vector<10000x128xf32>
    %sub3A_16 = arith.subf %add3A, %sub3A_15 : vector<10000x128xf32>
    %add3A_17 = arith.constant 9.99999974E-6 : f32
    %add3A_18 = vector.broadcast %add3A_17 : f32 to vector<1x128xf32>
    %add3A_19 = arith.addf %div3A_14, %add3A_18 : vector<1x128xf32>
    %rsqrt3A = math.rsqrt %add3A_19 : vector<1x128xf32>
    %mul3A = vector.broadcast %rsqrt3A : vector<1x128xf32> to vector<10000x128xf32>
    %mul3A_20 = arith.mulf %sub3A_16, %mul3A : vector<10000x128xf32>
    %get3A_21 = arith.constant 0 : index
    %get3A_22 = arith.constant 0 : index
    %get3A_23 = vector.load %arg3[%get3A_21, %get3A_22] : memref<1x128xf32, #tpu.memory_space<vmem>>, vector<1x128xf32>
    %mul3A_24 = vector.broadcast %get3A_23 : vector<1x128xf32> to vector<10000x128xf32>
    %mul3A_25 = arith.mulf %mul3A_20, %mul3A_24 : vector<10000x128xf32>
    %get3A_26 = arith.constant 0 : index
    %get3A_27 = arith.constant 0 : index
    %get3A_28 = vector.load %arg4[%get3A_26, %get3A_27] : memref<1x128xf32, #tpu.memory_space<vmem>>, vector<1x128xf32>
    %add3A_29 = vector.broadcast %get3A_28 : vector<1x128xf32> to vector<10000x128xf32>
    %add3A_30 = arith.addf %mul3A_25, %add3A_29 : vector<10000x128xf32>
    %get3A_31 = arith.constant 0 : index
    %get3A_32 = arith.constant 0 : index
    %get3A_33 = vector.load %arg2[%get3A_31, %get3A_32] : memref<10000x128xf32, #tpu.memory_space<vmem>>, vector<10000x128xf32>
    %mul3A_34 = arith.constant 2.000000e+00 : f32
    %mul3A_35 = vector.broadcast %mul3A_34 : f32 to vector<10000x128xf32>
    %mul3A_36 = arith.mulf %mul3A_35, %get3A_33 : vector<10000x128xf32>
    %add3A_37 = arith.addf %mul3A_36, %add3A_30 : vector<10000x128xf32>
    %swap3A = arith.constant 0 : index
    %swap3A_38 = arith.constant 0 : index
    %swap3A_39 = vector.load %arg5[%swap3A, %swap3A_38] : memref<10000x128xf32, #tpu.memory_space<vmem>>, vector<10000x128xf32>
    tpu.vector_store %arg5[%swap3A, %swap3A_38], %add3A_37 {strides = array<i32>} : memref<10000x128xf32, #tpu.memory_space<vmem>>, vector<10000x128xf32>,
    return
  }
}

</mosaic_0001>

<sc_bundles>
// kernel: kernel.10.cloned.1.call-start
scs
__scs_entry_jumppad:
0x0: {  	(pc) =	sbr.rel $0x88, $3  }
0x1: {  	(tag) =	ssettag $0x0;
	lr =	simm.s32 $0x1  }
0x2: {  	[smem:$0x3F94] =	sst lr;
	_ =	strace $0xD0000000  }
0x3: {  	_ = 	snop  }
0x4: {  	_ = 	snop  }
0x5: {  	_ = 	snop  }
0x6: {  	_ = 	snop  }
0x7: {  	_ = 	snop  }
__scs_overlays_trampoline_lowered:
0x8: {  	[smem:$0x3FA3] =	sst s0  }
0x9: {  	[smem:$0x3FA4] =	sst s1  }
0xa: {  	[smem:$0x3FA5] =	sst s2  }
0xb: {  	[smem:$0x3FA6] =	sst s3  }
0xc: {  	[smem:$0x3FA7] =	sst s4  }
0xd: {  	[smem:$0x3FA8] =	sst s5  }
0xe: {  	[smem:$0x3FA9] =	sst s6  }
0xf: {  	[smem:$0x3FAA] =	sst s7  }
0x10: {  	[smem:$0x3FAB] =	sst s8  }
0x11: {  	[smem:$0x3FAC] =	sst s9;
	s0 =	simm.s32 @!p0 $0x0  }
0x12: {  	s1 =	sld [smem:$0x3F92];
	s0 =	simm.s32 @p0 $0x1  }
0x13: {  	[smem:$0x3FAD] =	sst s0;
	s0 =	simm.s32 @!p1 $0x0  }
0x14: {  	s2 =	sld [smem:$0x3F91];
	s0 =	simm.s32 @p1 $0x1  }
0x15: {  	[smem:$0x3FAE] =	sst s0;
	s0 =	simm.s32 @!p2 $0x0  }
0x16: {  	s3 =	sld [smem:$0x3FDB];
	s0 =	simm.s32 @p2 $0x1  }
0x17: {  	s4 =	simm.s32 $0x1BF5;
	[smem:$0x3FB0] =	sst s0  }
0x18: {  	s0 =	sld [smem:$0x3F93];
	_ =	swait.ge [sflag:s4], $0x0  }
0x19: {  	s7 =	sld [smem:$0x3F94]  }
0x1a: {  	s8 =	sadd.s32 $0xFFFFE003, lr  }
0x1b: {  	s9 =	sadd.s32 $0xFFFFFEF7, lr;
	s5 =	simm.s32 $0xFFFFFFFF;
	p2 =	slt.u32 s8, $0xFFFFF086  }
0x1c: {  	p1 =	slt.u32 s9, $0xF7A;
	s5 =	simm.s32 @!p2 $0x0  }
0x1d: {  	s5 =	simm.s32 @p1 $0x1;
	p0 =	seq.s32 s7, s2  }
0x1e: {  	s7 =	smul.u32 @!p0 $0xF7A, s2;
	p2 =	seq.s32 @!p0 s5, $0x0  }
0x1f: {  	s9 =	smul.u32 $0xF7A, s1;
	s8 =	simm.s32 @!p0 $0x1BF5;
	p2 =	por !p2, p0  }
0x20: {  	[sflag:s8] =	ssyncset.s32 @!p0 $0xFFFFF086;
	s6 =	sadd.s32 @!p0 s3, s7;
	s7 =	simm.s32 @!p0 $0x108  }
0x21: {  	s3 =	sadd.s32 s3, s9;
	s6 =	sadd.s32 @!p0 $0x88, s6;
	s7 =	simm.s32 @p2 $0x1082  }
0x22: {  	[simem:s7], [sflag:s8] =	dma.local @!p0 [hbm:s6], $0xF7A  }
0x23: {  	s9 =	sor.u32 $0xD0000000, s2;
	s6 =	simm.s32 $0x108;
	_ =	swait.ge @!p0 [sflag:s8], $0x0  }
0x24: {  	s3 =	sadd.s32 $0x88, s3;
	s6 =	simm.s32 @!p1 $0x1082;
	[sflag:s4] =	ssyncset.s32 $0xFFFFF086  }
0x25: {  	[simem:s6], [sflag:s4] =	dma.local [hbm:s3], $0xF7A  }
0x26: {  	[smem:$0x3F94] =	sst s1;
	(tag) =	ssettag s2;
	_ =	strace s9  }
0x27: {  	s1 =	sld [smem:$0x3FA4]  }
0x28: {  	s2 =	sld [smem:$0x3FA5]  }
0x29: {  	s4 =	sld [smem:$0x3FA7]  }
0x2a: {  	p0 =	seq.s32 s5, $0x0;
	s5 =	sld [smem:$0x3FA8]  }
0x2b: {  	s6 =	sld [smem:$0x3FA9]  }
0x2c: {  	s7 =	sld [smem:$0x3FAA]  }
0x2d: {  	s3 =	simm.s32 $0x108;
	s8 =	sld [smem:$0x3FAB]  }
0x2e: {  	s3 =	simm.s32 @!p0 $0x1082;
	s9 =	sld [smem:$0x3FAC]  }
0x2f: {  	lr =	sadd.s32 s0, s3;
	s0 =	sld [smem:$0x3FA3]  }
0x30: {  	s3 =	sld [smem:$0x3FA6]  }
0x31: {  	[smem:$0x3FAF] =	sst s10  }
0x32: {  	s10 =	sld [smem:$0x3FAD];
	_ =	sdelay $0x3  }
0x33: {  	p0 =	seq.s32 s10, $0x1;
	s10 =	sld [smem:$0x3FAF];
	_ =	sdelay $0x3  }
0x34: {  	[smem:$0x3FAF] =	sst s10  }
0x35: {  	s10 =	sld [smem:$0x3FAE];
	_ =	sdelay $0x3  }
0x36: {  	p1 =	seq.s32 s10, $0x1;
	s10 =	sld [smem:$0x3FAF];
	_ =	sdelay $0x3  }
0x37: {  	[smem:$0x3FAF] =	sst s10  }
0x38: {  	s10 =	sld [smem:$0x3FB0]  }
0x39: {  	_ = 	snop;
	(pc) =	sbr.ind lr, $3  }
0x3a: {  	_ = 	snop  }
0x3b: {  	_ = 	snop  }
0x3c: {  	p2 =	seq.s32 s10, $0x1;
	s10 =	sld [smem:$0x3FAF]  }
0x3d: {  	_ =	shalt  }
0x3e: {  	_ =	shalt  }
0x3f: {  	_ =	shalt  }
0x40: {  	_ =	shalt  }
0x41: {  	_ =	shalt  }
0x42: {  	_ =	shalt  }
0x43: {  	_ =	shalt  }
0x44: {  	_ =	shalt  }
0x45: {  	_ =	shalt  }
0x46: {  	_ =	shalt  }
0x47: {  	_ =	shalt  }
0x48: {  	_ =	shalt  }
0x49: {  	_ =	shalt  }
0x4a: {  	_ =	shalt  }
0x4b: {  	_ =	shalt  }
0x4c: {  	_ =	shalt  }
0x4d: {  	_ =	shalt  }
0x4e: {  	_ =	shalt  }
0x4f: {  	_ =	shalt  }
0x50: {  	_ =	shalt  }
0x51: {  	_ =	shalt  }
0x52: {  	_ =	shalt  }
0x53: {  	_ =	shalt  }
0x54: {  	_ =	shalt  }
0x55: {  	_ =	shalt  }
0x56: {  	_ =	shalt  }
0x57: {  	_ =	shalt  }
0x58: {  	_ =	shalt  }
0x59: {  	_ =	shalt  }
0x5a: {  	_ =	shalt  }
0x5b: {  	_ =	shalt  }
0x5c: {  	_ =	shalt  }
0x5d: {  	_ =	shalt  }
0x5e: {  	_ =	shalt  }
0x5f: {  	_ =	shalt  }
0x60: {  	_ =	shalt  }
0x61: {  	_ =	shalt  }
0x62: {  	_ =	shalt  }
0x63: {  	_ =	shalt  }
0x64: {  	_ =	shalt  }
0x65: {  	_ =	shalt  }
0x66: {  	_ =	shalt  }
0x67: {  	_ =	shalt  }
0x68: {  	_ =	shalt  }
0x69: {  	_ =	shalt  }
0x6a: {  	_ =	shalt  }
0x6b: {  	_ =	shalt  }
0x6c: {  	_ =	shalt  }
0x6d: {  	_ =	shalt  }
0x6e: {  	_ =	shalt  }
0x6f: {  	_ =	shalt  }
0x70: {  	_ =	shalt  }
0x71: {  	_ =	shalt  }
0x72: {  	_ =	shalt  }
0x73: {  	_ =	shalt  }
0x74: {  	_ =	shalt  }
0x75: {  	_ =	shalt  }
0x76: {  	_ =	shalt  }
0x77: {  	_ =	shalt  }
0x78: {  	_ =	shalt  }
0x79: {  	_ =	shalt  }
0x7a: {  	_ =	shalt  }
0x7b: {  	_ =	shalt  }
0x7c: {  	_ =	shalt  }
0x7d: {  	_ =	shalt  }
0x7e: {  	_ =	shalt  }
0x7f: {  	_ =	shalt  }
0x80: {  	_ =	shalt  }
0x81: {  	_ =	shalt  }
0x82: {  	_ =	shalt  }
0x83: {  	_ =	shalt  }
0x84: {  	_ =	shalt  }
0x85: {  	_ =	shalt  }
0x86: {  	_ =	shalt  }
0x87: {  	_ =	shalt  }
.Lfunc_end0:
.L_simem_size_0:
called_computation.1_lowered:
.L_overlay_start_0:
0x88: {  	s2 =	sld [smem:$0x3FD9]  }
0x89: {  	s3 =	sld [smem:$0x3FFE];
	_ =	sdelay $0x1  }
0x8a: {  	s1 =	srdreg.scid  }
0x8b: {  	s0 =	sand.u32 $0x1, s1  }
0x8c: {  	s16 =	sshll.u32 s0, $0xA;
	s2 =	sadd.s32 s3, s2  }
0x8d: {  	s2 =	sadd.s32 s2, s16  }
0x8e: {  	[smem:$0x3FBB] =	sst s2  }
0x8f: {  	_ = 	snop  }
0x90: {  	(tm) =	ssettm $0x1  }
0x91: {  	s17 =	sld [smem:$0x3FFB];
	_ =	sdelay $0x3  }
0x92: {  	_ =	strace s17  }
0x93: {  	s2 =	sld [smem:$0x3FFC];
	_ =	sdelay $0x3  }
0x94: {  	_ =	strace s2  }
0x95: {  	s2 =	sld [smem:$0x3FFD];
	_ =	sdelay $0x3  }
0x96: {  	_ =	strace s2  }
0x97: {  	_ =	strace $0x8FFFFFFF  }
0x98: {  	s18 =	sld [smem:$0x3FDB];
	_ =	sdelay $0x1  }
0x99: {  	s19 =	simm.s32 $_scs_section_size  }
0x9a: {  	s4 =	simm.s32 $_size__tile_overlayer_lowered;
	s5 =	simm.s32 $_tile_overlayer_lowered  }
0x9b: {  	s22 =	simm.s32 $0x1BFF;
	s21 =	sshll.u32 s5, $0x1;
	s2 =	sadd.s32 s19, s18  }
0x9c: {  	s6 =	simm.s32 $0x0;
	s20 =	sshll.u32 s4, $0x1;
	s4 =	sadd.s32 s21, s2  }
0x9d: {  	[timem:s6], [sflag:s22] =	dma.local [hbm:s4], s20  }
0x9e: {  	_ =	swait.ge [sflag:s22], s20  }
0x9f: {  	s3 =	ssub.s32 $0x0, s20;
	[sflag:s22] =	ssyncset.done $0x0  }
0xa0: {  	[sflag:s22] =	ssyncadd.s32 s3;
	_ =	sdelay $0x1  }
0xa1: {  	s23 =	simm.s32 $0x1B8B  }
0xa2: {  	_ =	swait.ge [sflag:s23], $0x1  }
0xa3: {  	[sflag:s23] =	ssyncset.done $0x0  }
0xa4: {  	s25 =	simm.s32 $0x1B8E;
	s24 =	sld [smem:$0x3FFE];
	[sflag:s23] =	ssyncadd.s32 $0xFFFFFFFF  }
0xa5: {  	s26 =	simm.s32 $execute0_lowered;
	[smem:$0x3FD2] =	sst s25  }
0xa6: {  	s4 =	sshll.u32 s26, $0x1;
	_ =	strace $0x80000049;
	[dreg:$0x1] =	wrdreg $0xFFFFFFFF  }
0xa7: {  	s28 =	simm.s32 $_size_execute0_lowered;
	s2 =	sadd.s32 s2, s4;
	[dreg:$0x0] =	wrdreg $0x0  }
0xa8: {  	s4 =	sshll.u32 s28, $0x1;
	[dreg:$0x2] =	wrdreg s2  }
0xa9: {  	[dreg:$0x3] =	wrdreg s4  }
0xaa: {  	[dreg:$0x4] =	wrdreg $0xC0  }
0xab: {  	_ =	task [dreg:s6], $0x5FFFF  }
0xac: {  	[dreg:$0x1] =	wrdreg $0xFFFFFFFF  }
0xad: {  	[dreg:$0x0] =	wrdreg $0x60  }
0xae: {  	[dreg:$0x2] =	wrdreg s24  }
0xaf: {  	[dreg:$0x3] =	wrdreg $0x90000  }
0xb0: {  	[dreg:$0x4] =	wrdreg $0x9  }
0xb1: {  	_ =	task.clear_ibuf [dreg:s6], $0x5FFFF;
	_ =	strace $0x90000049  }
0xb2: {  	s29 =	simm.s32 $0x9;
	_ =	strace $0x8000004B  }
0xb3: {  	_ =	swait.ge [sflag:s29], $0x1  }
0xb4: {  	[sflag:s29] =	ssyncadd.s32 $0xFFFFFFFF  }
0xb5: {  	_ =	strace $0x9000004B  }
0xb6: {  	_ =	sfence  }
0xb7: {  	s30 =	sld [smem:$0x0];
	_ =	sdelay $0x2  }
0xb8: {  	s31 =	sshll.u32 s1, $0xD;
	s1 =	sshrl.u32 s1, $0x2  }
0xb9: {  	s3 =	sand.u32 $0x4000, s31;
	s1 =	sadd.s32 s1, s30  }
0xba: {  	s0 =	sor.u32 s3, s0;
	s1 =	sshll.u32 s1, $0x11  }
0xbb: {  	s0 =	sor.u32 s1, s0  }
0xbc: {  	s0 =	sadd.s32 $0x8F2B, s0  }
0xbd: {  	[sflag:s0] =	ssyncadd.remote.s32 $0x1  }
0xbe: {  	_ =	sfence.sel $0xFFFF  }
0xbf: {  	[dreg:$0x0] =	wrdreg $0xFFFFFFFF;
	(pc) =	sbr.abs _section_cstart, $3  }
0xc0: {  	[dreg:$0x1] =	wrdreg $0xFFFFFFFF  }
0xc1: {  	_ =	task.clear_ibuf [dreg:s6], $0x2FFFF;
	_ =	strace $0x9FFFFFFF  }
0xc2: {  	(tm) =	ssettm $0x7FFFFFFF  }
0xc3: {  	_ =	shalt  }
tec
execute0_lowered:
.L_overlay_start_1:
0x0: {  	(tag) =	ssettag $0x1  }
0x1: {  	s4 =	rddreg [dreg:$0x0]  }
0x2: {  	s2 =	rddreg [dreg:$0x1];
	s3 =	srdreg.scid  }
0x3: {  	s0 =	rddreg [dreg:$0x2];
	s1 =	stileid.u32  }
0x4: {  	s15 =	simm.s32 $0x1;
	s16 =	simm.s32 $0x50;
	s17 =	simm.s32 $0x2  }
0x5: {  	s18 =	simm.s32 $0x3E00;
	s19 =	simm.s32 $0x0;
	s7 =	smul.u32 $0x14000, s1  }
0x6: {  	s5 =	sand.u32 $0x1, s3;
	s3 =	simm.s32 $0x0;
	s11 =	smul.u32 $0x50000, s1  }
0x7: {  	s10 =	sadd.s32 $0xF64600, s4;
	s30 =	sshll.u32 s1, $0x6;
	s14 =	smul.u32 $0x27100, s1  }
0x8: {  	s6 =	sshll.u32 s5, $0x4;
	[smem:$0x7FF] =	sst s3;
	s8 =	smul.u32 $0x140000, s5  }
0x9: {  	s29 =	ssub.s32 $0x2, s5;
	s13 =	smul.u32 $0x271000, s5;
	s5 =	sor.u32 $0x1C03, s30  }
0xa: {  	s6 =	sor.u32 s1, s6;
	_ =	strace $0x8000004A;
	s12 =	sshrl.u32 s29, $0x1  }
0xb: {  	s11 =	sshrl.u32 s11, $0x2;
	s9 =	sshll.u32 s6, $0xB;
	s8 =	sadd.s32 s7, s8  }
0xc: {  	s7 =	sshrl.u32 s7, $0x3;
	s6 =	smul.u32 $0x138800, s6;
	s12 =	ssub.s32 s29, s12  }
0xd: {  	s11 =	sadd.s32 s11, s2;
	s9 =	sadd.s32 s9, s4;
	s8 =	sshrl.u32 s8, $0x3  }
0xe: {  	s7 =	sadd.s32 s7, s4;
	s11 =	sshrl.u32 s11, $0x3;
	s6 =	sshrl.u32 s6, $0x3  }
0xf: {  	s8 =	sadd.s32 s8, s4;
	s4 =	sadd.s32 $0x12000, s7;
	s31 =	sadd.s32 s10, s6  }
0x10: {  	s6 =	sadd.s32 $0x2000, s9;
	s10 =	sadd.s32 s13, s10;
	s8 =	sadd.s32 $0x3A000, s8  }
0x11: {  	s9 =	smax.u32 s12, $0x1;
	s12 =	simm.s32 $0x3;
	s13 =	simm.s32 $0x4000  }
0x12: {  	s7 =	sadd.s32 $0x26C00, s31;
	s10 =	sadd.s32 s14, s10;
	s14 =	simm.s32 $0x6800  }
.LBB2_1:
0x13: {  	[spmem:s11], [sflag:s5] =	dma.local [hbm:s4], $0x2800  }
0x14: {  	_ =	swait.ge [sflag:s12], $0x2800  }
0x15: {  	[sflag:s12] =	ssyncset.done $0x0  }
0x16: {  	[sflag:s12] =	ssyncadd.s32 $0xFFFFD800  }
0x17: {  	[tilespmem:s3], [sflag:$0x3] =	stream.linear.gather [hbm4b:s6+s3], $0x3E80, $0x38;
	[tilespmem:$0x1D000] =	vst v63  }
0x18: {  	_ =	swait.ge [sflag:s12], $0x3E80  }
0x19: {  	[sflag:s12] =	ssyncset.done $0x0  }
0x1a: {  	[sflag:s12] =	ssyncadd.s32 $0xFFFFC180  }
0x1b: {  	[bflag:$0x0] =	sbarrier.arrive $0xFFFF  }
0x1c: {  	[tilespmem:s13], [sflag:$0x1] =	stream.linear.gather [hbm4b:s10+s3], $0x2800, $0x38;
	[tilespmem:$0x1D000] =	vst v63  }
0x1d: {  	s20 =	sadd.s32 $0x500, s10  }
0x1e: {  	[tilespmem:s14], [sflag:$0x2] =	stream.linear.gather [hbm4b:s20+s3], $0x2800, $0x38;
	[tilespmem:$0x1D000] =	vst v63  }
0x1f: {  	_ =	swait.ge [sflag:s15], $0x2800  }
0x20: {  	[sflag:s15] =	ssyncset.done $0x0  }
0x21: {  	s30 =	simm.s32 $0x0;
	[sflag:s15] =	ssyncadd.s32 $0xFFFFD800  }
0x22: {  	[spmem:s2] =	stream.indirect.scatter.add.f32 [tilespmem:s13], [sflag:$0x3], $0x80, s30, s16, $0xb8;
	[tilespmem:$0x1D000] =	vst v63  }
0x23: {  	_ =	swait.ge [sflag:s12], $0x2800  }
0x24: {  	[sflag:s12] =	ssyncset.done $0x0  }
0x25: {  	[sflag:s12] =	ssyncadd.s32 $0xFFFFD800  }
0x26: {  	_ =	swait.ge [sflag:s17], $0x2800  }
0x27: {  	[sflag:s17] =	ssyncset.done $0x0  }
0x28: {  	s31 =	simm.s32 $0x80;
	[sflag:s17] =	ssyncadd.s32 $0xFFFFD800  }
0x29: {  	[spmem:s2] =	stream.indirect.scatter.add.f32 [tilespmem:s14], [sflag:$0x3], $0x80, s31, s16, $0xb8;
	[tilespmem:$0x1D000] =	vst v63  }
0x2a: {  	_ =	swait.ge [sflag:s12], $0x2800  }
0x2b: {  	s21 =	smov.u32 s10;
	s20 =	simm.s32 $0x400;
	[sflag:s12] =	ssyncset.done $0x0  }
.LBB2_2:
0x2c: {  	p0 =	sne.s32 s20, $0xF400;
	[sflag:s12] =	ssyncadd.s32 $0xFFFFD800;
	s21 =	sadd.s32 $0xA00, s21  }
0x2d: {  	[tilespmem:s13], [sflag:$0x1] =	stream.linear.gather [hbm4b:s21+s3], $0x2800, $0x38;
	[tilespmem:$0x1D000] =	vst v63  }
0x2e: {  	s23 =	smov.u32 s20;
	s20 =	sadd.s32 $0x400, s20;
	s22 =	sadd.s32 $0x500, s21  }
0x2f: {  	[tilespmem:s14], [sflag:$0x2] =	stream.linear.gather [hbm4b:s22+s3], $0x2800, $0x38;
	[tilespmem:$0x1D000] =	vst v63  }
0x30: {  	_ =	swait.ge [sflag:s15], $0x2800  }
0x31: {  	[sflag:s15] =	ssyncset.done $0x0  }
0x32: {  	s22 =	sshra.s32 s23, $0x2;
	[sflag:s15] =	ssyncadd.s32 $0xFFFFD800  }
0x33: {  	[spmem:s2] =	stream.indirect.scatter.add.f32 [tilespmem:s13], [sflag:$0x3], $0x80, s22, s16, $0xb8;
	[tilespmem:$0x1D000] =	vst v63  }
0x34: {  	_ =	swait.ge [sflag:s12], $0x2800  }
0x35: {  	[sflag:s12] =	ssyncset.done $0x0  }
0x36: {  	[sflag:s12] =	ssyncadd.s32 $0xFFFFD800  }
0x37: {  	_ =	swait.ge [sflag:s17], $0x2800  }
.Ltmp0:
0x38: {  	[sflag:s17] =	ssyncset.done $0x0;
	(pc) =	sbr.rel @p0 .LBB2_2-.Ltmp0, $4  }
0x39: {  	s22 =	sadd.s32 $0x80, s22;
	[sflag:s17] =	ssyncadd.s32 $0xFFFFD800  }
0x3a: {  	[spmem:s2] =	stream.indirect.scatter.add.f32 [tilespmem:s14], [sflag:$0x3], $0x80, s22, s16, $0xb8;
	[tilespmem:$0x1D000] =	vst v63  }
0x3b: {  	_ =	swait.ge [sflag:s12], $0x2800  }
0x3c: {  	[sflag:s12] =	ssyncset.done $0x0  }
0x3d: {  	[sflag:s12] =	ssyncadd.s32 $0xFFFFD800  }
0x3e: {  	[tilespmem:s13], [sflag:$0x1] =	stream.linear.gather [hbm4b:s7+s3], $0x2800, $0x38;
	[tilespmem:$0x1D000] =	vst v63  }
0x3f: {  	_ =	swait.ge [sflag:s15], $0x2800  }
0x40: {  	[sflag:s15] =	ssyncset.done $0x0  }
0x41: {  	[sflag:s15] =	ssyncadd.s32 $0xFFFFD800  }
0x42: {  	[spmem:s2] =	stream.indirect.scatter.add.f32 [tilespmem:s13], [sflag:$0x3], $0x80, s18, s16, $0xb8;
	[tilespmem:$0x1D000] =	vst v63  }
0x43: {  	_ =	swait.ge [sflag:s12], $0x2800  }
0x44: {  	s19 =	sadd.s32 $0x1, s19;
	[sflag:s12] =	ssyncset.done $0x0  }
0x45: {  	p0 =	sne.s32 s19, s9;
	[sflag:s12] =	ssyncadd.s32 $0xFFFFD800  }
.Ltmp1:
0x46: {  	[bflag:$0x0] =	sbarrier.arrive $0xFFFF;
	(pc) =	sbr.rel @p0 .LBB2_1-.Ltmp1, $4  }
0x47: {  	[hbm:s8], [sflag:s5] =	dma.local [spmem:s11], $0x2800  }
0x48: {  	_ =	swait.ge [sflag:s12], $0x2800  }
0x49: {  	[sflag:s12] =	ssyncset.done $0x0  }
0x4a: {  	[sflag:s12] =	ssyncadd.s32 $0xFFFFD800  }
0x4b: {  	_ =	sfence.sel $0x180000  }
0x4c: {  	[bflag:$0x0] =	sbarrier.arrive $0xFFFF  }
0x4d: {  	p0 =	sne.s32 s1, $0x0;
	_ =	strace $0x9000004A  }
0x4e: {  	s0 =	sadd.s32 @!p0 $0x100000, s0;
	[bflag:$0x2] =	sbarrier.arrive $0xFFFF  }
0x4f: {  	[sflag:s0] =	ssyncadd.tile.s32 @!p0 $0x1;
	_ =	shalt  }
.Lfunc_end2:
_tile_overlayer_lowered:
.L_overlay_start_2:
0x50: {  	(tag) =	ssettag $0x2  }
0x51: {  	s0 =	rddreg [dreg:$0x0];
	s2 =	stileid.u32  }
0x52: {  	s1 =	rddreg [dreg:$0x1];
	p0 =	sne.s32 s2, $0x0  }
0x53: {  	s3 =	rddreg [dreg:$0x2];
	[bflag:$0x3] =	sbarrier.arrive $0xFFFF;
	s2 =	simm.s32 @!p0 $0x1C03  }
0x54: {  	[timem:s3], [sflag:s2] =	dma.local @!p0 [hbm:s0], s1  }
0x55: {  	s0 =	simm.s32 @!p0 $0x3  }
0x56: {  	_ =	swait.ge @!p0 [sflag:s0], s1  }
0x57: {  	s1 =	ssub.s32 @!p0 $0x0, s1;
	[sflag:s0] =	ssyncset.done @!p0 $0x0  }
0x58: {  	[sflag:s0] =	ssyncadd.s32 @!p0 s1  }
0x59: {  	[bflag:$0x3] =	sbarrier.arrive $0xFFFF  }
0x5a: {  	_ =	shalt  }

// kernel: kernel.7.cloned.1.call-start
scs
__scs_entry_jumppad:
0x0: {  	(pc) =	sbr.rel $0x88, $3  }
0x1: {  	(tag) =	ssettag $0x0;
	lr =	simm.s32 $0x1  }
0x2: {  	[smem:$0x3F94] =	sst lr;
	_ =	strace $0xD0000000  }
0x3: {  	_ = 	snop  }
0x4: {  	_ = 	snop  }
0x5: {  	_ = 	snop  }
0x6: {  	_ = 	snop  }
0x7: {  	_ = 	snop  }
__scs_overlays_trampoline_lowered:
0x8: {  	[smem:$0x3FA3] =	sst s0  }
0x9: {  	[smem:$0x3FA4] =	sst s1  }
0xa: {  	[smem:$0x3FA5] =	sst s2  }
0xb: {  	[smem:$0x3FA6] =	sst s3  }
0xc: {  	[smem:$0x3FA7] =	sst s4  }
0xd: {  	[smem:$0x3FA8] =	sst s5  }
0xe: {  	[smem:$0x3FA9] =	sst s6  }
0xf: {  	[smem:$0x3FAA] =	sst s7  }
0x10: {  	[smem:$0x3FAB] =	sst s8  }
0x11: {  	[smem:$0x3FAC] =	sst s9;
	s0 =	simm.s32 @!p0 $0x0  }
0x12: {  	s1 =	sld [smem:$0x3F92];
	s0 =	simm.s32 @p0 $0x1  }
0x13: {  	[smem:$0x3FAD] =	sst s0;
	s0 =	simm.s32 @!p1 $0x0  }
0x14: {  	s2 =	sld [smem:$0x3F91];
	s0 =	simm.s32 @p1 $0x1  }
0x15: {  	[smem:$0x3FAE] =	sst s0;
	s0 =	simm.s32 @!p2 $0x0  }
0x16: {  	s3 =	sld [smem:$0x3FDB];
	s0 =	simm.s32 @p2 $0x1  }
0x17: {  	s4 =	simm.s32 $0x1BF5;
	[smem:$0x3FB0] =	sst s0  }
0x18: {  	s0 =	sld [smem:$0x3F93];
	_ =	swait.ge [sflag:s4], $0x0  }
0x19: {  	s7 =	sld [smem:$0x3F94]  }
0x1a: {  	s8 =	sadd.s32 $0xFFFFE003, lr  }
0x1b: {  	s9 =	sadd.s32 $0xFFFFFEF7, lr;
	s5 =	simm.s32 $0xFFFFFFFF;
	p2 =	slt.u32 s8, $0xFFFFF086  }
0x1c: {  	p1 =	slt.u32 s9, $0xF7A;
	s5 =	simm.s32 @!p2 $0x0  }
0x1d: {  	s5 =	simm.s32 @p1 $0x1;
	p0 =	seq.s32 s7, s2  }
0x1e: {  	s7 =	smul.u32 @!p0 $0xF7A, s2;
	p2 =	seq.s32 @!p0 s5, $0x0  }
0x1f: {  	s9 =	smul.u32 $0xF7A, s1;
	s8 =	simm.s32 @!p0 $0x1BF5;
	p2 =	por !p2, p0  }
0x20: {  	[sflag:s8] =	ssyncset.s32 @!p0 $0xFFFFF086;
	s6 =	sadd.s32 @!p0 s3, s7;
	s7 =	simm.s32 @!p0 $0x108  }
0x21: {  	s3 =	sadd.s32 s3, s9;
	s6 =	sadd.s32 @!p0 $0x88, s6;
	s7 =	simm.s32 @p2 $0x1082  }
0x22: {  	[simem:s7], [sflag:s8] =	dma.local @!p0 [hbm:s6], $0xF7A  }
0x23: {  	s9 =	sor.u32 $0xD0000000, s2;
	s6 =	simm.s32 $0x108;
	_ =	swait.ge @!p0 [sflag:s8], $0x0  }
0x24: {  	s3 =	sadd.s32 $0x88, s3;
	s6 =	simm.s32 @!p1 $0x1082;
	[sflag:s4] =	ssyncset.s32 $0xFFFFF086  }
0x25: {  	[simem:s6], [sflag:s4] =	dma.local [hbm:s3], $0xF7A  }
0x26: {  	[smem:$0x3F94] =	sst s1;
	(tag) =	ssettag s2;
	_ =	strace s9  }
0x27: {  	s1 =	sld [smem:$0x3FA4]  }
0x28: {  	s2 =	sld [smem:$0x3FA5]  }
0x29: {  	s4 =	sld [smem:$0x3FA7]  }
0x2a: {  	p0 =	seq.s32 s5, $0x0;
	s5 =	sld [smem:$0x3FA8]  }
0x2b: {  	s6 =	sld [smem:$0x3FA9]  }
0x2c: {  	s7 =	sld [smem:$0x3FAA]  }
0x2d: {  	s3 =	simm.s32 $0x108;
	s8 =	sld [smem:$0x3FAB]  }
0x2e: {  	s3 =	simm.s32 @!p0 $0x1082;
	s9 =	sld [smem:$0x3FAC]  }
0x2f: {  	lr =	sadd.s32 s0, s3;
	s0 =	sld [smem:$0x3FA3]  }
0x30: {  	s3 =	sld [smem:$0x3FA6]  }
0x31: {  	[smem:$0x3FAF] =	sst s10  }
0x32: {  	s10 =	sld [smem:$0x3FAD];
	_ =	sdelay $0x3  }
0x33: {  	p0 =	seq.s32 s10, $0x1;
	s10 =	sld [smem:$0x3FAF];
	_ =	sdelay $0x3  }
0x34: {  	[smem:$0x3FAF] =	sst s10  }
0x35: {  	s10 =	sld [smem:$0x3FAE];
	_ =	sdelay $0x3  }
0x36: {  	p1 =	seq.s32 s10, $0x1;
	s10 =	sld [smem:$0x3FAF];
	_ =	sdelay $0x3  }
0x37: {  	[smem:$0x3FAF] =	sst s10  }
0x38: {  	s10 =	sld [smem:$0x3FB0]  }
0x39: {  	_ = 	snop;
	(pc) =	sbr.ind lr, $3  }
0x3a: {  	_ = 	snop  }
0x3b: {  	_ = 	snop  }
0x3c: {  	p2 =	seq.s32 s10, $0x1;
	s10 =	sld [smem:$0x3FAF]  }
0x3d: {  	_ =	shalt  }
0x3e: {  	_ =	shalt  }
0x3f: {  	_ =	shalt  }
0x40: {  	_ =	shalt  }
0x41: {  	_ =	shalt  }
0x42: {  	_ =	shalt  }
0x43: {  	_ =	shalt  }
0x44: {  	_ =	shalt  }
0x45: {  	_ =	shalt  }
0x46: {  	_ =	shalt  }
0x47: {  	_ =	shalt  }
0x48: {  	_ =	shalt  }
0x49: {  	_ =	shalt  }
0x4a: {  	_ =	shalt  }
0x4b: {  	_ =	shalt  }
0x4c: {  	_ =	shalt  }
0x4d: {  	_ =	shalt  }
0x4e: {  	_ =	shalt  }
0x4f: {  	_ =	shalt  }
0x50: {  	_ =	shalt  }
0x51: {  	_ =	shalt  }
0x52: {  	_ =	shalt  }
0x53: {  	_ =	shalt  }
0x54: {  	_ =	shalt  }
0x55: {  	_ =	shalt  }
0x56: {  	_ =	shalt  }
0x57: {  	_ =	shalt  }
0x58: {  	_ =	shalt  }
0x59: {  	_ =	shalt  }
0x5a: {  	_ =	shalt  }
0x5b: {  	_ =	shalt  }
0x5c: {  	_ =	shalt  }
0x5d: {  	_ =	shalt  }
0x5e: {  	_ =	shalt  }
0x5f: {  	_ =	shalt  }
0x60: {  	_ =	shalt  }
0x61: {  	_ =	shalt  }
0x62: {  	_ =	shalt  }
0x63: {  	_ =	shalt  }
0x64: {  	_ =	shalt  }
0x65: {  	_ =	shalt  }
0x66: {  	_ =	shalt  }
0x67: {  	_ =	shalt  }
0x68: {  	_ =	shalt  }
0x69: {  	_ =	shalt  }
0x6a: {  	_ =	shalt  }
0x6b: {  	_ =	shalt  }
0x6c: {  	_ =	shalt  }
0x6d: {  	_ =	shalt  }
0x6e: {  	_ =	shalt  }
0x6f: {  	_ =	shalt  }
0x70: {  	_ =	shalt  }
0x71: {  	_ =	shalt  }
0x72: {  	_ =	shalt  }
0x73: {  	_ =	shalt  }
0x74: {  	_ =	shalt  }
0x75: {  	_ =	shalt  }
0x76: {  	_ =	shalt  }
0x77: {  	_ =	shalt  }
0x78: {  	_ =	shalt  }
0x79: {  	_ =	shalt  }
0x7a: {  	_ =	shalt  }
0x7b: {  	_ =	shalt  }
0x7c: {  	_ =	shalt  }
0x7d: {  	_ =	shalt  }
0x7e: {  	_ =	shalt  }
0x7f: {  	_ =	shalt  }
0x80: {  	_ =	shalt  }
0x81: {  	_ =	shalt  }
0x82: {  	_ =	shalt  }
0x83: {  	_ =	shalt  }
0x84: {  	_ =	shalt  }
0x85: {  	_ =	shalt  }
0x86: {  	_ =	shalt  }
0x87: {  	_ =	shalt  }
.Lfunc_end0:
.L_simem_size_0:
called_computation_lowered:
.L_overlay_start_0:
0x88: {  	s2 =	sld [smem:$0x3FD9]  }
0x89: {  	s3 =	sld [smem:$0x3FFE];
	_ =	sdelay $0x1  }
0x8a: {  	s1 =	srdreg.scid  }
0x8b: {  	s0 =	sand.u32 $0x1, s1  }
0x8c: {  	s16 =	sshll.u32 s0, $0xA;
	s2 =	sadd.s32 s3, s2  }
0x8d: {  	s2 =	sadd.s32 s2, s16  }
0x8e: {  	[smem:$0x3FBB] =	sst s2  }
0x8f: {  	_ = 	snop  }
0x90: {  	(tm) =	ssettm $0x1  }
0x91: {  	s17 =	sld [smem:$0x3FFB];
	_ =	sdelay $0x3  }
0x92: {  	_ =	strace s17  }
0x93: {  	s2 =	sld [smem:$0x3FFC];
	_ =	sdelay $0x3  }
0x94: {  	_ =	strace s2  }
0x95: {  	s2 =	sld [smem:$0x3FFD];
	_ =	sdelay $0x3  }
0x96: {  	_ =	strace s2  }
0x97: {  	_ =	strace $0x8FFFFFFF  }
0x98: {  	s18 =	sld [smem:$0x3FDB];
	_ =	sdelay $0x1  }
0x99: {  	s19 =	simm.s32 $_scs_section_size  }
0x9a: {  	s4 =	simm.s32 $_size__tile_overlayer_lowered;
	s5 =	simm.s32 $_tile_overlayer_lowered  }
0x9b: {  	s22 =	simm.s32 $0x1BFF;
	s21 =	sshll.u32 s5, $0x1;
	s2 =	sadd.s32 s19, s18  }
0x9c: {  	s6 =	simm.s32 $0x0;
	s20 =	sshll.u32 s4, $0x1;
	s4 =	sadd.s32 s21, s2  }
0x9d: {  	[timem:s6], [sflag:s22] =	dma.local [hbm:s4], s20  }
0x9e: {  	_ =	swait.ge [sflag:s22], s20  }
0x9f: {  	s3 =	ssub.s32 $0x0, s20;
	[sflag:s22] =	ssyncset.done $0x0  }
0xa0: {  	[sflag:s22] =	ssyncadd.s32 s3;
	_ =	sdelay $0x1  }
0xa1: {  	s23 =	simm.s32 $0x1B8B  }
0xa2: {  	_ =	swait.ge [sflag:s23], $0x1  }
0xa3: {  	[sflag:s23] =	ssyncset.done $0x0  }
0xa4: {  	s25 =	simm.s32 $0x1B8E;
	s24 =	sld [smem:$0x3FFE];
	[sflag:s23] =	ssyncadd.s32 $0xFFFFFFFF  }
0xa5: {  	s26 =	simm.s32 $execute0_lowered;
	[smem:$0x3FD2] =	sst s25  }
0xa6: {  	s4 =	sshll.u32 s26, $0x1;
	_ =	strace $0x80000046;
	[dreg:$0x1] =	wrdreg $0xFFFFFFFF  }
0xa7: {  	s28 =	simm.s32 $_size_execute0_lowered;
	s2 =	sadd.s32 s2, s4;
	[dreg:$0x0] =	wrdreg $0x0  }
0xa8: {  	s4 =	sshll.u32 s28, $0x1;
	[dreg:$0x2] =	wrdreg s2  }
0xa9: {  	[dreg:$0x3] =	wrdreg s4  }
0xaa: {  	[dreg:$0x4] =	wrdreg $0xC0  }
0xab: {  	_ =	task [dreg:s6], $0x5FFFF  }
0xac: {  	[dreg:$0x1] =	wrdreg $0xFFFFFFFF  }
0xad: {  	[dreg:$0x0] =	wrdreg $0x60  }
0xae: {  	[dreg:$0x2] =	wrdreg s24  }
0xaf: {  	[dreg:$0x3] =	wrdreg $0x9  }
0xb0: {  	_ =	task.clear_ibuf [dreg:s6], $0x4FFFF;
	_ =	strace $0x90000046  }
0xb1: {  	s29 =	simm.s32 $0x9;
	_ =	strace $0x80000048  }
0xb2: {  	_ =	swait.ge [sflag:s29], $0x1  }
0xb3: {  	[sflag:s29] =	ssyncadd.s32 $0xFFFFFFFF  }
0xb4: {  	_ =	strace $0x90000048  }
0xb5: {  	_ =	sfence  }
0xb6: {  	s30 =	sld [smem:$0x0];
	_ =	sdelay $0x2  }
0xb7: {  	s31 =	sshll.u32 s1, $0xD;
	s1 =	sshrl.u32 s1, $0x2  }
0xb8: {  	s3 =	sand.u32 $0x4000, s31;
	s1 =	sadd.s32 s1, s30  }
0xb9: {  	s0 =	sor.u32 s3, s0;
	s1 =	sshll.u32 s1, $0x11  }
0xba: {  	s0 =	sor.u32 s1, s0  }
0xbb: {  	s0 =	sadd.s32 $0x8F2B, s0  }
0xbc: {  	[sflag:s0] =	ssyncadd.remote.s32 $0x1  }
0xbd: {  	_ =	sfence.sel $0xFFFF  }
0xbe: {  	[dreg:$0x0] =	wrdreg $0xFFFFFFFF;
	(pc) =	sbr.abs _section_cstart, $3  }
0xbf: {  	[dreg:$0x1] =	wrdreg $0xFFFFFFFF  }
0xc0: {  	_ =	task.clear_ibuf [dreg:s6], $0x2FFFF;
	_ =	strace $0x9FFFFFFF  }
0xc1: {  	(tm) =	ssettm $0x7FFFFFFF  }
tec
execute0_lowered:
.L_overlay_start_1:
0x0: {  	(tag) =	ssettag $0x1  }
0x1: {  	s0 =	rddreg [dreg:$0x0]  }
0x2: {  	s1 =	srdreg.scid;
	s2 =	simm.s32 $0x0;
	s4 =	stileid.u32  }
0x3: {  	s13 =	simm.s32 $0x8000;
	s21 =	simm.s32 $0xC000;
	s22 =	simm.s32 $0xC800  }
0x4: {  	s28 =	simm.s32 $0x14000;
	s29 =	simm.s32 $0x14800;
	s30 =	simm.s32 $0x15000  }
0x5: {  	s31 =	simm.s32 $0x15800;
	s12 =	simm.s32 $0xD000;
	s14 =	simm.s32 $0x1A800  }
0x6: {  	s15 =	simm.s32 $0x1B800;
	s9 =	simm.s32 $0x1;
	s16 =	simm.s32 $0x2  }
0x7: {  	s10 =	simm.s32 $0x0;
	s1 =	sand.u32 $0x1, s1;
	[smem:$0x7FF] =	sst s2  }
0x8: {  	s3 =	sshll.u32 s1, $0x4;
	_ =	strace $0x80000047;
	s1 =	ssub.s32 $0x2, s1  }
0x9: {  	s6 =	sor.u32 s4, s3;
	s3 =	sadd.s32 $0x70200, s0;
	s4 =	sadd.s32 $0x22000, s0  }
0xa: {  	s23 =	sshrl.u32 s1, $0x1;
	s5 =	sshll.u32 s6, $0xB;
	s7 =	smul.u32 $0x271000, s6  }
0xb: {  	s6 =	smul.u32 $0x2710, s6;
	s8 =	sadd.s32 s5, s0;
	s5 =	sadd.s32 $0xBE400, s0  }
0xc: {  	s0 =	ssub.s32 s1, s23;
	s23 =	simm.s32 $0x12000;
	s25 =	sadd.s32 $0x2000, s8  }
0xd: {  	s7 =	sshrl.u32 s7, $0x3;
	s26 =	sadd.s32 $0x12000, s8;
	[dreg:$0x2] =	wrdreg s25  }
0xe: {  	s0 =	smax.u32 s0, $0x1;
	s8 =	simm.s32 $0x1B000;
	[dreg:$0x3] =	wrdreg s26  }
0xf: {  	v2 =	vlaneseq.u32;
	s24 =	sadd.s32 s5, s7;
	[dreg:$0x5] =	wrdreg s0;
	s25 =	simm.s32 $0x13000  }
0x10: {  	vm0 =	vmmov $0xffff;
	v1 =	vshrl.u32 v2, $0x3;
	s26 =	simm.s32 $0x13800;
	s0 =	simm.s32 $0x16000;
	s1 =	sadd.s32 $0x4D800, s24  }
0x11: {  	v0 =	vand.u32 $0x7, v2;
	v2 =	vor.u32 $0x8, v2;
	v1 =	vmul.u32 $0x8, v1;
	s24 =	simm.s32 $0x12800;
	[dreg:$0x4] =	wrdreg s1;
	s1 =	simm.s32 $0x16800  }
.LBB2_1:
0x12: {  	[dreg:$0x6] =	wrdreg s10  }
0x13: {  	s7 =	rddreg [dreg:$0x2];
	s19 =	simm.s32 $0x5  }
0x14: {  	[tilespmem:s2], [sflag:$0x5] =	stream.linear.gather [hbm4b:s7+s2], $0x3E80, $0x38;
	[tilespmem:$0x1C000] =	vst v63  }
0x15: {  	_ =	swait.ge [sflag:s19], $0x3E80  }
0x16: {  	[sflag:s19] =	ssyncset.done $0x0  }
0x17: {  	s11 =	simm.s32 $0x4000;
	s20 =	rddreg [dreg:$0x3];
	[sflag:s19] =	ssyncadd.s32 $0xFFFFC180  }
0x18: {  	[tilespmem:s11], [sflag:$0x5] =	stream.linear.gather [hbm4b:s20+s2], $0x3E80, $0x38;
	[tilespmem:$0x1C000] =	vst v63  }
0x19: {  	_ =	swait.ge [sflag:s19], $0x3E80  }
0x1a: {  	[sflag:s19] =	ssyncset.done $0x0  }
0x1b: {  	s10 =	simm.s32 $0x0;
	[sflag:s19] =	ssyncadd.s32 $0xFFFFC180  }
.LBB2_2:
0x1c: {  	p0 =	seq.s32 s10, $0x0  }
0x1d: {  	s11 =	simm.s32 @!p0 $0x3  }
0x1e: {  	_ =	swait.ge @!p0 [sflag:s11], $0x5000  }
0x1f: {  	[sflag:s11] =	ssyncset.done @!p0 $0x0  }
0x20: {  	[sflag:s11] =	ssyncadd.s32 @!p0 $0xFFFFB000;
	s11 =	simm.s32 @!p0 $0x4  }
0x21: {  	_ =	swait.ge @!p0 [sflag:s11], $0x5000  }
0x22: {  	[sflag:s11] =	ssyncset.done @!p0 $0x0  }
0x23: {  	s17 =	sshll.u32 s10, $0x8;
	[sflag:s11] =	ssyncadd.s32 @!p0 $0xFFFFB000  }
0x24: {  	v3 =	vld [tilespmem:s17+$0x0];
	_ =	sdelay $0x4  }
0x25: {  	v4 =	vshll.u32 v3, $0x1  }
0x26: {  	v3 =	vand.u32 $0x7, v3;
	v4 =	vand.u32 $0xFFFFFFF0, v4  }
0x27: {  	v3 =	vor.u32 v3, v4  }
0x28: {  	v4 =	vperm.xlane v3, v0;
	_ =	sdelay $0x1  }
0x29: {  	v3 =	vperm.xlane v3, v2;
	v4 =	vadd.s32 v1, v4;
	_ =	sdelay $0x1  }
0x2a: {  	v3 =	vadd.s32 v1, v3;
	_ =	sdelay $0x1  }
0x2b: {  	s11 =	simm.s32 $0x0  }
0x2c: {  	[tilespmem:s13], [sflag:$0x1] =	stream.indirect_vreg.gather [hbm4b:s3+s11], $0x80, v4, vm0, $0xb8;
	[tilespmem:$0x1C000] =	vst v63  }
0x2d: {  	s7 =	simm.s32 $0x8800  }
0x2e: {  	[tilespmem:s7], [sflag:$0x1] =	stream.indirect_vreg.gather [hbm4b:s3+s11], $0x80, v3, vm0, $0xb8;
	[tilespmem:$0x1C000] =	vst v63  }
0x2f: {  	v3 =	vld [tilespmem:s17+$0x10];
	_ =	sdelay $0x4  }
0x30: {  	v4 =	vshll.u32 v3, $0x1  }
0x31: {  	v3 =	vand.u32 $0x7, v3;
	v4 =	vand.u32 $0xFFFFFFF0, v4  }
0x32: {  	v3 =	vor.u32 v3, v4  }
0x33: {  	v4 =	vperm.xlane v3, v0;
	_ =	sdelay $0x1  }
0x34: {  	v3 =	vperm.xlane v3, v2;
	v4 =	vadd.s32 v1, v4;
	_ =	sdelay $0x1  }
0x35: {  	v3 =	vadd.s32 v1, v3;
	_ =	sdelay $0x1  }
0x36: {  	s19 =	simm.s32 $0x9000  }
0x37: {  	[tilespmem:s19], [sflag:$0x1] =	stream.indirect_vreg.gather [hbm4b:s3+s11], $0x80, v4, vm0, $0xb8;
	[tilespmem:$0x1C000] =	vst v63  }
0x38: {  	s20 =	simm.s32 $0x9800  }
0x39: {  	[tilespmem:s20], [sflag:$0x1] =	stream.indirect_vreg.gather [hbm4b:s3+s11], $0x80, v3, vm0, $0xb8;
	[tilespmem:$0x1C000] =	vst v63  }
0x3a: {  	v3 =	vld [tilespmem:s17+$0x20];
	_ =	sdelay $0x4  }
0x3b: {  	v4 =	vshll.u32 v3, $0x1  }
0x3c: {  	v3 =	vand.u32 $0x7, v3;
	v4 =	vand.u32 $0xFFFFFFF0, v4  }
0x3d: {  	v3 =	vor.u32 v3, v4  }
0x3e: {  	v4 =	vperm.xlane v3, v0;
	_ =	sdelay $0x1  }
0x3f: {  	v3 =	vperm.xlane v3, v2;
	v4 =	vadd.s32 v1, v4;
	_ =	sdelay $0x1  }
0x40: {  	v3 =	vadd.s32 v1, v3;
	_ =	sdelay $0x1  }
0x41: {  	s18 =	simm.s32 $0xA000  }
0x42: {  	[tilespmem:s18], [sflag:$0x1] =	stream.indirect_vreg.gather [hbm4b:s3+s11], $0x80, v4, vm0, $0xb8;
	[tilespmem:$0x1C000] =	vst v63  }
0x43: {  	s19 =	simm.s32 $0xA800  }
0x44: {  	[tilespmem:s19], [sflag:$0x1] =	stream.indirect_vreg.gather [hbm4b:s3+s11], $0x80, v3, vm0, $0xb8;
	[tilespmem:$0x1C000] =	vst v63  }
0x45: {  	v3 =	vld [tilespmem:s17+$0x30];
	_ =	sdelay $0x4  }
0x46: {  	v4 =	vshll.u32 v3, $0x1  }
0x47: {  	v3 =	vand.u32 $0x7, v3;
	v4 =	vand.u32 $0xFFFFFFF0, v4  }
0x48: {  	v3 =	vor.u32 v3, v4  }
0x49: {  	v4 =	vperm.xlane v3, v0;
	_ =	sdelay $0x1  }
0x4a: {  	v3 =	vperm.xlane v3, v2;
	v4 =	vadd.s32 v1, v4;
	_ =	sdelay $0x1  }
0x4b: {  	v3 =	vadd.s32 v1, v3;
	_ =	sdelay $0x1  }
0x4c: {  	s20 =	simm.s32 $0xB000  }
0x4d: {  	[tilespmem:s20], [sflag:$0x1] =	stream.indirect_vreg.gather [hbm4b:s3+s11], $0x80, v4, vm0, $0xb8;
	[tilespmem:$0x1C000] =	vst v63  }
0x4e: {  	s18 =	simm.s32 $0xB800  }
0x4f: {  	[tilespmem:s18], [sflag:$0x1] =	stream.indirect_vreg.gather [hbm4b:s3+s11], $0x80, v3, vm0, $0xb8;
	[tilespmem:$0x1C000] =	vst v63  }
0x50: {  	v3 =	vld [tilespmem:s17+$0x40];
	_ =	sdelay $0x4  }
0x51: {  	v4 =	vshll.u32 v3, $0x1  }
0x52: {  	v3 =	vand.u32 $0x7, v3;
	v4 =	vand.u32 $0xFFFFFFF0, v4  }
0x53: {  	v3 =	vor.u32 v3, v4  }
0x54: {  	v4 =	vperm.xlane v3, v0;
	_ =	sdelay $0x1  }
0x55: {  	v3 =	vperm.xlane v3, v2;
	v4 =	vadd.s32 v1, v4;
	_ =	sdelay $0x1  }
0x56: {  	v3 =	vadd.s32 v1, v3;
	_ =	sdelay $0x2  }
0x57: {  	[tilespmem:s21], [sflag:$0x1] =	stream.indirect_vreg.gather [hbm4b:s3+s11], $0x80, v4, vm0, $0xb8;
	[tilespmem:$0x1C000] =	vst v63  }
0x58: {  	_ = 	snop  }
0x59: {  	[tilespmem:s22], [sflag:$0x1] =	stream.indirect_vreg.gather [hbm4b:s3+s11], $0x80, v3, vm0, $0xb8;
	[tilespmem:$0x1C000] =	vst v63  }
0x5a: {  	v3 =	vld [tilespmem:s17+$0x4000];
	_ =	sdelay $0x4  }
0x5b: {  	v4 =	vshll.u32 v3, $0x1  }
0x5c: {  	v3 =	vand.u32 $0x7, v3;
	v4 =	vand.u32 $0xFFFFFFF0, v4  }
0x5d: {  	v3 =	vor.u32 v3, v4  }
0x5e: {  	v4 =	vperm.xlane v3, v0;
	_ =	sdelay $0x1  }
0x5f: {  	v3 =	vperm.xlane v3, v2;
	v4 =	vadd.s32 v1, v4;
	_ =	sdelay $0x1  }
0x60: {  	v3 =	vadd.s32 v1, v3;
	_ =	sdelay $0x2  }
0x61: {  	[tilespmem:s23], [sflag:$0x1] =	stream.indirect_vreg.gather [hbm4b:s4+s11], $0x80, v4, vm0, $0xb8;
	[tilespmem:$0x1C000] =	vst v63  }
0x62: {  	_ = 	snop  }
0x63: {  	[tilespmem:s24], [sflag:$0x1] =	stream.indirect_vreg.gather [hbm4b:s4+s11], $0x80, v3, vm0, $0xb8;
	[tilespmem:$0x1C000] =	vst v63  }
0x64: {  	v3 =	vld [tilespmem:s17+$0x4010];
	_ =	sdelay $0x4  }
0x65: {  	v4 =	vshll.u32 v3, $0x1  }
0x66: {  	v3 =	vand.u32 $0x7, v3;
	v4 =	vand.u32 $0xFFFFFFF0, v4  }
0x67: {  	v3 =	vor.u32 v3, v4  }
0x68: {  	v4 =	vperm.xlane v3, v0;
	_ =	sdelay $0x1  }
0x69: {  	v3 =	vperm.xlane v3, v2;
	v4 =	vadd.s32 v1, v4;
	_ =	sdelay $0x1  }
0x6a: {  	v3 =	vadd.s32 v1, v3;
	_ =	sdelay $0x2  }
0x6b: {  	[tilespmem:s25], [sflag:$0x1] =	stream.indirect_vreg.gather [hbm4b:s4+s11], $0x80, v4, vm0, $0xb8;
	[tilespmem:$0x1C000] =	vst v63  }
0x6c: {  	_ = 	snop  }
0x6d: {  	[tilespmem:s26], [sflag:$0x1] =	stream.indirect_vreg.gather [hbm4b:s4+s11], $0x80, v3, vm0, $0xb8;
	[tilespmem:$0x1C000] =	vst v63  }
0x6e: {  	v3 =	vld [tilespmem:s17+$0x4020];
	_ =	sdelay $0x4  }
0x6f: {  	v4 =	vshll.u32 v3, $0x1  }
0x70: {  	v3 =	vand.u32 $0x7, v3;
	v4 =	vand.u32 $0xFFFFFFF0, v4  }
0x71: {  	v3 =	vor.u32 v3, v4  }
0x72: {  	v4 =	vperm.xlane v3, v0;
	_ =	sdelay $0x1  }
0x73: {  	v3 =	vperm.xlane v3, v2;
	v4 =	vadd.s32 v1, v4;
	_ =	sdelay $0x1  }
0x74: {  	v3 =	vadd.s32 v1, v3;
	_ =	sdelay $0x2  }
0x75: {  	[tilespmem:s28], [sflag:$0x1] =	stream.indirect_vreg.gather [hbm4b:s4+s11], $0x80, v4, vm0, $0xb8;
	[tilespmem:$0x1C000] =	vst v63  }
0x76: {  	_ = 	snop  }
0x77: {  	[tilespmem:s29], [sflag:$0x1] =	stream.indirect_vreg.gather [hbm4b:s4+s11], $0x80, v3, vm0, $0xb8;
	[tilespmem:$0x1C000] =	vst v63  }
0x78: {  	v3 =	vld [tilespmem:s17+$0x4030];
	_ =	sdelay $0x4  }
0x79: {  	v4 =	vshll.u32 v3, $0x1  }
0x7a: {  	v3 =	vand.u32 $0x7, v3;
	v4 =	vand.u32 $0xFFFFFFF0, v4  }
0x7b: {  	v3 =	vor.u32 v3, v4  }
0x7c: {  	v4 =	vperm.xlane v3, v0;
	_ =	sdelay $0x1  }
0x7d: {  	v3 =	vperm.xlane v3, v2;
	v4 =	vadd.s32 v1, v4;
	_ =	sdelay $0x1  }
0x7e: {  	v3 =	vadd.s32 v1, v3;
	_ =	sdelay $0x2  }
0x7f: {  	[tilespmem:s30], [sflag:$0x1] =	stream.indirect_vreg.gather [hbm4b:s4+s11], $0x80, v4, vm0, $0xb8;
	[tilespmem:$0x1C000] =	vst v63  }
0x80: {  	_ = 	snop  }
0x81: {  	[tilespmem:s31], [sflag:$0x1] =	stream.indirect_vreg.gather [hbm4b:s4+s11], $0x80, v3, vm0, $0xb8;
	[tilespmem:$0x1C000] =	vst v63  }
0x82: {  	v3 =	vld [tilespmem:s17+$0x4040];
	_ =	sdelay $0x4  }
0x83: {  	v4 =	vshll.u32 v3, $0x1  }
0x84: {  	v3 =	vand.u32 $0x7, v3;
	v4 =	vand.u32 $0xFFFFFFF0, v4  }
0x85: {  	v3 =	vor.u32 v3, v4  }
0x86: {  	v4 =	vperm.xlane v3, v0;
	_ =	sdelay $0x1  }
0x87: {  	v3 =	vperm.xlane v3, v2;
	v4 =	vadd.s32 v1, v4;
	_ =	sdelay $0x1  }
0x88: {  	v3 =	vadd.s32 v1, v3  }
0x89: {  	s19 =	sshll.u32 s10, $0x1  }
0x8a: {  	s17 =	sor.u32 $0x1, s19  }
0x8b: {  	[tilespmem:s0], [sflag:$0x1] =	stream.indirect_vreg.gather [hbm4b:s4+s11], $0x80, v4, vm0, $0xb8;
	[tilespmem:$0x1C000] =	vst v63  }
0x8c: {  	s18 =	sshll.u32 s17, $0x7  }
0x8d: {  	[tilespmem:s1], [sflag:$0x1] =	stream.indirect_vreg.gather [hbm4b:s4+s11], $0x80, v3, vm0, $0xb8;
	[tilespmem:$0x1C000] =	vst v63  }
0x8e: {  	v3 =	vld [tilespmem:s18+$0x0];
	_ =	sdelay $0x4  }
0x8f: {  	v4 =	vshll.u32 v3, $0x1  }
0x90: {  	v3 =	vand.u32 $0x7, v3;
	v4 =	vand.u32 $0xFFFFFFF0, v4  }
0x91: {  	v3 =	vor.u32 v3, v4  }
0x92: {  	v4 =	vperm.xlane v3, v0;
	_ =	sdelay $0x1  }
0x93: {  	v3 =	vperm.xlane v3, v2;
	v4 =	vadd.s32 v1, v4;
	_ =	sdelay $0x1  }
0x94: {  	v3 =	vadd.s32 v1, v3;
	_ =	sdelay $0x2  }
0x95: {  	[tilespmem:s12], [sflag:$0x2] =	stream.indirect_vreg.gather [hbm4b:s3+s11], $0x80, v4, vm0, $0xb8;
	[tilespmem:$0x1C000] =	vst v63  }
0x96: {  	s20 =	simm.s32 $0xD800  }
0x97: {  	[tilespmem:s20], [sflag:$0x2] =	stream.indirect_vreg.gather [hbm4b:s3+s11], $0x80, v3, vm0, $0xb8;
	[tilespmem:$0x1C000] =	vst v63  }
0x98: {  	v3 =	vld [tilespmem:s18+$0x10];
	_ =	sdelay $0x4  }
0x99: {  	v4 =	vshll.u32 v3, $0x1  }
0x9a: {  	v3 =	vand.u32 $0x7, v3;
	v4 =	vand.u32 $0xFFFFFFF0, v4  }
0x9b: {  	v3 =	vor.u32 v3, v4  }
0x9c: {  	v4 =	vperm.xlane v3, v0;
	_ =	sdelay $0x1  }
0x9d: {  	v3 =	vperm.xlane v3, v2;
	v4 =	vadd.s32 v1, v4;
	_ =	sdelay $0x1  }
0x9e: {  	v3 =	vadd.s32 v1, v3;
	_ =	sdelay $0x1  }
0x9f: {  	s19 =	simm.s32 $0xE000  }
0xa0: {  	[tilespmem:s19], [sflag:$0x2] =	stream.indirect_vreg.gather [hbm4b:s3+s11], $0x80, v4, vm0, $0xb8;
	[tilespmem:$0x1C000] =	vst v63  }
0xa1: {  	s20 =	simm.s32 $0xE800  }
0xa2: {  	[tilespmem:s20], [sflag:$0x2] =	stream.indirect_vreg.gather [hbm4b:s3+s11], $0x80, v3, vm0, $0xb8;
	[tilespmem:$0x1C000] =	vst v63  }
0xa3: {  	v3 =	vld [tilespmem:s18+$0x20];
	_ =	sdelay $0x4  }
0xa4: {  	v4 =	vshll.u32 v3, $0x1  }
0xa5: {  	v3 =	vand.u32 $0x7, v3;
	v4 =	vand.u32 $0xFFFFFFF0, v4  }
0xa6: {  	v3 =	vor.u32 v3, v4  }
0xa7: {  	v4 =	vperm.xlane v3, v0;
	_ =	sdelay $0x1  }
0xa8: {  	v3 =	vperm.xlane v3, v2;
	v4 =	vadd.s32 v1, v4;
	_ =	sdelay $0x1  }
0xa9: {  	v3 =	vadd.s32 v1, v3;
	_ =	sdelay $0x1  }
0xaa: {  	s19 =	simm.s32 $0xF000  }
0xab: {  	[tilespmem:s19], [sflag:$0x2] =	stream.indirect_vreg.gather [hbm4b:s3+s11], $0x80, v4, vm0, $0xb8;
	[tilespmem:$0x1C000] =	vst v63  }
0xac: {  	s20 =	simm.s32 $0xF800  }
0xad: {  	[tilespmem:s20], [sflag:$0x2] =	stream.indirect_vreg.gather [hbm4b:s3+s11], $0x80, v3, vm0, $0xb8;
	[tilespmem:$0x1C000] =	vst v63  }
0xae: {  	v3 =	vld [tilespmem:s18+$0x30];
	_ =	sdelay $0x4  }
0xaf: {  	v4 =	vshll.u32 v3, $0x1  }
0xb0: {  	v3 =	vand.u32 $0x7, v3;
	v4 =	vand.u32 $0xFFFFFFF0, v4  }
0xb1: {  	v3 =	vor.u32 v3, v4  }
0xb2: {  	v4 =	vperm.xlane v3, v0;
	_ =	sdelay $0x1  }
0xb3: {  	v3 =	vperm.xlane v3, v2;
	v4 =	vadd.s32 v1, v4;
	_ =	sdelay $0x1  }
0xb4: {  	v3 =	vadd.s32 v1, v3;
	_ =	sdelay $0x1  }
0xb5: {  	s19 =	simm.s32 $0x10000  }
0xb6: {  	[tilespmem:s19], [sflag:$0x2] =	stream.indirect_vreg.gather [hbm4b:s3+s11], $0x80, v4, vm0, $0xb8;
	[tilespmem:$0x1C000] =	vst v63  }
0xb7: {  	s20 =	simm.s32 $0x10800  }
0xb8: {  	[tilespmem:s20], [sflag:$0x2] =	stream.indirect_vreg.gather [hbm4b:s3+s11], $0x80, v3, vm0, $0xb8;
	[tilespmem:$0x1C000] =	vst v63  }
0xb9: {  	v3 =	vld [tilespmem:s18+$0x40];
	_ =	sdelay $0x4  }
0xba: {  	v4 =	vshll.u32 v3, $0x1  }
0xbb: {  	v3 =	vand.u32 $0x7, v3;
	v4 =	vand.u32 $0xFFFFFFF0, v4  }
0xbc: {  	v3 =	vor.u32 v3, v4  }
0xbd: {  	v4 =	vperm.xlane v3, v0;
	_ =	sdelay $0x1  }
0xbe: {  	v3 =	vperm.xlane v3, v2;
	v4 =	vadd.s32 v1, v4;
	_ =	sdelay $0x1  }
0xbf: {  	v3 =	vadd.s32 v1, v3;
	_ =	sdelay $0x1  }
0xc0: {  	s19 =	simm.s32 $0x11000  }
0xc1: {  	[tilespmem:s19], [sflag:$0x2] =	stream.indirect_vreg.gather [hbm4b:s3+s11], $0x80, v4, vm0, $0xb8;
	[tilespmem:$0x1C000] =	vst v63  }
0xc2: {  	s20 =	simm.s32 $0x11800  }
0xc3: {  	[tilespmem:s20], [sflag:$0x2] =	stream.indirect_vreg.gather [hbm4b:s3+s11], $0x80, v3, vm0, $0xb8;
	[tilespmem:$0x1C000] =	vst v63  }
0xc4: {  	v3 =	vld [tilespmem:s18+$0x4000];
	_ =	sdelay $0x4  }
0xc5: {  	v4 =	vshll.u32 v3, $0x1  }
0xc6: {  	v3 =	vand.u32 $0x7, v3;
	v4 =	vand.u32 $0xFFFFFFF0, v4  }
0xc7: {  	v3 =	vor.u32 v3, v4  }
0xc8: {  	v4 =	vperm.xlane v3, v0;
	_ =	sdelay $0x1  }
0xc9: {  	v3 =	vperm.xlane v3, v2;
	v4 =	vadd.s32 v1, v4;
	_ =	sdelay $0x1  }
0xca: {  	v3 =	vadd.s32 v1, v3;
	_ =	sdelay $0x1  }
0xcb: {  	s19 =	simm.s32 $0x17000  }
0xcc: {  	[tilespmem:s19], [sflag:$0x2] =	stream.indirect_vreg.gather [hbm4b:s4+s11], $0x80, v4, vm0, $0xb8;
	[tilespmem:$0x1C000] =	vst v63  }
0xcd: {  	s20 =	simm.s32 $0x17800  }
0xce: {  	[tilespmem:s20], [sflag:$0x2] =	stream.indirect_vreg.gather [hbm4b:s4+s11], $0x80, v3, vm0, $0xb8;
	[tilespmem:$0x1C000] =	vst v63  }
0xcf: {  	v3 =	vld [tilespmem:s18+$0x4010];
	_ =	sdelay $0x4  }
0xd0: {  	v4 =	vshll.u32 v3, $0x1  }
0xd1: {  	v3 =	vand.u32 $0x7, v3;
	v4 =	vand.u32 $0xFFFFFFF0, v4  }
0xd2: {  	v3 =	vor.u32 v3, v4  }
0xd3: {  	v4 =	vperm.xlane v3, v0;
	_ =	sdelay $0x1  }
0xd4: {  	v3 =	vperm.xlane v3, v2;
	v4 =	vadd.s32 v1, v4;
	_ =	sdelay $0x1  }
0xd5: {  	v3 =	vadd.s32 v1, v3;
	_ =	sdelay $0x1  }
0xd6: {  	s19 =	simm.s32 $0x18000  }
0xd7: {  	[tilespmem:s19], [sflag:$0x2] =	stream.indirect_vreg.gather [hbm4b:s4+s11], $0x80, v4, vm0, $0xb8;
	[tilespmem:$0x1C000] =	vst v63  }
0xd8: {  	s20 =	simm.s32 $0x18800  }
0xd9: {  	[tilespmem:s20], [sflag:$0x2] =	stream.indirect_vreg.gather [hbm4b:s4+s11], $0x80, v3, vm0, $0xb8;
	[tilespmem:$0x1C000] =	vst v63  }
0xda: {  	v3 =	vld [tilespmem:s18+$0x4020];
	_ =	sdelay $0x4  }
0xdb: {  	v4 =	vshll.u32 v3, $0x1  }
0xdc: {  	v3 =	vand.u32 $0x7, v3;
	v4 =	vand.u32 $0xFFFFFFF0, v4  }
0xdd: {  	v3 =	vor.u32 v3, v4  }
0xde: {  	v4 =	vperm.xlane v3, v0;
	_ =	sdelay $0x1  }
0xdf: {  	v3 =	vperm.xlane v3, v2;
	v4 =	vadd.s32 v1, v4;
	_ =	sdelay $0x1  }
0xe0: {  	v3 =	vadd.s32 v1, v3;
	_ =	sdelay $0x1  }
0xe1: {  	s19 =	simm.s32 $0x19000  }
0xe2: {  	[tilespmem:s19], [sflag:$0x2] =	stream.indirect_vreg.gather [hbm4b:s4+s11], $0x80, v4, vm0, $0xb8;
	[tilespmem:$0x1C000] =	vst v63  }
0xe3: {  	s20 =	simm.s32 $0x19800  }
0xe4: {  	[tilespmem:s20], [sflag:$0x2] =	stream.indirect_vreg.gather [hbm4b:s4+s11], $0x80, v3, vm0, $0xb8;
	[tilespmem:$0x1C000] =	vst v63  }
0xe5: {  	v3 =	vld [tilespmem:s18+$0x4030];
	_ =	sdelay $0x4  }
0xe6: {  	v4 =	vshll.u32 v3, $0x1  }
0xe7: {  	v3 =	vand.u32 $0x7, v3;
	v4 =	vand.u32 $0xFFFFFFF0, v4  }
0xe8: {  	v3 =	vor.u32 v3, v4  }
0xe9: {  	v4 =	vperm.xlane v3, v0;
	_ =	sdelay $0x1  }
0xea: {  	v3 =	vperm.xlane v3, v2;
	v4 =	vadd.s32 v1, v4;
	_ =	sdelay $0x1  }
0xeb: {  	v3 =	vadd.s32 v1, v3;
	_ =	sdelay $0x1  }
0xec: {  	s19 =	simm.s32 $0x1A000  }
0xed: {  	[tilespmem:s19], [sflag:$0x2] =	stream.indirect_vreg.gather [hbm4b:s4+s11], $0x80, v4, vm0, $0xb8;
	[tilespmem:$0x1C000] =	vst v63  }
0xee: {  	_ = 	snop  }
0xef: {  	[tilespmem:s14], [sflag:$0x2] =	stream.indirect_vreg.gather [hbm4b:s4+s11], $0x80, v3, vm0, $0xb8;
	[tilespmem:$0x1C000] =	vst v63  }
0xf0: {  	v3 =	vld [tilespmem:s18+$0x4040];
	_ =	sdelay $0x4  }
0xf1: {  	v4 =	vshll.u32 v3, $0x1  }
0xf2: {  	v3 =	vand.u32 $0x7, v3;
	v4 =	vand.u32 $0xFFFFFFF0, v4  }
0xf3: {  	v3 =	vor.u32 v3, v4  }
0xf4: {  	v4 =	vperm.xlane v3, v0;
	_ =	sdelay $0x1  }
0xf5: {  	v3 =	vperm.xlane v3, v2;
	v4 =	vadd.s32 v1, v4;
	_ =	sdelay $0x1  }
0xf6: {  	v3 =	vadd.s32 v1, v3;
	_ =	sdelay $0x2  }
0xf7: {  	[tilespmem:s8], [sflag:$0x2] =	stream.indirect_vreg.gather [hbm4b:s4+s11], $0x80, v4, vm0, $0xb8;
	[tilespmem:$0x1C000] =	vst v63  }
0xf8: {  	_ = 	snop  }
0xf9: {  	[tilespmem:s15], [sflag:$0x2] =	stream.indirect_vreg.gather [hbm4b:s4+s11], $0x80, v3, vm0, $0xb8;
	[tilespmem:$0x1C000] =	vst v63  }
0xfa: {  	_ =	swait.ge [sflag:s9], $0x5000  }
0xfb: {  	[sflag:s9] =	ssyncset.done $0x0  }
0xfc: {  	[sflag:s9] =	ssyncadd.s32 $0xFFFFB000  }
0xfd: {  	_ =	swait.ge [sflag:s9], $0x5000  }
0xfe: {  	s20 =	sand.u32 $0x7800, s11;
	s11 =	sand.u32 $0x380, s11;
	[sflag:s9] =	ssyncset.done $0x0  }
0xff: {  	s11 =	sor.u32 s11, s20;
	[sflag:s9] =	ssyncadd.s32 $0xFFFFB000  }
0x100: {  	v10 =	vld [tilespmem:s11+$0x12000]  }
0x101: {  	v11 =	vld [tilespmem:s11+$0x12010]  }
0x102: {  	v12 =	vld [tilespmem:s11+$0x12020]  }
0x103: {  	v13 =	vld [tilespmem:s11+$0x12030]  }
0x104: {  	v14 =	vld [tilespmem:s11+$0x12040]  }
0x105: {  	v15 =	vld [tilespmem:s11+$0x12050]  }
0x106: {  	v16 =	vld [tilespmem:s11+$0x12060]  }
0x107: {  	v17 =	vld [tilespmem:s11+$0x12070]  }
0x108: {  	v18 =	vld [tilespmem:s11+$0x12400]  }
0x109: {  	v9 =	vld [tilespmem:s11+$0x12410]  }
0x10a: {  	v8 =	vld [tilespmem:s11+$0x12420]  }
0x10b: {  	v7 =	vld [tilespmem:s11+$0x12430]  }
0x10c: {  	v6 =	vld [tilespmem:s11+$0x12440]  }
0x10d: {  	v5 =	vld [tilespmem:s11+$0x12450]  }
0x10e: {  	v4 =	vld [tilespmem:s11+$0x12460]  }
0x10f: {  	v3 =	vld [tilespmem:s11+$0x12470]  }
0x110: {  	v19 =	vld [tilespmem:s11+$0x8000]  }
0x111: {  	v20 =	vld [tilespmem:s11+$0x8010]  }
0x112: {  	v21 =	vld [tilespmem:s11+$0x8020]  }
0x113: {  	v22 =	vld [tilespmem:s11+$0x8030]  }
0x114: {  	v23 =	vld [tilespmem:s11+$0x8040]  }
0x115: {  	v10 =	vadd.f32 v10, v19;
	v19 =	vld [tilespmem:s11+$0x8050]  }
0x116: {  	v61 =	vld [tilespmem:s11+$0x8060];
	v11 =	vadd.f32 v11, v20  }
0x117: {  	v62 =	vld [tilespmem:s11+$0x8070];
	[tilespmem:s11+$0x8000] =	vst v10;
	v10 =	vadd.f32 v12, v21  }
0x118: {  	v63 =	vld [tilespmem:s11+$0x8400];
	[tilespmem:s11+$0x8010] =	vst v11;
	v11 =	vadd.f32 v13, v22  }
0x119: {  	v13 =	vld [tilespmem:s11+$0x8410];
	[tilespmem:s11+$0x8020] =	vst v10;
	v10 =	vadd.f32 v14, v23  }
0x11a: {  	v12 =	vld [tilespmem:s11+$0x8420];
	[tilespmem:s11+$0x8030] =	vst v11;
	v11 =	vadd.f32 v15, v19  }
0x11b: {  	v14 =	vadd.f32 v16, v61;
	[tilespmem:s11+$0x8040] =	vst v10;
	v10 =	vld [tilespmem:s11+$0x8430]  }
0x11c: {  	v16 =	vadd.f32 v17, v62;
	[tilespmem:s11+$0x8050] =	vst v11;
	v11 =	vld [tilespmem:s11+$0x8440]  }
0x11d: {  	s19 =	simm.s32 $0x100;
	s18 =	simm.s32 $0x80;
	v15 =	vadd.f32 v18, v63;
	[tilespmem:s11+$0x8060] =	vst v14;
	v14 =	vld [tilespmem:s11+$0x8450]  }
.LBB2_3:
0x11e: {  	s7 =	sand.u32 $0x7800, s19;
	s20 =	sand.u32 $0x380, s18;
	p0 =	sne.s32 s19, $0x4F00;
	[tilespmem:s11+$0x8070] =	vst v16;
	v9 =	vadd.f32 v9, v13;
	v13 =	vld [tilespmem:s11+$0x8460]  }
0x11f: {  	s7 =	sor.u32 s20, s7;
	[tilespmem:s11+$0x8400] =	vst v15;
	v8 =	vadd.f32 v8, v12;
	v12 =	vld [tilespmem:s11+$0x8470]  }
0x120: {  	v15 =	vld [tilespmem:s7+$0x12000];
	[tilespmem:s11+$0x8410] =	vst v9;
	v7 =	vadd.f32 v7, v10  }
0x121: {  	v10 =	vld [tilespmem:s7+$0x12010];
	[tilespmem:s11+$0x8420] =	vst v8;
	v6 =	vadd.f32 v6, v11  }
0x122: {  	v11 =	vld [tilespmem:s7+$0x12020];
	[tilespmem:s11+$0x8430] =	vst v7;
	v5 =	vadd.f32 v5, v14  }
0x123: {  	v14 =	vld [tilespmem:s7+$0x12030];
	[tilespmem:s11+$0x8440] =	vst v6;
	v4 =	vadd.f32 v4, v13  }
0x124: {  	v13 =	vld [tilespmem:s7+$0x12040];
	[tilespmem:s11+$0x8450] =	vst v5;
	v3 =	vadd.f32 v3, v12  }
0x125: {  	v12 =	vld [tilespmem:s7+$0x12050];
	[tilespmem:s11+$0x8460] =	vst v4  }
0x126: {  	v16 =	vld [tilespmem:s7+$0x12060];
	[tilespmem:s11+$0x8470] =	vst v3;
	s11 =	smov.u32 s7  }
0x127: {  	v17 =	vld [tilespmem:s11+$0x12070]  }
0x128: {  	v18 =	vld [tilespmem:s11+$0x12400]  }
0x129: {  	v9 =	vld [tilespmem:s11+$0x12410]  }
0x12a: {  	v8 =	vld [tilespmem:s11+$0x12420]  }
0x12b: {  	v7 =	vld [tilespmem:s11+$0x12430]  }
0x12c: {  	v6 =	vld [tilespmem:s11+$0x12440]  }
0x12d: {  	v5 =	vld [tilespmem:s11+$0x12450]  }
0x12e: {  	v4 =	vld [tilespmem:s11+$0x12460]  }
0x12f: {  	v3 =	vld [tilespmem:s11+$0x12470]  }
0x130: {  	v19 =	vld [tilespmem:s11+$0x8000]  }
0x131: {  	v20 =	vld [tilespmem:s11+$0x8010]  }
0x132: {  	v21 =	vld [tilespmem:s11+$0x8020]  }
0x133: {  	v22 =	vld [tilespmem:s11+$0x8030]  }
0x134: {  	v23 =	vld [tilespmem:s11+$0x8040]  }
0x135: {  	v15 =	vadd.f32 v15, v19;
	v19 =	vld [tilespmem:s11+$0x8050]  }
0x136: {  	v10 =	vadd.f32 v10, v20;
	v20 =	vld [tilespmem:s11+$0x8060]  }
0x137: {  	[tilespmem:s11+$0x8000] =	vst v15;
	v11 =	vadd.f32 v11, v21;
	v15 =	vld [tilespmem:s11+$0x8070]  }
0x138: {  	[tilespmem:s11+$0x8010] =	vst v10;
	v10 =	vadd.f32 v14, v22;
	v14 =	vld [tilespmem:s11+$0x8400]  }
.Ltmp0:
0x139: {  	[tilespmem:s11+$0x8020] =	vst v11;
	v11 =	vadd.f32 v13, v23;
	v13 =	vld [tilespmem:s11+$0x8410];
	(pc) =	sbr.rel @p0 .LBB2_3-.Ltmp0, $4  }
0x13a: {  	[tilespmem:s11+$0x8030] =	vst v10;
	v19 =	vadd.f32 v12, v19;
	v12 =	vld [tilespmem:s11+$0x8420]  }
0x13b: {  	[tilespmem:s11+$0x8040] =	vst v11;
	v20 =	vadd.f32 v16, v20;
	v10 =	vld [tilespmem:s11+$0x8430]  }
0x13c: {  	[tilespmem:s11+$0x8050] =	vst v19;
	v16 =	vadd.f32 v17, v15;
	v11 =	vld [tilespmem:s11+$0x8440]  }
0x13d: {  	s18 =	sadd.s32 $0x80, s18;
	s19 =	sadd.s32 $0x100, s19;
	[tilespmem:s11+$0x8060] =	vst v20;
	v15 =	vadd.f32 v18, v14;
	v14 =	vld [tilespmem:s11+$0x8450]  }
0x13e: {  	[tilespmem:s11+$0x8070] =	vst v16;
	v9 =	vadd.f32 v9, v13;
	v13 =	vld [tilespmem:s11+$0x8460]  }
0x13f: {  	[tilespmem:s11+$0x8400] =	vst v15;
	v8 =	vadd.f32 v8, v12;
	v12 =	vld [tilespmem:s11+$0x8470]  }
0x140: {  	[tilespmem:s11+$0x8410] =	vst v9;
	v7 =	vadd.f32 v7, v10  }
0x141: {  	[tilespmem:s11+$0x8420] =	vst v8;
	v6 =	vadd.f32 v6, v11  }
0x142: {  	s7 =	smul.u32 $0xA0, s10;
	[tilespmem:s11+$0x8430] =	vst v7;
	v5 =	vadd.f32 v5, v14  }
0x143: {  	[tilespmem:s11+$0x8440] =	vst v6;
	v4 =	vadd.f32 v4, v13  }
0x144: {  	s7 =	sadd.s32 s6, s7;
	[tilespmem:s11+$0x8450] =	vst v5;
	v3 =	vadd.f32 v3, v12  }
0x145: {  	s7 =	sshll.u32 s7, $0x5;
	[tilespmem:s11+$0x8460] =	vst v4  }
0x146: {  	s19 =	simm.s32 $0x0;
	s7 =	sadd.s32 s5, s7;
	[tilespmem:s11+$0x8470] =	vst v3  }
0x147: {  	[hbm4b:s7+s19] =	stream.linear.scatter [tilespmem:s13], [sflag:$0x3], $0x5000, $0x38;
	[tilespmem:$0x1C000] =	vst v63  }
0x148: {  	_ =	swait.ge [sflag:s16], $0x5000  }
0x149: {  	[sflag:s16] =	ssyncset.done $0x0  }
0x14a: {  	[sflag:s16] =	ssyncadd.s32 $0xFFFFB000  }
0x14b: {  	_ =	swait.ge [sflag:s16], $0x5000  }
0x14c: {  	s20 =	sand.u32 $0x7800, s19;
	s11 =	sand.u32 $0x380, s19;
	[sflag:s16] =	ssyncset.done $0x0  }
0x14d: {  	s11 =	sor.u32 s11, s20;
	[sflag:s16] =	ssyncadd.s32 $0xFFFFB000  }
0x14e: {  	v10 =	vld [tilespmem:s11+$0x17000]  }
0x14f: {  	v11 =	vld [tilespmem:s11+$0x17010]  }
0x150: {  	v12 =	vld [tilespmem:s11+$0x17020]  }
0x151: {  	v13 =	vld [tilespmem:s11+$0x17030]  }
0x152: {  	v14 =	vld [tilespmem:s11+$0x17040]  }
0x153: {  	v15 =	vld [tilespmem:s11+$0x17050]  }
0x154: {  	v16 =	vld [tilespmem:s11+$0x17060]  }
0x155: {  	v17 =	vld [tilespmem:s11+$0x17070]  }
0x156: {  	v18 =	vld [tilespmem:s11+$0x17400]  }
0x157: {  	v9 =	vld [tilespmem:s11+$0x17410]  }
0x158: {  	v8 =	vld [tilespmem:s11+$0x17420]  }
0x159: {  	v7 =	vld [tilespmem:s11+$0x17430]  }
0x15a: {  	v6 =	vld [tilespmem:s11+$0x17440]  }
0x15b: {  	v5 =	vld [tilespmem:s11+$0x17450]  }
0x15c: {  	v4 =	vld [tilespmem:s11+$0x17460]  }
0x15d: {  	v3 =	vld [tilespmem:s11+$0x17470]  }
0x15e: {  	v19 =	vld [tilespmem:s11+$0xD000]  }
0x15f: {  	v20 =	vld [tilespmem:s11+$0xD010]  }
0x160: {  	v21 =	vld [tilespmem:s11+$0xD020]  }
0x161: {  	v22 =	vld [tilespmem:s11+$0xD030]  }
0x162: {  	v23 =	vld [tilespmem:s11+$0xD040]  }
0x163: {  	v10 =	vadd.f32 v10, v19;
	v19 =	vld [tilespmem:s11+$0xD050]  }
0x164: {  	v61 =	vld [tilespmem:s11+$0xD060];
	v11 =	vadd.f32 v11, v20  }
0x165: {  	v62 =	vld [tilespmem:s11+$0xD070];
	[tilespmem:s11+$0xD000] =	vst v10;
	v10 =	vadd.f32 v12, v21  }
0x166: {  	v63 =	vld [tilespmem:s11+$0xD400];
	[tilespmem:s11+$0xD010] =	vst v11;
	v11 =	vadd.f32 v13, v22  }
0x167: {  	v13 =	vld [tilespmem:s11+$0xD410];
	[tilespmem:s11+$0xD020] =	vst v10;
	v10 =	vadd.f32 v14, v23  }
0x168: {  	v12 =	vld [tilespmem:s11+$0xD420];
	[tilespmem:s11+$0xD030] =	vst v11;
	v11 =	vadd.f32 v15, v19  }
0x169: {  	v14 =	vadd.f32 v16, v61;
	[tilespmem:s11+$0xD040] =	vst v10;
	v10 =	vld [tilespmem:s11+$0xD430]  }
0x16a: {  	v16 =	vadd.f32 v17, v62;
	[tilespmem:s11+$0xD050] =	vst v11;
	v11 =	vld [tilespmem:s11+$0xD440]  }
0x16b: {  	s18 =	simm.s32 $0x80;
	s19 =	simm.s32 $0x100;
	v15 =	vadd.f32 v18, v63;
	[tilespmem:s11+$0xD060] =	vst v14;
	v14 =	vld [tilespmem:s11+$0xD450]  }
.LBB2_5:
0x16c: {  	s7 =	sand.u32 $0x7800, s19;
	s20 =	sand.u32 $0x380, s18;
	p0 =	sne.s32 s19, $0x4F00;
	[tilespmem:s11+$0xD070] =	vst v16;
	v9 =	vadd.f32 v9, v13;
	v13 =	vld [tilespmem:s11+$0xD460]  }
0x16d: {  	s7 =	sor.u32 s20, s7;
	[tilespmem:s11+$0xD400] =	vst v15;
	v8 =	vadd.f32 v8, v12;
	v12 =	vld [tilespmem:s11+$0xD470]  }
0x16e: {  	v15 =	vld [tilespmem:s7+$0x17000];
	[tilespmem:s11+$0xD410] =	vst v9;
	v7 =	vadd.f32 v7, v10  }
0x16f: {  	v10 =	vld [tilespmem:s7+$0x17010];
	[tilespmem:s11+$0xD420] =	vst v8;
	v6 =	vadd.f32 v6, v11  }
0x170: {  	v11 =	vld [tilespmem:s7+$0x17020];
	[tilespmem:s11+$0xD430] =	vst v7;
	v5 =	vadd.f32 v5, v14  }
0x171: {  	v14 =	vld [tilespmem:s7+$0x17030];
	[tilespmem:s11+$0xD440] =	vst v6;
	v4 =	vadd.f32 v4, v13  }
0x172: {  	v13 =	vld [tilespmem:s7+$0x17040];
	[tilespmem:s11+$0xD450] =	vst v5;
	v3 =	vadd.f32 v3, v12  }
0x173: {  	v12 =	vld [tilespmem:s7+$0x17050];
	[tilespmem:s11+$0xD460] =	vst v4  }
0x174: {  	v16 =	vld [tilespmem:s7+$0x17060];
	[tilespmem:s11+$0xD470] =	vst v3;
	s11 =	smov.u32 s7  }
0x175: {  	v17 =	vld [tilespmem:s11+$0x17070]  }
0x176: {  	v18 =	vld [tilespmem:s11+$0x17400]  }
0x177: {  	v9 =	vld [tilespmem:s11+$0x17410]  }
0x178: {  	v8 =	vld [tilespmem:s11+$0x17420]  }
0x179: {  	v7 =	vld [tilespmem:s11+$0x17430]  }
0x17a: {  	v6 =	vld [tilespmem:s11+$0x17440]  }
0x17b: {  	v5 =	vld [tilespmem:s11+$0x17450]  }
0x17c: {  	v4 =	vld [tilespmem:s11+$0x17460]  }
0x17d: {  	v3 =	vld [tilespmem:s11+$0x17470]  }
0x17e: {  	v19 =	vld [tilespmem:s11+$0xD000]  }
0x17f: {  	v20 =	vld [tilespmem:s11+$0xD010]  }
0x180: {  	v21 =	vld [tilespmem:s11+$0xD020]  }
0x181: {  	v22 =	vld [tilespmem:s11+$0xD030]  }
0x182: {  	v23 =	vld [tilespmem:s11+$0xD040]  }
0x183: {  	v15 =	vadd.f32 v15, v19;
	v19 =	vld [tilespmem:s11+$0xD050]  }
0x184: {  	v10 =	vadd.f32 v10, v20;
	v20 =	vld [tilespmem:s11+$0xD060]  }
0x185: {  	[tilespmem:s11+$0xD000] =	vst v15;
	v11 =	vadd.f32 v11, v21;
	v15 =	vld [tilespmem:s11+$0xD070]  }
0x186: {  	[tilespmem:s11+$0xD010] =	vst v10;
	v10 =	vadd.f32 v14, v22;
	v14 =	vld [tilespmem:s11+$0xD400]  }
.Ltmp1:
0x187: {  	[tilespmem:s11+$0xD020] =	vst v11;
	v11 =	vadd.f32 v13, v23;
	v13 =	vld [tilespmem:s11+$0xD410];
	(pc) =	sbr.rel @p0 .LBB2_5-.Ltmp1, $4  }
0x188: {  	[tilespmem:s11+$0xD030] =	vst v10;
	v19 =	vadd.f32 v12, v19;
	v12 =	vld [tilespmem:s11+$0xD420]  }
0x189: {  	[tilespmem:s11+$0xD040] =	vst v11;
	v20 =	vadd.f32 v16, v20;
	v10 =	vld [tilespmem:s11+$0xD430]  }
0x18a: {  	[tilespmem:s11+$0xD050] =	vst v19;
	v16 =	vadd.f32 v17, v15;
	v11 =	vld [tilespmem:s11+$0xD440]  }
0x18b: {  	s18 =	sadd.s32 $0x80, s18;
	s19 =	sadd.s32 $0x100, s19;
	[tilespmem:s11+$0xD060] =	vst v20;
	v15 =	vadd.f32 v18, v14;
	v14 =	vld [tilespmem:s11+$0xD450]  }
0x18c: {  	[tilespmem:s11+$0xD070] =	vst v16;
	v9 =	vadd.f32 v9, v13;
	v62 =	vld [tilespmem:s11+$0xD460]  }
0x18d: {  	v63 =	vld [tilespmem:s11+$0xD470];
	[tilespmem:s11+$0xD400] =	vst v15;
	v8 =	vadd.f32 v8, v12  }
0x18e: {  	[tilespmem:s11+$0xD410] =	vst v9;
	v7 =	vadd.f32 v7, v10  }
0x18f: {  	s10 =	sadd.s32 $0x1, s10;
	[tilespmem:s11+$0xD420] =	vst v8;
	v6 =	vadd.f32 v6, v11  }
0x190: {  	s7 =	smul.u32 $0x50, s17;
	p0 =	sne.s32 s10, $0x3E;
	[tilespmem:s11+$0xD430] =	vst v7;
	v5 =	vadd.f32 v5, v14  }
.Ltmp2:
0x191: {  	[tilespmem:s11+$0xD440] =	vst v6;
	v4 =	vadd.f32 v4, v62;
	(pc) =	sbr.rel @p0 .LBB2_2-.Ltmp2, $4  }
0x192: {  	s7 =	sadd.s32 s6, s7;
	v3 =	vadd.f32 v3, v63;
	[tilespmem:s11+$0xD450] =	vst v5  }
0x193: {  	s7 =	sshll.u32 s7, $0x5;
	[tilespmem:s11+$0xD460] =	vst v4  }
0x194: {  	s7 =	sadd.s32 s5, s7;
	[tilespmem:s11+$0xD470] =	vst v3  }
0x195: {  	[hbm4b:s7+s2] =	stream.linear.scatter [tilespmem:s12], [sflag:$0x4], $0x5000, $0x38;
	[tilespmem:$0x1C000] =	vst v63  }
0x196: {  	s19 =	simm.s32 $0x3  }
0x197: {  	_ =	swait.ge [sflag:s19], $0x5000  }
0x198: {  	[sflag:s19] =	ssyncset.done $0x0  }
0x199: {  	[sflag:s19] =	ssyncadd.s32 $0xFFFFB000  }
0x19a: {  	v3 =	vld [tilespmem:$0x3E00];
	_ =	sdelay $0x4  }
0x19b: {  	v4 =	vshll.u32 v3, $0x1  }
0x19c: {  	v3 =	vand.u32 $0x7, v3;
	v4 =	vand.u32 $0xFFFFFFF0, v4  }
0x19d: {  	v3 =	vor.u32 v3, v4  }
0x19e: {  	v4 =	vperm.xlane v3, v0;
	_ =	sdelay $0x1  }
0x19f: {  	v3 =	vperm.xlane v3, v2;
	v4 =	vadd.s32 v1, v4;
	_ =	sdelay $0x1  }
0x1a0: {  	v3 =	vadd.s32 v1, v3;
	_ =	sdelay $0x1  }
0x1a1: {  	s10 =	simm.s32 $0x0  }
0x1a2: {  	[tilespmem:s13], [sflag:$0x1] =	stream.indirect_vreg.gather [hbm4b:s3+s10], $0x80, v4, vm0, $0xb8;
	[tilespmem:$0x1C000] =	vst v63  }
0x1a3: {  	s7 =	simm.s32 $0x8800  }
0x1a4: {  	[tilespmem:s7], [sflag:$0x1] =	stream.indirect_vreg.gather [hbm4b:s3+s10], $0x80, v3, vm0, $0xb8;
	[tilespmem:$0x1C000] =	vst v63  }
0x1a5: {  	v3 =	vld [tilespmem:$0x3E10];
	_ =	sdelay $0x4  }
0x1a6: {  	v4 =	vshll.u32 v3, $0x1  }
0x1a7: {  	v3 =	vand.u32 $0x7, v3;
	v4 =	vand.u32 $0xFFFFFFF0, v4  }
0x1a8: {  	v3 =	vor.u32 v3, v4  }
0x1a9: {  	v4 =	vperm.xlane v3, v0;
	_ =	sdelay $0x1  }
0x1aa: {  	v3 =	vperm.xlane v3, v2;
	v4 =	vadd.s32 v1, v4;
	_ =	sdelay $0x1  }
0x1ab: {  	v3 =	vadd.s32 v1, v3;
	_ =	sdelay $0x1  }
0x1ac: {  	s17 =	simm.s32 $0x9000  }
0x1ad: {  	[tilespmem:s17], [sflag:$0x1] =	stream.indirect_vreg.gather [hbm4b:s3+s10], $0x80, v4, vm0, $0xb8;
	[tilespmem:$0x1C000] =	vst v63  }
0x1ae: {  	s18 =	simm.s32 $0x9800  }
0x1af: {  	[tilespmem:s18], [sflag:$0x1] =	stream.indirect_vreg.gather [hbm4b:s3+s10], $0x80, v3, vm0, $0xb8;
	[tilespmem:$0x1C000] =	vst v63  }
0x1b0: {  	v3 =	vld [tilespmem:$0x3E20];
	_ =	sdelay $0x4  }
0x1b1: {  	v4 =	vshll.u32 v3, $0x1  }
0x1b2: {  	v3 =	vand.u32 $0x7, v3;
	v4 =	vand.u32 $0xFFFFFFF0, v4  }
0x1b3: {  	v3 =	vor.u32 v3, v4  }
0x1b4: {  	v4 =	vperm.xlane v3, v0;
	_ =	sdelay $0x1  }
0x1b5: {  	v3 =	vperm.xlane v3, v2;
	v4 =	vadd.s32 v1, v4;
	_ =	sdelay $0x1  }
0x1b6: {  	v3 =	vadd.s32 v1, v3;
	_ =	sdelay $0x1  }
0x1b7: {  	s20 =	simm.s32 $0xA000  }
0x1b8: {  	[tilespmem:s20], [sflag:$0x1] =	stream.indirect_vreg.gather [hbm4b:s3+s10], $0x80, v4, vm0, $0xb8;
	[tilespmem:$0x1C000] =	vst v63  }
0x1b9: {  	s11 =	simm.s32 $0xA800  }
0x1ba: {  	[tilespmem:s11], [sflag:$0x1] =	stream.indirect_vreg.gather [hbm4b:s3+s10], $0x80, v3, vm0, $0xb8;
	[tilespmem:$0x1C000] =	vst v63  }
0x1bb: {  	v3 =	vld [tilespmem:$0x3E30];
	_ =	sdelay $0x4  }
0x1bc: {  	v4 =	vshll.u32 v3, $0x1  }
0x1bd: {  	v3 =	vand.u32 $0x7, v3;
	v4 =	vand.u32 $0xFFFFFFF0, v4  }
0x1be: {  	v3 =	vor.u32 v3, v4  }
0x1bf: {  	v4 =	vperm.xlane v3, v0;
	_ =	sdelay $0x1  }
0x1c0: {  	v3 =	vperm.xlane v3, v2;
	v4 =	vadd.s32 v1, v4;
	_ =	sdelay $0x1  }
0x1c1: {  	v3 =	vadd.s32 v1, v3;
	_ =	sdelay $0x1  }
0x1c2: {  	s17 =	simm.s32 $0xB000  }
0x1c3: {  	[tilespmem:s17], [sflag:$0x1] =	stream.indirect_vreg.gather [hbm4b:s3+s10], $0x80, v4, vm0, $0xb8;
	[tilespmem:$0x1C000] =	vst v63  }
0x1c4: {  	s18 =	simm.s32 $0xB800  }
0x1c5: {  	[tilespmem:s18], [sflag:$0x1] =	stream.indirect_vreg.gather [hbm4b:s3+s10], $0x80, v3, vm0, $0xb8;
	[tilespmem:$0x1C000] =	vst v63  }
0x1c6: {  	v3 =	vld [tilespmem:$0x3E40];
	_ =	sdelay $0x4  }
0x1c7: {  	v4 =	vshll.u32 v3, $0x1  }
0x1c8: {  	v3 =	vand.u32 $0x7, v3;
	v4 =	vand.u32 $0xFFFFFFF0, v4  }
0x1c9: {  	v3 =	vor.u32 v3, v4  }
0x1ca: {  	v4 =	vperm.xlane v3, v0;
	_ =	sdelay $0x1  }
0x1cb: {  	v3 =	vperm.xlane v3, v2;
	v4 =	vadd.s32 v1, v4;
	_ =	sdelay $0x1  }
0x1cc: {  	v3 =	vadd.s32 v1, v3;
	_ =	sdelay $0x2  }
0x1cd: {  	[tilespmem:s21], [sflag:$0x1] =	stream.indirect_vreg.gather [hbm4b:s3+s10], $0x80, v4, vm0, $0xb8;
	[tilespmem:$0x1C000] =	vst v63  }
0x1ce: {  	_ = 	snop  }
0x1cf: {  	[tilespmem:s22], [sflag:$0x1] =	stream.indirect_vreg.gather [hbm4b:s3+s10], $0x80, v3, vm0, $0xb8;
	[tilespmem:$0x1C000] =	vst v63  }
0x1d0: {  	v3 =	vld [tilespmem:$0x7E00];
	_ =	sdelay $0x4  }
0x1d1: {  	v4 =	vshll.u32 v3, $0x1  }
0x1d2: {  	v3 =	vand.u32 $0x7, v3;
	v4 =	vand.u32 $0xFFFFFFF0, v4  }
0x1d3: {  	v3 =	vor.u32 v3, v4  }
0x1d4: {  	v4 =	vperm.xlane v3, v0;
	_ =	sdelay $0x1  }
0x1d5: {  	v3 =	vperm.xlane v3, v2;
	v4 =	vadd.s32 v1, v4;
	_ =	sdelay $0x1  }
0x1d6: {  	v3 =	vadd.s32 v1, v3;
	_ =	sdelay $0x2  }
0x1d7: {  	[tilespmem:s23], [sflag:$0x1] =	stream.indirect_vreg.gather [hbm4b:s4+s10], $0x80, v4, vm0, $0xb8;
	[tilespmem:$0x1C000] =	vst v63  }
0x1d8: {  	_ = 	snop  }
0x1d9: {  	[tilespmem:s24], [sflag:$0x1] =	stream.indirect_vreg.gather [hbm4b:s4+s10], $0x80, v3, vm0, $0xb8;
	[tilespmem:$0x1C000] =	vst v63  }
0x1da: {  	v3 =	vld [tilespmem:$0x7E10];
	_ =	sdelay $0x4  }
0x1db: {  	v4 =	vshll.u32 v3, $0x1  }
0x1dc: {  	v3 =	vand.u32 $0x7, v3;
	v4 =	vand.u32 $0xFFFFFFF0, v4  }
0x1dd: {  	v3 =	vor.u32 v3, v4  }
0x1de: {  	v4 =	vperm.xlane v3, v0;
	_ =	sdelay $0x1  }
0x1df: {  	v3 =	vperm.xlane v3, v2;
	v4 =	vadd.s32 v1, v4;
	_ =	sdelay $0x1  }
0x1e0: {  	v3 =	vadd.s32 v1, v3;
	_ =	sdelay $0x2  }
0x1e1: {  	[tilespmem:s25], [sflag:$0x1] =	stream.indirect_vreg.gather [hbm4b:s4+s10], $0x80, v4, vm0, $0xb8;
	[tilespmem:$0x1C000] =	vst v63  }
0x1e2: {  	_ = 	snop  }
0x1e3: {  	[tilespmem:s26], [sflag:$0x1] =	stream.indirect_vreg.gather [hbm4b:s4+s10], $0x80, v3, vm0, $0xb8;
	[tilespmem:$0x1C000] =	vst v63  }
0x1e4: {  	v3 =	vld [tilespmem:$0x7E20];
	_ =	sdelay $0x4  }
0x1e5: {  	v4 =	vshll.u32 v3, $0x1  }
0x1e6: {  	v3 =	vand.u32 $0x7, v3;
	v4 =	vand.u32 $0xFFFFFFF0, v4  }
0x1e7: {  	v3 =	vor.u32 v3, v4  }
0x1e8: {  	v4 =	vperm.xlane v3, v0;
	_ =	sdelay $0x1  }
0x1e9: {  	v3 =	vperm.xlane v3, v2;
	v4 =	vadd.s32 v1, v4;
	_ =	sdelay $0x1  }
0x1ea: {  	v3 =	vadd.s32 v1, v3;
	_ =	sdelay $0x2  }
0x1eb: {  	[tilespmem:s28], [sflag:$0x1] =	stream.indirect_vreg.gather [hbm4b:s4+s10], $0x80, v4, vm0, $0xb8;
	[tilespmem:$0x1C000] =	vst v63  }
0x1ec: {  	_ = 	snop  }
0x1ed: {  	[tilespmem:s29], [sflag:$0x1] =	stream.indirect_vreg.gather [hbm4b:s4+s10], $0x80, v3, vm0, $0xb8;
	[tilespmem:$0x1C000] =	vst v63  }
0x1ee: {  	v3 =	vld [tilespmem:$0x7E30];
	_ =	sdelay $0x4  }
0x1ef: {  	v4 =	vshll.u32 v3, $0x1  }
0x1f0: {  	v3 =	vand.u32 $0x7, v3;
	v4 =	vand.u32 $0xFFFFFFF0, v4  }
0x1f1: {  	v3 =	vor.u32 v3, v4  }
0x1f2: {  	v4 =	vperm.xlane v3, v0;
	_ =	sdelay $0x1  }
0x1f3: {  	v3 =	vperm.xlane v3, v2;
	v4 =	vadd.s32 v1, v4;
	_ =	sdelay $0x1  }
0x1f4: {  	v3 =	vadd.s32 v1, v3;
	_ =	sdelay $0x2  }
0x1f5: {  	[tilespmem:s30], [sflag:$0x1] =	stream.indirect_vreg.gather [hbm4b:s4+s10], $0x80, v4, vm0, $0xb8;
	[tilespmem:$0x1C000] =	vst v63  }
0x1f6: {  	_ = 	snop  }
0x1f7: {  	[tilespmem:s31], [sflag:$0x1] =	stream.indirect_vreg.gather [hbm4b:s4+s10], $0x80, v3, vm0, $0xb8;
	[tilespmem:$0x1C000] =	vst v63  }
0x1f8: {  	v3 =	vld [tilespmem:$0x7E40];
	_ =	sdelay $0x4  }
0x1f9: {  	v4 =	vshll.u32 v3, $0x1  }
0x1fa: {  	v3 =	vand.u32 $0x7, v3;
	v4 =	vand.u32 $0xFFFFFFF0, v4  }
0x1fb: {  	v3 =	vor.u32 v3, v4  }
0x1fc: {  	v4 =	vperm.xlane v3, v0;
	_ =	sdelay $0x1  }
0x1fd: {  	v3 =	vperm.xlane v3, v2;
	v4 =	vadd.s32 v1, v4;
	_ =	sdelay $0x1  }
0x1fe: {  	v3 =	vadd.s32 v1, v3;
	_ =	sdelay $0x2  }
0x1ff: {  	[tilespmem:s0], [sflag:$0x1] =	stream.indirect_vreg.gather [hbm4b:s4+s10], $0x80, v4, vm0, $0xb8;
	[tilespmem:$0x1C000] =	vst v63  }
0x200: {  	_ = 	snop  }
0x201: {  	[tilespmem:s1], [sflag:$0x1] =	stream.indirect_vreg.gather [hbm4b:s4+s10], $0x80, v3, vm0, $0xb8;
	[tilespmem:$0x1C000] =	vst v63  }
0x202: {  	_ =	swait.ge [sflag:s9], $0x5000  }
0x203: {  	[sflag:s9] =	ssyncset.done $0x0  }
0x204: {  	[sflag:s9] =	ssyncadd.s32 $0xFFFFB000  }
0x205: {  	_ =	swait.ge [sflag:s9], $0x5000  }
0x206: {  	s20 =	sand.u32 $0x7800, s10;
	s10 =	sand.u32 $0x380, s10;
	[sflag:s9] =	ssyncset.done $0x0  }
0x207: {  	s10 =	sor.u32 s10, s20;
	[sflag:s9] =	ssyncadd.s32 $0xFFFFB000  }
0x208: {  	v10 =	vld [tilespmem:s10+$0x12000]  }
0x209: {  	v11 =	vld [tilespmem:s10+$0x12010]  }
0x20a: {  	v12 =	vld [tilespmem:s10+$0x12020]  }
0x20b: {  	v13 =	vld [tilespmem:s10+$0x12030]  }
0x20c: {  	v14 =	vld [tilespmem:s10+$0x12040]  }
0x20d: {  	v15 =	vld [tilespmem:s10+$0x12050]  }
0x20e: {  	v16 =	vld [tilespmem:s10+$0x12060]  }
0x20f: {  	v17 =	vld [tilespmem:s10+$0x12070]  }
0x210: {  	v18 =	vld [tilespmem:s10+$0x12400]  }
0x211: {  	v9 =	vld [tilespmem:s10+$0x12410]  }
0x212: {  	v8 =	vld [tilespmem:s10+$0x12420]  }
0x213: {  	v7 =	vld [tilespmem:s10+$0x12430]  }
0x214: {  	v6 =	vld [tilespmem:s10+$0x12440]  }
0x215: {  	v5 =	vld [tilespmem:s10+$0x12450]  }
0x216: {  	v4 =	vld [tilespmem:s10+$0x12460]  }
0x217: {  	v3 =	vld [tilespmem:s10+$0x12470]  }
0x218: {  	v19 =	vld [tilespmem:s10+$0x8000]  }
0x219: {  	v20 =	vld [tilespmem:s10+$0x8010]  }
0x21a: {  	v21 =	vld [tilespmem:s10+$0x8020]  }
0x21b: {  	v22 =	vld [tilespmem:s10+$0x8030]  }
0x21c: {  	v23 =	vld [tilespmem:s10+$0x8040]  }
0x21d: {  	v10 =	vadd.f32 v10, v19;
	v19 =	vld [tilespmem:s10+$0x8050]  }
0x21e: {  	v61 =	vld [tilespmem:s10+$0x8060];
	v11 =	vadd.f32 v11, v20  }
0x21f: {  	v62 =	vld [tilespmem:s10+$0x8070];
	[tilespmem:s10+$0x8000] =	vst v10;
	v10 =	vadd.f32 v12, v21  }
0x220: {  	v63 =	vld [tilespmem:s10+$0x8400];
	[tilespmem:s10+$0x8010] =	vst v11;
	v11 =	vadd.f32 v13, v22  }
0x221: {  	v13 =	vld [tilespmem:s10+$0x8410];
	[tilespmem:s10+$0x8020] =	vst v10;
	v10 =	vadd.f32 v14, v23  }
0x222: {  	v12 =	vld [tilespmem:s10+$0x8420];
	[tilespmem:s10+$0x8030] =	vst v11;
	v11 =	vadd.f32 v15, v19  }
0x223: {  	v14 =	vadd.f32 v16, v61;
	[tilespmem:s10+$0x8040] =	vst v10;
	v10 =	vld [tilespmem:s10+$0x8430]  }
0x224: {  	v16 =	vadd.f32 v17, v62;
	[tilespmem:s10+$0x8050] =	vst v11;
	v11 =	vld [tilespmem:s10+$0x8440]  }
0x225: {  	s11 =	simm.s32 $0x80;
	s17 =	simm.s32 $0x100;
	v15 =	vadd.f32 v18, v63;
	[tilespmem:s10+$0x8060] =	vst v14;
	v14 =	vld [tilespmem:s10+$0x8450]  }
.LBB2_8:
0x226: {  	s7 =	sand.u32 $0x7800, s17;
	s18 =	sand.u32 $0x380, s11;
	p0 =	sne.s32 s17, $0x4F00;
	[tilespmem:s10+$0x8070] =	vst v16;
	v9 =	vadd.f32 v9, v13;
	v13 =	vld [tilespmem:s10+$0x8460]  }
0x227: {  	s7 =	sor.u32 s18, s7;
	[tilespmem:s10+$0x8400] =	vst v15;
	v8 =	vadd.f32 v8, v12;
	v12 =	vld [tilespmem:s10+$0x8470]  }
0x228: {  	v15 =	vld [tilespmem:s7+$0x12000];
	[tilespmem:s10+$0x8410] =	vst v9;
	v7 =	vadd.f32 v7, v10  }
0x229: {  	v10 =	vld [tilespmem:s7+$0x12010];
	[tilespmem:s10+$0x8420] =	vst v8;
	v6 =	vadd.f32 v6, v11  }
0x22a: {  	v11 =	vld [tilespmem:s7+$0x12020];
	[tilespmem:s10+$0x8430] =	vst v7;
	v5 =	vadd.f32 v5, v14  }
0x22b: {  	v14 =	vld [tilespmem:s7+$0x12030];
	[tilespmem:s10+$0x8440] =	vst v6;
	v4 =	vadd.f32 v4, v13  }
0x22c: {  	v13 =	vld [tilespmem:s7+$0x12040];
	[tilespmem:s10+$0x8450] =	vst v5;
	v3 =	vadd.f32 v3, v12  }
0x22d: {  	v12 =	vld [tilespmem:s7+$0x12050];
	[tilespmem:s10+$0x8460] =	vst v4  }
0x22e: {  	v16 =	vld [tilespmem:s7+$0x12060];
	[tilespmem:s10+$0x8470] =	vst v3;
	s10 =	smov.u32 s7  }
0x22f: {  	v17 =	vld [tilespmem:s10+$0x12070]  }
0x230: {  	v18 =	vld [tilespmem:s10+$0x12400]  }
0x231: {  	v9 =	vld [tilespmem:s10+$0x12410]  }
0x232: {  	v8 =	vld [tilespmem:s10+$0x12420]  }
0x233: {  	v7 =	vld [tilespmem:s10+$0x12430]  }
0x234: {  	v6 =	vld [tilespmem:s10+$0x12440]  }
0x235: {  	v5 =	vld [tilespmem:s10+$0x12450]  }
0x236: {  	v4 =	vld [tilespmem:s10+$0x12460]  }
0x237: {  	v3 =	vld [tilespmem:s10+$0x12470]  }
0x238: {  	v19 =	vld [tilespmem:s10+$0x8000]  }
0x239: {  	v20 =	vld [tilespmem:s10+$0x8010]  }
0x23a: {  	v21 =	vld [tilespmem:s10+$0x8020]  }
0x23b: {  	v22 =	vld [tilespmem:s10+$0x8030]  }
0x23c: {  	v23 =	vld [tilespmem:s10+$0x8040]  }
0x23d: {  	v15 =	vadd.f32 v15, v19;
	v19 =	vld [tilespmem:s10+$0x8050]  }
0x23e: {  	v10 =	vadd.f32 v10, v20;
	v20 =	vld [tilespmem:s10+$0x8060]  }
0x23f: {  	[tilespmem:s10+$0x8000] =	vst v15;
	v11 =	vadd.f32 v11, v21;
	v15 =	vld [tilespmem:s10+$0x8070]  }
0x240: {  	[tilespmem:s10+$0x8010] =	vst v10;
	v10 =	vadd.f32 v14, v22;
	v14 =	vld [tilespmem:s10+$0x8400]  }
.Ltmp3:
0x241: {  	[tilespmem:s10+$0x8020] =	vst v11;
	v11 =	vadd.f32 v13, v23;
	v13 =	vld [tilespmem:s10+$0x8410];
	(pc) =	sbr.rel @p0 .LBB2_8-.Ltmp3, $4  }
0x242: {  	[tilespmem:s10+$0x8030] =	vst v10;
	v19 =	vadd.f32 v12, v19;
	v12 =	vld [tilespmem:s10+$0x8420]  }
0x243: {  	[tilespmem:s10+$0x8040] =	vst v11;
	v20 =	vadd.f32 v16, v20;
	v10 =	vld [tilespmem:s10+$0x8430]  }
0x244: {  	[tilespmem:s10+$0x8050] =	vst v19;
	v16 =	vadd.f32 v17, v15;
	v11 =	vld [tilespmem:s10+$0x8440]  }
0x245: {  	s11 =	sadd.s32 $0x80, s11;
	s17 =	sadd.s32 $0x100, s17;
	[tilespmem:s10+$0x8060] =	vst v20;
	v15 =	vadd.f32 v18, v14;
	v14 =	vld [tilespmem:s10+$0x8450]  }
0x246: {  	[tilespmem:s10+$0x8070] =	vst v16;
	v9 =	vadd.f32 v9, v13;
	v62 =	vld [tilespmem:s10+$0x8460]  }
0x247: {  	v63 =	vld [tilespmem:s10+$0x8470];
	[tilespmem:s10+$0x8400] =	vst v15;
	v8 =	vadd.f32 v8, v12  }
0x248: {  	[tilespmem:s10+$0x8410] =	vst v9;
	v7 =	vadd.f32 v7, v10  }
0x249: {  	[tilespmem:s10+$0x8420] =	vst v8;
	v6 =	vadd.f32 v6, v11  }
0x24a: {  	[tilespmem:s10+$0x8430] =	vst v7;
	v5 =	vadd.f32 v5, v14  }
0x24b: {  	[tilespmem:s10+$0x8440] =	vst v6;
	v4 =	vadd.f32 v4, v62  }
0x24c: {  	v3 =	vadd.f32 v3, v63;
	[tilespmem:s10+$0x8450] =	vst v5  }
0x24d: {  	[tilespmem:s10+$0x8460] =	vst v4  }
0x24e: {  	s7 =	rddreg [dreg:$0x4];
	s17 =	simm.s32 $0x4;
	[tilespmem:s10+$0x8470] =	vst v3  }
0x24f: {  	[hbm4b:s7+s2] =	stream.linear.scatter [tilespmem:s13], [sflag:$0x3], $0x5000, $0x38;
	[tilespmem:$0x1C000] =	vst v63  }
0x250: {  	_ =	swait.ge [sflag:s17], $0x5000  }
0x251: {  	[sflag:s17] =	ssyncset.done $0x0  }
0x252: {  	[sflag:s17] =	ssyncadd.s32 $0xFFFFB000  }
0x253: {  	_ =	swait.ge [sflag:s19], $0x5000  }
0x254: {  	s18 =	rddreg [dreg:$0x6]  }
0x255: {  	s20 =	rddreg [dreg:$0x5];
	s10 =	sadd.s32 $0x1, s18  }
0x256: {  	p0 =	sne.s32 s10, s20  }
.Ltmp4:
0x257: {  	_ = 	snop;
	(pc) =	sbr.rel @p0 .LBB2_1-.Ltmp4, $3  }
0x258: {  	_ =	sdelay $0x1  }
0x259: {  	[sflag:s19] =	ssyncset.done $0x0  }
0x25a: {  	[sflag:s19] =	ssyncadd.s32 $0xFFFFB000  }
0x25b: {  	_ =	sfence.sel $0x180000  }
0x25c: {  	[bflag:$0x0] =	sbarrier.arrive $0xFFFF  }
0x25d: {  	_ =	strace $0x90000047  }
0x25e: {  	s0 =	stileid.u32;
	[bflag:$0x2] =	sbarrier.arrive $0xFFFF  }
0x25f: {  	p0 =	sne.s32 s0, $0x0;
	s0 =	rddreg [dreg:$0x1]  }
0x260: {  	s0 =	sadd.s32 @!p0 $0x100000, s0  }
0x261: {  	[sflag:s0] =	ssyncadd.tile.s32 @!p0 $0x1;
	_ =	shalt  }
.Lfunc_end2:
_tile_overlayer_lowered:
.L_overlay_start_2:
0x262: {  	(tag) =	ssettag $0x2  }
0x263: {  	s0 =	rddreg [dreg:$0x0];
	s2 =	stileid.u32  }
0x264: {  	s1 =	rddreg [dreg:$0x1];
	p0 =	sne.s32 s2, $0x0  }
0x265: {  	s3 =	rddreg [dreg:$0x2];
	[bflag:$0x3] =	sbarrier.arrive $0xFFFF;
	s2 =	simm.s32 @!p0 $0x1C05  }
0x266: {  	[timem:s3], [sflag:s2] =	dma.local @!p0 [hbm:s0], s1  }
0x267: {  	s0 =	simm.s32 @!p0 $0x5  }
0x268: {  	_ =	swait.ge @!p0 [sflag:s0], s1  }
0x269: {  	s1 =	ssub.s32 @!p0 $0x0, s1;
	[sflag:s0] =	ssyncset.done @!p0 $0x0  }
0x26a: {  	[sflag:s0] =	ssyncadd.s32 @!p0 s1  }
0x26b: {  	[bflag:$0x3] =	sbarrier.arrive $0xFFFF  }
0x26c: {  	_ =	shalt  }

</sc_bundles>
